<compile_context>
chip_gen: v7x
topology: tpu7x:2x2x1
jax: 0.10.2.dev20260603
libtpu: 0.0.44.dev20260713+nightly
codegen_flags: <defaults>
</compile_context>

<pallas_src>
import functools

import jax
import jax.numpy as jnp
from jax import lax
from jax.experimental import pallas as pl
from jax.experimental.pallas import tpu as pltpu
from jax.experimental.pallas import tpu_sc as plsc

N = 100000
NODE_DIM = 128
B = 256
NW = 32
TILE = 128
ACC_ROWS = B + 8
SPLIT = 448
SC_Q, SC_R = divmod(SPLIT, NW)
MAX_TPW = SC_Q + (1 if SC_R else 0)
TC_R0 = SPLIT * TILE
CHUNK = 4096
TC_STEPS = -(-(N - TC_R0) // CHUNK)
BPC = 16 * (-(-(N // TILE + 1) // (16 * TC_STEPS)))
BP_ROWS = BPC * TC_STEPS


def _sc_segment_sum(x, bp):
    mesh = plsc.VectorSubcoreMesh(core_axis_name="c", subcore_axis_name="s")

    @functools.partial(
        pl.kernel,
        out_type=jax.ShapeDtypeStruct((2, B, NODE_DIM), jnp.float32),
        mesh=mesh,
        scratch_types=[
            pltpu.VMEM((24, TILE), jnp.int32),
            pltpu.VMEM((2, TILE, NODE_DIM), jnp.float32),
            pltpu.VMEM((16, NODE_DIM), jnp.float32),
            pltpu.VMEM_SHARED((ACC_ROWS, NODE_DIM), jnp.float32),
            pltpu.SemaphoreType.DMA,
            pltpu.SemaphoreType.DMA,
        ],
    )
    def k(x_hbm, bp_hbm, sums_out, idx_v, buf, zrow_v, sums_sh, sem0, sem1):
        c = lax.axis_index("c")
        s = lax.axis_index("s")
        wid = c * 16 + s

        zero16 = jnp.zeros((16,), jnp.float32)
        for i in range(16):
            for j in range(NODE_DIM // 16):
                zrow_v[i, pl.ds(j * 16, 16)] = zero16

        pltpu.sync_copy(zrow_v, sums_sh.at[pl.ds(s * 16, 16)])

        @pl.when(s == 0)
        def _():
            pltpu.sync_copy(zrow_v.at[pl.ds(0, 8)], sums_sh.at[pl.ds(B, 8)])

        start = SC_Q * wid + jnp.minimum(wid, SC_R)
        nt = jnp.where(wid < SC_R, SC_Q + 1, SC_Q)
        astart = (start // 8) * 8
        off = start - astart

        pltpu.sync_copy(bp_hbm.at[pl.ds(astart, 24)], idx_v)
        plsc.subcore_barrier()

        sems = (sem0, sem1)

        def issue(i, slot, sem):
            pltpu.async_copy(x_hbm.at[pl.ds((start + i) * TILE, TILE)],
                             buf.at[slot], sem)

        def wait(slot, sem):
            pltpu.make_async_copy(x_hbm.at[pl.ds(0, TILE)],
                                  buf.at[slot], sem).wait()

        @pl.when(nt > 0)
        def _():
            issue(0, 0, sems[0])

        for i in range(MAX_TPW):
            if i + 1 < MAX_TPW:
                @pl.when(i + 1 < nt)
                def _(i=i):
                    issue(i + 1, (i + 1) % 2, sems[(i + 1) % 2])

            @pl.when(i < nt)
            def _(i=i):
                wait(i % 2, sems[i % 2])
                pltpu.sync_copy(buf.at[i % 2], sums_sh.at[idx_v.at[off + i]],
                                add=True)

        plsc.subcore_barrier()

        @pl.when(s == 0)
        def _():
            pltpu.sync_copy(sums_sh.at[pl.ds(0, B)], sums_out.at[c])

    return k(x, bp)


def _tc_segsum_body(x_ref, batch_ref, bp_ref, out_ref, cnt_ref):
    i = pl.program_id(0)
    ids = jax.lax.broadcasted_iota(jnp.int32, (B, CHUNK), 0).astype(jnp.bfloat16)
    bvals = batch_ref[...].reshape(1, CHUNK).astype(jnp.bfloat16)
    eq = ids == bvals
    remaining = (N - TC_R0) - i * CHUNK
    cols = jax.lax.broadcasted_iota(jnp.int32, (B, CHUNK), 1)
    eq = eq & (cols < remaining)
    eb = eq.astype(jnp.bfloat16)
    xb = x_ref[...].astype(jnp.bfloat16)
    if (N - TC_R0) % CHUNK != 0:
        rows = jax.lax.broadcasted_iota(jnp.int32, (CHUNK, NODE_DIM), 0)
        xb = jnp.where(rows < (N - TC_R0) - i * CHUNK, xb, jnp.bfloat16(0))
    part = jnp.dot(eb, xb, preferred_element_type=jnp.float32)

    iota16 = jax.lax.broadcasted_iota(jnp.int32, (16, 16 * TILE), 0).astype(jnp.bfloat16)
    c16 = jnp.zeros((16, 16), jnp.float32)
    for k in range(BPC // 16):
        blk = bp_ref[pl.ds(k * 16, 16), :]
        flat = blk.reshape(1, 16 * TILE)
        hi = (flat >> 4).astype(jnp.bfloat16)
        lo = (flat & 15).astype(jnp.bfloat16)
        eh = (iota16 == hi).astype(jnp.bfloat16)
        el = (iota16 == lo).astype(jnp.bfloat16)
        c16 = c16 + jax.lax.dot_general(
            eh, el, (((1,), (1,)), ((), ())),
            preferred_element_type=jnp.float32)

    @pl.when(i == 0)
    def _():
        out_ref[...] = jnp.zeros_like(out_ref)
        cnt_ref[...] = jnp.zeros_like(cnt_ref)

    out_ref[...] += part
    cnt_ref[...] += c16


def _tc_finish_body(sums_ref, tc_ref, cnt_ref, u_ref, W1_ref, b1_ref,
                    gamma_ref, beta_ref, W2_ref, b2_ref, out_ref):
    sums = sums_ref[0] + sums_ref[1] + tc_ref[...]
    c16 = cnt_ref[...]
    bi = jax.lax.broadcasted_iota(jnp.int32, (B, 16), 0)
    ki = jax.lax.broadcasted_iota(jnp.int32, (B, 16), 1)
    hsel = ((bi >> 4) == ki).astype(jnp.float32)
    lsel = ((bi & 15) == ki).astype(jnp.float32)
    tmp = jnp.dot(hsel, c16, preferred_element_type=jnp.float32)
    cnt = jnp.sum(tmp * lsel, axis=1, keepdims=True)
    mean = sums / jnp.clip(cnt, 1.0, None)
    cat = jnp.concatenate([u_ref[...], mean], axis=1)
    h = jnp.dot(cat, W1_ref[...], preferred_element_type=jnp.float32)
    h = h + b1_ref[...][None, :]
    mu = jnp.mean(h, axis=-1, keepdims=True)
    var = jnp.mean((h - mu) ** 2, axis=-1, keepdims=True)
    h = (h - mu) / jnp.sqrt(var + 1e-5) * gamma_ref[...][None, :]
    h = h + beta_ref[...][None, :]
    h = jnp.maximum(h, 0.0)
    y = jnp.dot(h, W2_ref[...], preferred_element_type=jnp.float32)
    out_ref[...] = y + b2_ref[...][None, :]


def kernel(x, edge_index, edge_attr, u, batch, W1, b1, gamma, beta, W2, b2):
    del edge_index, edge_attr
    bp = jnp.pad(batch, (0, BP_ROWS * TILE - N),
                 constant_values=B).reshape(BP_ROWS, TILE)
    tc_part, cnt = pl.pallas_call(
        _tc_segsum_body,
        grid=(TC_STEPS,),
        in_specs=[
            pl.BlockSpec((CHUNK, NODE_DIM), lambda i: (TC_R0 // CHUNK + i, 0)),
            pl.BlockSpec((CHUNK,), lambda i: (TC_R0 // CHUNK + i,)),
            pl.BlockSpec((BPC, TILE), lambda i: (i, 0)),
        ],
        out_specs=[
            pl.BlockSpec((B, NODE_DIM), lambda i: (0, 0)),
            pl.BlockSpec((16, 16), lambda i: (0, 0)),
        ],
        out_shape=[
            jax.ShapeDtypeStruct((B, NODE_DIM), jnp.float32),
            jax.ShapeDtypeStruct((16, 16), jnp.float32),
        ],
    )(x, batch, bp)
    sums2 = _sc_segment_sum(x, bp)
    out = pl.pallas_call(
        _tc_finish_body,
        out_shape=jax.ShapeDtypeStruct((B, W2.shape[1]), jnp.float32),
    )(sums2, tc_part, cnt, u, W1, b1, gamma, beta, W2, b2)
    return out

# --- scband reference (transcript-rebuilt; emitter-appended) ---
"""Pipeline reference for scband-global-model-13615046328671 (READ-ONLY COPY).

The authoritative reference and input builder live on the scoring server;
editing this copy changes nothing except your own understanding.
"""

import jax, jax.numpy as jnp
import numpy as np

N = 100000
E = 1600000
NODE_DIM = 128
G_IN = 64
B = 256
HIDDEN = 256
OUT = 128


def setup_inputs(seed: int = 0) -> dict:
    key = jax.random.key(seed)
    ks = jax.random.split(key, 12)
    x = jax.random.normal(ks[0], (N, NODE_DIM), dtype=jnp.float32)
    edge_index = jax.random.randint(ks[1], (2, E), 0, N, dtype=jnp.int32)
    edge_attr = jax.random.normal(ks[2], (E, 16), dtype=jnp.float32)
    u = jax.random.normal(ks[3], (B, G_IN), dtype=jnp.float32)
    batch = jnp.sort(jax.random.randint(ks[4], (N,), 0, B, dtype=jnp.int32))
    W1 = jax.random.normal(ks[5], (NODE_DIM + G_IN, HIDDEN), dtype=jnp.float32) * 0.05
    b1 = jnp.zeros((HIDDEN,), dtype=jnp.float32)
    gamma = jnp.ones((HIDDEN,), dtype=jnp.float32)
    beta = jnp.zeros((HIDDEN,), dtype=jnp.float32)
    W2 = jax.random.normal(ks[6], (HIDDEN, OUT), dtype=jnp.float32) * 0.05
    b2 = jnp.zeros((OUT,), dtype=jnp.float32)
    return {"x": x, "edge_index": edge_index, "edge_attr": edge_attr, "u": u,
            "batch": batch, "W1": W1, "b1": b1, "gamma": gamma, "beta": beta,
            "W2": W2, "b2": b2}


def _layer_norm(h, gamma, beta, eps=1e-5):
    mu = jnp.mean(h, axis=-1, keepdims=True)
    var = jnp.mean((h - mu) ** 2, axis=-1, keepdims=True)
    return (h - mu) / jnp.sqrt(var + eps) * gamma + beta


def reference(x, edge_index, edge_attr, u, batch, W1, b1, gamma, beta, W2, b2):
    # scatter_mean(x, batch, dim=0) -> per-graph mean of node features
    nb = u.shape[0]
    sums = jax.ops.segment_sum(x, batch, num_segments=nb)
    cnt = jax.ops.segment_sum(jnp.ones((x.shape[0], 1), x.dtype), batch, num_segments=nb)
    mean = sums / jnp.clip(cnt, 1.0, None)
    out = jnp.concatenate([u, mean], axis=1)
    # MLP: Linear -> LayerNorm -> ReLU -> (dropout=identity in eval) -> Linear
    h = out @ W1 + b1
    h = _layer_norm(h, gamma, beta)
    h = jax.nn.relu(h)
    y = h @ W2 + b2
    return y

if __name__ == "__main__":
    import jax
    _d = setup_inputs()
    print(jax.jit(kernel)(*tuple(_d.values())))

</pallas_src>

<mosaic_0001>
#map = affine_map<(d0, d1) -> (0, 0)>
#map1 = affine_map<(d0, d1) -> (0, 0, 0)>
module attributes {stable_mosaic.version = 14 : i64} {
  func.func @k(%arg0: i32, %arg1: i32, %arg2: memref<100000x128xf32, #tpu.memory_space<hbm>>, %arg3: memref<880x128xi32, #tpu.memory_space<hbm>>, %arg4: memref<2x256x128xf32, #tpu.memory_space<hbm>>, %arg5: memref<24x128xi32, #tpu.memory_space<vmem>>, %arg6: memref<2x128x128xf32, #tpu.memory_space<vmem>>, %arg7: memref<16x128xf32, #tpu.memory_space<vmem>>, %arg8: memref<264x128xf32, #tpu.memory_space<vmem_shared>>, %arg9: memref<!tpu.dma_semaphore, #tpu.memory_space<semaphore_mem>>, %arg10: memref<!tpu.dma_semaphore, #tpu.memory_space<semaphore_mem>>) attributes {dimension_semantics = [#tpu.dimension_semantics<core_parallel>, #tpu.dimension_semantics<subcore_parallel>], iteration_bounds = array<i64: 2, 16>, scalar_prefetch = 0 : i64, scratch_operands = 6 : i64, tpu.core_type = #tpu.core_type<sc_vector_subcore>, window_params = [{transform_indices = #map}, {transform_indices = #map}, {transform_indices = #map1}]} {
    %mul3A = arith.constant 16 : i32
    %mul3A_0 = arith.muli %arg0, %mul3A : i32
    %add3A = arith.addi %mul3A_0, %arg1 : i32
    %broadcast_in_dim3A = arith.constant 0.000000e+00 : f32
    %broadcast_in_dim3A_1 = vector.broadcast %broadcast_in_dim3A : f32 to vector<16xf32>
    %swap3A = arith.constant 0 : i32
    %swap3A_2 = arith.index_cast %swap3A : i32 to index
    %swap3A_3 = arith.constant 0 : index
    %swap3A_4 = tpu.vector_load %arg7[%swap3A_2, %swap3A_3] {strides = array<i32>} : memref<16x128xf32, #tpu.memory_space<vmem>>, vector<1x16xf32>,
    %swap3A_5 = vector.shape_cast %swap3A_4 : vector<1x16xf32> to vector<16xf32>
    %swap3A_6 = vector.shape_cast %broadcast_in_dim3A_1 : vector<16xf32> to vector<1x16xf32>
    tpu.vector_store %arg7[%swap3A_2, %swap3A_3], %swap3A_6 {strides = array<i32>} : memref<16x128xf32, #tpu.memory_space<vmem>>, vector<1x16xf32>,
    %swap3A_7 = arith.constant 0 : i32
    %swap3A_8 = arith.index_cast %swap3A_7 : i32 to index
    %swap3A_9 = arith.constant 16 : index
    %swap3A_10 = tpu.vector_load %arg7[%swap3A_8, %swap3A_9] {strides = array<i32>} : memref<16x128xf32, #tpu.memory_space<vmem>>, vector<1x16xf32>,
    %swap3A_11 = vector.shape_cast %swap3A_10 : vector<1x16xf32> to vector<16xf32>
    %swap3A_12 = vector.shape_cast %broadcast_in_dim3A_1 : vector<16xf32> to vector<1x16xf32>
    tpu.vector_store %arg7[%swap3A_8, %swap3A_9], %swap3A_12 {strides = array<i32>} : memref<16x128xf32, #tpu.memory_space<vmem>>, vector<1x16xf32>,
    %swap3A_13 = arith.constant 0 : i32
    %swap3A_14 = arith.index_cast %swap3A_13 : i32 to index
    %swap3A_15 = arith.constant 32 : index
    %swap3A_16 = tpu.vector_load %arg7[%swap3A_14, %swap3A_15] {strides = array<i32>} : memref<16x128xf32, #tpu.memory_space<vmem>>, vector<1x16xf32>,
    %swap3A_17 = vector.shape_cast %swap3A_16 : vector<1x16xf32> to vector<16xf32>
    %swap3A_18 = vector.shape_cast %broadcast_in_dim3A_1 : vector<16xf32> to vector<1x16xf32>
    tpu.vector_store %arg7[%swap3A_14, %swap3A_15], %swap3A_18 {strides = array<i32>} : memref<16x128xf32, #tpu.memory_space<vmem>>, vector<1x16xf32>,
    %swap3A_19 = arith.constant 0 : i32
    %swap3A_20 = arith.index_cast %swap3A_19 : i32 to index
    %swap3A_21 = arith.constant 48 : index
    %swap3A_22 = tpu.vector_load %arg7[%swap3A_20, %swap3A_21] {strides = array<i32>} : memref<16x128xf32, #tpu.memory_space<vmem>>, vector<1x16xf32>,
    %swap3A_23 = vector.shape_cast %swap3A_22 : vector<1x16xf32> to vector<16xf32>
    %swap3A_24 = vector.shape_cast %broadcast_in_dim3A_1 : vector<16xf32> to vector<1x16xf32>
    tpu.vector_store %arg7[%swap3A_20, %swap3A_21], %swap3A_24 {strides = array<i32>} : memref<16x128xf32, #tpu.memory_space<vmem>>, vector<1x16xf32>,
    %swap3A_25 = arith.constant 0 : i32
    %swap3A_26 = arith.index_cast %swap3A_25 : i32 to index
    %swap3A_27 = arith.constant 64 : index
    %swap3A_28 = tpu.vector_load %arg7[%swap3A_26, %swap3A_27] {strides = array<i32>} : memref<16x128xf32, #tpu.memory_space<vmem>>, vector<1x16xf32>,
    %swap3A_29 = vector.shape_cast %swap3A_28 : vector<1x16xf32> to vector<16xf32>
    %swap3A_30 = vector.shape_cast %broadcast_in_dim3A_1 : vector<16xf32> to vector<1x16xf32>
    tpu.vector_store %arg7[%swap3A_26, %swap3A_27], %swap3A_30 {strides = array<i32>} : memref<16x128xf32, #tpu.memory_space<vmem>>, vector<1x16xf32>,
    %swap3A_31 = arith.constant 0 : i32
    %swap3A_32 = arith.index_cast %swap3A_31 : i32 to index
    %swap3A_33 = arith.constant 80 : index
    %swap3A_34 = tpu.vector_load %arg7[%swap3A_32, %swap3A_33] {strides = array<i32>} : memref<16x128xf32, #tpu.memory_space<vmem>>, vector<1x16xf32>,
    %swap3A_35 = vector.shape_cast %swap3A_34 : vector<1x16xf32> to vector<16xf32>
    %swap3A_36 = vector.shape_cast %broadcast_in_dim3A_1 : vector<16xf32> to vector<1x16xf32>
    tpu.vector_store %arg7[%swap3A_32, %swap3A_33], %swap3A_36 {strides = array<i32>} : memref<16x128xf32, #tpu.memory_space<vmem>>, vector<1x16xf32>,
    %swap3A_37 = arith.constant 0 : i32
    %swap3A_38 = arith.index_cast %swap3A_37 : i32 to index
    %swap3A_39 = arith.constant 96 : index
    %swap3A_40 = tpu.vector_load %arg7[%swap3A_38, %swap3A_39] {strides = array<i32>} : memref<16x128xf32, #tpu.memory_space<vmem>>, vector<1x16xf32>,
    %swap3A_41 = vector.shape_cast %swap3A_40 : vector<1x16xf32> to vector<16xf32>
    %swap3A_42 = vector.shape_cast %broadcast_in_dim3A_1 : vector<16xf32> to vector<1x16xf32>
    tpu.vector_store %arg7[%swap3A_38, %swap3A_39], %swap3A_42 {strides = array<i32>} : memref<16x128xf32, #tpu.memory_space<vmem>>, vector<1x16xf32>,
    %swap3A_43 = arith.constant 0 : i32
    %swap3A_44 = arith.index_cast %swap3A_43 : i32 to index
    %swap3A_45 = arith.constant 112 : index
    %swap3A_46 = tpu.vector_load %arg7[%swap3A_44, %swap3A_45] {strides = array<i32>} : memref<16x128xf32, #tpu.memory_space<vmem>>, vector<1x16xf32>,
    %swap3A_47 = vector.shape_cast %swap3A_46 : vector<1x16xf32> to vector<16xf32>
    %swap3A_48 = vector.shape_cast %broadcast_in_dim3A_1 : vector<16xf32> to vector<1x16xf32>
    tpu.vector_store %arg7[%swap3A_44, %swap3A_45], %swap3A_48 {strides = array<i32>} : memref<16x128xf32, #tpu.memory_space<vmem>>, vector<1x16xf32>,
    %swap3A_49 = arith.constant 1 : i32
    %swap3A_50 = arith.index_cast %swap3A_49 : i32 to index
    %swap3A_51 = arith.constant 0 : index
    %swap3A_52 = tpu.vector_load %arg7[%swap3A_50, %swap3A_51] {strides = array<i32>} : memref<16x128xf32, #tpu.memory_space<vmem>>, vector<1x16xf32>,
    %swap3A_53 = vector.shape_cast %swap3A_52 : vector<1x16xf32> to vector<16xf32>
    %swap3A_54 = vector.shape_cast %broadcast_in_dim3A_1 : vector<16xf32> to vector<1x16xf32>
    tpu.vector_store %arg7[%swap3A_50, %swap3A_51], %swap3A_54 {strides = array<i32>} : memref<16x128xf32, #tpu.memory_space<vmem>>, vector<1x16xf32>,
    %swap3A_55 = arith.constant 1 : i32
    %swap3A_56 = arith.index_cast %swap3A_55 : i32 to index
    %swap3A_57 = arith.constant 16 : index
    %swap3A_58 = tpu.vector_load %arg7[%swap3A_56, %swap3A_57] {strides = array<i32>} : memref<16x128xf32, #tpu.memory_space<vmem>>, vector<1x16xf32>,
    %swap3A_59 = vector.shape_cast %swap3A_58 : vector<1x16xf32> to vector<16xf32>
    %swap3A_60 = vector.shape_cast %broadcast_in_dim3A_1 : vector<16xf32> to vector<1x16xf32>
    tpu.vector_store %arg7[%swap3A_56, %swap3A_57], %swap3A_60 {strides = array<i32>} : memref<16x128xf32, #tpu.memory_space<vmem>>, vector<1x16xf32>,
    %swap3A_61 = arith.constant 1 : i32
    %swap3A_62 = arith.index_cast %swap3A_61 : i32 to index
    %swap3A_63 = arith.constant 32 : index
    %swap3A_64 = tpu.vector_load %arg7[%swap3A_62, %swap3A_63] {strides = array<i32>} : memref<16x128xf32, #tpu.memory_space<vmem>>, vector<1x16xf32>,
    %swap3A_65 = vector.shape_cast %swap3A_64 : vector<1x16xf32> to vector<16xf32>
    %swap3A_66 = vector.shape_cast %broadcast_in_dim3A_1 : vector<16xf32> to vector<1x16xf32>
    tpu.vector_store %arg7[%swap3A_62, %swap3A_63], %swap3A_66 {strides = array<i32>} : memref<16x128xf32, #tpu.memory_space<vmem>>, vector<1x16xf32>,
    %swap3A_67 = arith.constant 1 : i32
    %swap3A_68 = arith.index_cast %swap3A_67 : i32 to index
    %swap3A_69 = arith.constant 48 : index
    %swap3A_70 = tpu.vector_load %arg7[%swap3A_68, %swap3A_69] {strides = array<i32>} : memref<16x128xf32, #tpu.memory_space<vmem>>, vector<1x16xf32>,
    %swap3A_71 = vector.shape_cast %swap3A_70 : vector<1x16xf32> to vector<16xf32>
    %swap3A_72 = vector.shape_cast %broadcast_in_dim3A_1 : vector<16xf32> to vector<1x16xf32>
    tpu.vector_store %arg7[%swap3A_68, %swap3A_69], %swap3A_72 {strides = array<i32>} : memref<16x128xf32, #tpu.memory_space<vmem>>, vector<1x16xf32>,
    %swap3A_73 = arith.constant 1 : i32
    %swap3A_74 = arith.index_cast %swap3A_73 : i32 to index
    %swap3A_75 = arith.constant 64 : index
    %swap3A_76 = tpu.vector_load %arg7[%swap3A_74, %swap3A_75] {strides = array<i32>} : memref<16x128xf32, #tpu.memory_space<vmem>>, vector<1x16xf32>,
    %swap3A_77 = vector.shape_cast %swap3A_76 : vector<1x16xf32> to vector<16xf32>
    %swap3A_78 = vector.shape_cast %broadcast_in_dim3A_1 : vector<16xf32> to vector<1x16xf32>
    tpu.vector_store %arg7[%swap3A_74, %swap3A_75], %swap3A_78 {strides = array<i32>} : memref<16x128xf32, #tpu.memory_space<vmem>>, vector<1x16xf32>,
    %swap3A_79 = arith.constant 1 : i32
    %swap3A_80 = arith.index_cast %swap3A_79 : i32 to index
    %swap3A_81 = arith.constant 80 : index
    %swap3A_82 = tpu.vector_load %arg7[%swap3A_80, %swap3A_81] {strides = array<i32>} : memref<16x128xf32, #tpu.memory_space<vmem>>, vector<1x16xf32>,
    %swap3A_83 = vector.shape_cast %swap3A_82 : vector<1x16xf32> to vector<16xf32>
    %swap3A_84 = vector.shape_cast %broadcast_in_dim3A_1 : vector<16xf32> to vector<1x16xf32>
    tpu.vector_store %arg7[%swap3A_80, %swap3A_81], %swap3A_84 {strides = array<i32>} : memref<16x128xf32, #tpu.memory_space<vmem>>, vector<1x16xf32>,
    %swap3A_85 = arith.constant 1 : i32
    %swap3A_86 = arith.index_cast %swap3A_85 : i32 to index
    %swap3A_87 = arith.constant 96 : index
    %swap3A_88 = tpu.vector_load %arg7[%swap3A_86, %swap3A_87] {strides = array<i32>} : memref<16x128xf32, #tpu.memory_space<vmem>>, vector<1x16xf32>,
    %swap3A_89 = vector.shape_cast %swap3A_88 : vector<1x16xf32> to vector<16xf32>
    %swap3A_90 = vector.shape_cast %broadcast_in_dim3A_1 : vector<16xf32> to vector<1x16xf32>
    tpu.vector_store %arg7[%swap3A_86, %swap3A_87], %swap3A_90 {strides = array<i32>} : memref<16x128xf32, #tpu.memory_space<vmem>>, vector<1x16xf32>,
    %swap3A_91 = arith.constant 1 : i32
    %swap3A_92 = arith.index_cast %swap3A_91 : i32 to index
    %swap3A_93 = arith.constant 112 : index
    %swap3A_94 = tpu.vector_load %arg7[%swap3A_92, %swap3A_93] {strides = array<i32>} : memref<16x128xf32, #tpu.memory_space<vmem>>, vector<1x16xf32>,
    %swap3A_95 = vector.shape_cast %swap3A_94 : vector<1x16xf32> to vector<16xf32>
    %swap3A_96 = vector.shape_cast %broadcast_in_dim3A_1 : vector<16xf32> to vector<1x16xf32>
    tpu.vector_store %arg7[%swap3A_92, %swap3A_93], %swap3A_96 {strides = array<i32>} : memref<16x128xf32, #tpu.memory_space<vmem>>, vector<1x16xf32>,
    %swap3A_97 = arith.constant 2 : i32
    %swap3A_98 = arith.index_cast %swap3A_97 : i32 to index
    %swap3A_99 = arith.constant 0 : index
    %swap3A_100 = tpu.vector_load %arg7[%swap3A_98, %swap3A_99] {strides = array<i32>} : memref<16x128xf32, #tpu.memory_space<vmem>>, vector<1x16xf32>,
    %swap3A_101 = vector.shape_cast %swap3A_100 : vector<1x16xf32> to vector<16xf32>
    %swap3A_102 = vector.shape_cast %broadcast_in_dim3A_1 : vector<16xf32> to vector<1x16xf32>
    tpu.vector_store %arg7[%swap3A_98, %swap3A_99], %swap3A_102 {strides = array<i32>} : memref<16x128xf32, #tpu.memory_space<vmem>>, vector<1x16xf32>,
    %swap3A_103 = arith.constant 2 : i32
    %swap3A_104 = arith.index_cast %swap3A_103 : i32 to index
    %swap3A_105 = arith.constant 16 : index
    %swap3A_106 = tpu.vector_load %arg7[%swap3A_104, %swap3A_105] {strides = array<i32>} : memref<16x128xf32, #tpu.memory_space<vmem>>, vector<1x16xf32>,
    %swap3A_107 = vector.shape_cast %swap3A_106 : vector<1x16xf32> to vector<16xf32>
    %swap3A_108 = vector.shape_cast %broadcast_in_dim3A_1 : vector<16xf32> to vector<1x16xf32>
    tpu.vector_store %arg7[%swap3A_104, %swap3A_105], %swap3A_108 {strides = array<i32>} : memref<16x128xf32, #tpu.memory_space<vmem>>, vector<1x16xf32>,
    %swap3A_109 = arith.constant 2 : i32
    %swap3A_110 = arith.index_cast %swap3A_109 : i32 to index
    %swap3A_111 = arith.constant 32 : index
    %swap3A_112 = tpu.vector_load %arg7[%swap3A_110, %swap3A_111] {strides = array<i32>} : memref<16x128xf32, #tpu.memory_space<vmem>>, vector<1x16xf32>,
    %swap3A_113 = vector.shape_cast %swap3A_112 : vector<1x16xf32> to vector<16xf32>
    %swap3A_114 = vector.shape_cast %broadcast_in_dim3A_1 : vector<16xf32> to vector<1x16xf32>
    tpu.vector_store %arg7[%swap3A_110, %swap3A_111], %swap3A_114 {strides = array<i32>} : memref<16x128xf32, #tpu.memory_space<vmem>>, vector<1x16xf32>,
    %swap3A_115 = arith.constant 2 : i32
    %swap3A_116 = arith.index_cast %swap3A_115 : i32 to index
    %swap3A_117 = arith.constant 48 : index
    %swap3A_118 = tpu.vector_load %arg7[%swap3A_116, %swap3A_117] {strides = array<i32>} : memref<16x128xf32, #tpu.memory_space<vmem>>, vector<1x16xf32>,
    %swap3A_119 = vector.shape_cast %swap3A_118 : vector<1x16xf32> to vector<16xf32>
    %swap3A_120 = vector.shape_cast %broadcast_in_dim3A_1 : vector<16xf32> to vector<1x16xf32>
    tpu.vector_store %arg7[%swap3A_116, %swap3A_117], %swap3A_120 {strides = array<i32>} : memref<16x128xf32, #tpu.memory_space<vmem>>, vector<1x16xf32>,
    %swap3A_121 = arith.constant 2 : i32
    %swap3A_122 = arith.index_cast %swap3A_121 : i32 to index
    %swap3A_123 = arith.constant 64 : index
    %swap3A_124 = tpu.vector_load %arg7[%swap3A_122, %swap3A_123] {strides = array<i32>} : memref<16x128xf32, #tpu.memory_space<vmem>>, vector<1x16xf32>,
    %swap3A_125 = vector.shape_cast %swap3A_124 : vector<1x16xf32> to vector<16xf32>
    %swap3A_126 = vector.shape_cast %broadcast_in_dim3A_1 : vector<16xf32> to vector<1x16xf32>
    tpu.vector_store %arg7[%swap3A_122, %swap3A_123], %swap3A_126 {strides = array<i32>} : memref<16x128xf32, #tpu.memory_space<vmem>>, vector<1x16xf32>,
    %swap3A_127 = arith.constant 2 : i32
    %swap3A_128 = arith.index_cast %swap3A_127 : i32 to index
    %swap3A_129 = arith.constant 80 : index
    %swap3A_130 = tpu.vector_load %arg7[%swap3A_128, %swap3A_129] {strides = array<i32>} : memref<16x128xf32, #tpu.memory_space<vmem>>, vector<1x16xf32>,
    %swap3A_131 = vector.shape_cast %swap3A_130 : vector<1x16xf32> to vector<16xf32>
    %swap3A_132 = vector.shape_cast %broadcast_in_dim3A_1 : vector<16xf32> to vector<1x16xf32>
    tpu.vector_store %arg7[%swap3A_128, %swap3A_129], %swap3A_132 {strides = array<i32>} : memref<16x128xf32, #tpu.memory_space<vmem>>, vector<1x16xf32>,
    %swap3A_133 = arith.constant 2 : i32
    %swap3A_134 = arith.index_cast %swap3A_133 : i32 to index
    %swap3A_135 = arith.constant 96 : index
    %swap3A_136 = tpu.vector_load %arg7[%swap3A_134, %swap3A_135] {strides = array<i32>} : memref<16x128xf32, #tpu.memory_space<vmem>>, vector<1x16xf32>,
    %swap3A_137 = vector.shape_cast %swap3A_136 : vector<1x16xf32> to vector<16xf32>
    %swap3A_138 = vector.shape_cast %broadcast_in_dim3A_1 : vector<16xf32> to vector<1x16xf32>
    tpu.vector_store %arg7[%swap3A_134, %swap3A_135], %swap3A_138 {strides = array<i32>} : memref<16x128xf32, #tpu.memory_space<vmem>>, vector<1x16xf32>,
    %swap3A_139 = arith.constant 2 : i32
    %swap3A_140 = arith.index_cast %swap3A_139 : i32 to index
    %swap3A_141 = arith.constant 112 : index
    %swap3A_142 = tpu.vector_load %arg7[%swap3A_140, %swap3A_141] {strides = array<i32>} : memref<16x128xf32, #tpu.memory_space<vmem>>, vector<1x16xf32>,
    %swap3A_143 = vector.shape_cast %swap3A_142 : vector<1x16xf32> to vector<16xf32>
    %swap3A_144 = vector.shape_cast %broadcast_in_dim3A_1 : vector<16xf32> to vector<1x16xf32>
    tpu.vector_store %arg7[%swap3A_140, %swap3A_141], %swap3A_144 {strides = array<i32>} : memref<16x128xf32, #tpu.memory_space<vmem>>, vector<1x16xf32>,
    %swap3A_145 = arith.constant 3 : i32
    %swap3A_146 = arith.index_cast %swap3A_145 : i32 to index
    %swap3A_147 = arith.constant 0 : index
    %swap3A_148 = tpu.vector_load %arg7[%swap3A_146, %swap3A_147] {strides = array<i32>} : memref<16x128xf32, #tpu.memory_space<vmem>>, vector<1x16xf32>,
    %swap3A_149 = vector.shape_cast %swap3A_148 : vector<1x16xf32> to vector<16xf32>
    %swap3A_150 = vector.shape_cast %broadcast_in_dim3A_1 : vector<16xf32> to vector<1x16xf32>
    tpu.vector_store %arg7[%swap3A_146, %swap3A_147], %swap3A_150 {strides = array<i32>} : memref<16x128xf32, #tpu.memory_space<vmem>>, vector<1x16xf32>,
    %swap3A_151 = arith.constant 3 : i32
    %swap3A_152 = arith.index_cast %swap3A_151 : i32 to index
    %swap3A_153 = arith.constant 16 : index
    %swap3A_154 = tpu.vector_load %arg7[%swap3A_152, %swap3A_153] {strides = array<i32>} : memref<16x128xf32, #tpu.memory_space<vmem>>, vector<1x16xf32>,
    %swap3A_155 = vector.shape_cast %swap3A_154 : vector<1x16xf32> to vector<16xf32>
    %swap3A_156 = vector.shape_cast %broadcast_in_dim3A_1 : vector<16xf32> to vector<1x16xf32>
    tpu.vector_store %arg7[%swap3A_152, %swap3A_153], %swap3A_156 {strides = array<i32>} : memref<16x128xf32, #tpu.memory_space<vmem>>, vector<1x16xf32>,
    %swap3A_157 = arith.constant 3 : i32
    %swap3A_158 = arith.index_cast %swap3A_157 : i32 to index
    %swap3A_159 = arith.constant 32 : index
    %swap3A_160 = tpu.vector_load %arg7[%swap3A_158, %swap3A_159] {strides = array<i32>} : memref<16x128xf32, #tpu.memory_space<vmem>>, vector<1x16xf32>,
    %swap3A_161 = vector.shape_cast %swap3A_160 : vector<1x16xf32> to vector<16xf32>
    %swap3A_162 = vector.shape_cast %broadcast_in_dim3A_1 : vector<16xf32> to vector<1x16xf32>
    tpu.vector_store %arg7[%swap3A_158, %swap3A_159], %swap3A_162 {strides = array<i32>} : memref<16x128xf32, #tpu.memory_space<vmem>>, vector<1x16xf32>,
    %swap3A_163 = arith.constant 3 : i32
    %swap3A_164 = arith.index_cast %swap3A_163 : i32 to index
    %swap3A_165 = arith.constant 48 : index
    %swap3A_166 = tpu.vector_load %arg7[%swap3A_164, %swap3A_165] {strides = array<i32>} : memref<16x128xf32, #tpu.memory_space<vmem>>, vector<1x16xf32>,
    %swap3A_167 = vector.shape_cast %swap3A_166 : vector<1x16xf32> to vector<16xf32>
    %swap3A_168 = vector.shape_cast %broadcast_in_dim3A_1 : vector<16xf32> to vector<1x16xf32>
    tpu.vector_store %arg7[%swap3A_164, %swap3A_165], %swap3A_168 {strides = array<i32>} : memref<16x128xf32, #tpu.memory_space<vmem>>, vector<1x16xf32>,
    %swap3A_169 = arith.constant 3 : i32
    %swap3A_170 = arith.index_cast %swap3A_169 : i32 to index
    %swap3A_171 = arith.constant 64 : index
    %swap3A_172 = tpu.vector_load %arg7[%swap3A_170, %swap3A_171] {strides = array<i32>} : memref<16x128xf32, #tpu.memory_space<vmem>>, vector<1x16xf32>,
    %swap3A_173 = vector.shape_cast %swap3A_172 : vector<1x16xf32> to vector<16xf32>
    %swap3A_174 = vector.shape_cast %broadcast_in_dim3A_1 : vector<16xf32> to vector<1x16xf32>
    tpu.vector_store %arg7[%swap3A_170, %swap3A_171], %swap3A_174 {strides = array<i32>} : memref<16x128xf32, #tpu.memory_space<vmem>>, vector<1x16xf32>,
    %swap3A_175 = arith.constant 3 : i32
    %swap3A_176 = arith.index_cast %swap3A_175 : i32 to index
    %swap3A_177 = arith.constant 80 : index
    %swap3A_178 = tpu.vector_load %arg7[%swap3A_176, %swap3A_177] {strides = array<i32>} : memref<16x128xf32, #tpu.memory_space<vmem>>, vector<1x16xf32>,
    %swap3A_179 = vector.shape_cast %swap3A_178 : vector<1x16xf32> to vector<16xf32>
    %swap3A_180 = vector.shape_cast %broadcast_in_dim3A_1 : vector<16xf32> to vector<1x16xf32>
    tpu.vector_store %arg7[%swap3A_176, %swap3A_177], %swap3A_180 {strides = array<i32>} : memref<16x128xf32, #tpu.memory_space<vmem>>, vector<1x16xf32>,
    %swap3A_181 = arith.constant 3 : i32
    %swap3A_182 = arith.index_cast %swap3A_181 : i32 to index
    %swap3A_183 = arith.constant 96 : index
    %swap3A_184 = tpu.vector_load %arg7[%swap3A_182, %swap3A_183] {strides = array<i32>} : memref<16x128xf32, #tpu.memory_space<vmem>>, vector<1x16xf32>,
    %swap3A_185 = vector.shape_cast %swap3A_184 : vector<1x16xf32> to vector<16xf32>
    %swap3A_186 = vector.shape_cast %broadcast_in_dim3A_1 : vector<16xf32> to vector<1x16xf32>
    tpu.vector_store %arg7[%swap3A_182, %swap3A_183], %swap3A_186 {strides = array<i32>} : memref<16x128xf32, #tpu.memory_space<vmem>>, vector<1x16xf32>,
    %swap3A_187 = arith.constant 3 : i32
    %swap3A_188 = arith.index_cast %swap3A_187 : i32 to index
    %swap3A_189 = arith.constant 112 : index
    %swap3A_190 = tpu.vector_load %arg7[%swap3A_188, %swap3A_189] {strides = array<i32>} : memref<16x128xf32, #tpu.memory_space<vmem>>, vector<1x16xf32>,
    %swap3A_191 = vector.shape_cast %swap3A_190 : vector<1x16xf32> to vector<16xf32>
    %swap3A_192 = vector.shape_cast %broadcast_in_dim3A_1 : vector<16xf32> to vector<1x16xf32>
    tpu.vector_store %arg7[%swap3A_188, %swap3A_189], %swap3A_192 {strides = array<i32>} : memref<16x128xf32, #tpu.memory_space<vmem>>, vector<1x16xf32>,
    %swap3A_193 = arith.constant 4 : i32
    %swap3A_194 = arith.index_cast %swap3A_193 : i32 to index
    %swap3A_195 = arith.constant 0 : index
    %swap3A_196 = tpu.vector_load %arg7[%swap3A_194, %swap3A_195] {strides = array<i32>} : memref<16x128xf32, #tpu.memory_space<vmem>>, vector<1x16xf32>,
    %swap3A_197 = vector.shape_cast %swap3A_196 : vector<1x16xf32> to vector<16xf32>
    %swap3A_198 = vector.shape_cast %broadcast_in_dim3A_1 : vector<16xf32> to vector<1x16xf32>
    tpu.vector_store %arg7[%swap3A_194, %swap3A_195], %swap3A_198 {strides = array<i32>} : memref<16x128xf32, #tpu.memory_space<vmem>>, vector<1x16xf32>,
    %swap3A_199 = arith.constant 4 : i32
    %swap3A_200 = arith.index_cast %swap3A_199 : i32 to index
    %swap3A_201 = arith.constant 16 : index
    %swap3A_202 = tpu.vector_load %arg7[%swap3A_200, %swap3A_201] {strides = array<i32>} : memref<16x128xf32, #tpu.memory_space<vmem>>, vector<1x16xf32>,
    %swap3A_203 = vector.shape_cast %swap3A_202 : vector<1x16xf32> to vector<16xf32>
    %swap3A_204 = vector.shape_cast %broadcast_in_dim3A_1 : vector<16xf32> to vector<1x16xf32>
    tpu.vector_store %arg7[%swap3A_200, %swap3A_201], %swap3A_204 {strides = array<i32>} : memref<16x128xf32, #tpu.memory_space<vmem>>, vector<1x16xf32>,
    %swap3A_205 = arith.constant 4 : i32
    %swap3A_206 = arith.index_cast %swap3A_205 : i32 to index
    %swap3A_207 = arith.constant 32 : index
    %swap3A_208 = tpu.vector_load %arg7[%swap3A_206, %swap3A_207] {strides = array<i32>} : memref<16x128xf32, #tpu.memory_space<vmem>>, vector<1x16xf32>,
    %swap3A_209 = vector.shape_cast %swap3A_208 : vector<1x16xf32> to vector<16xf32>
    %swap3A_210 = vector.shape_cast %broadcast_in_dim3A_1 : vector<16xf32> to vector<1x16xf32>
    tpu.vector_store %arg7[%swap3A_206, %swap3A_207], %swap3A_210 {strides = array<i32>} : memref<16x128xf32, #tpu.memory_space<vmem>>, vector<1x16xf32>,
    %swap3A_211 = arith.constant 4 : i32
    %swap3A_212 = arith.index_cast %swap3A_211 : i32 to index
    %swap3A_213 = arith.constant 48 : index
    %swap3A_214 = tpu.vector_load %arg7[%swap3A_212, %swap3A_213] {strides = array<i32>} : memref<16x128xf32, #tpu.memory_space<vmem>>, vector<1x16xf32>,
    %swap3A_215 = vector.shape_cast %swap3A_214 : vector<1x16xf32> to vector<16xf32>
    %swap3A_216 = vector.shape_cast %broadcast_in_dim3A_1 : vector<16xf32> to vector<1x16xf32>
    tpu.vector_store %arg7[%swap3A_212, %swap3A_213], %swap3A_216 {strides = array<i32>} : memref<16x128xf32, #tpu.memory_space<vmem>>, vector<1x16xf32>,
    %swap3A_217 = arith.constant 4 : i32
    %swap3A_218 = arith.index_cast %swap3A_217 : i32 to index
    %swap3A_219 = arith.constant 64 : index
    %swap3A_220 = tpu.vector_load %arg7[%swap3A_218, %swap3A_219] {strides = array<i32>} : memref<16x128xf32, #tpu.memory_space<vmem>>, vector<1x16xf32>,
    %swap3A_221 = vector.shape_cast %swap3A_220 : vector<1x16xf32> to vector<16xf32>
    %swap3A_222 = vector.shape_cast %broadcast_in_dim3A_1 : vector<16xf32> to vector<1x16xf32>
    tpu.vector_store %arg7[%swap3A_218, %swap3A_219], %swap3A_222 {strides = array<i32>} : memref<16x128xf32, #tpu.memory_space<vmem>>, vector<1x16xf32>,
    %swap3A_223 = arith.constant 4 : i32
    %swap3A_224 = arith.index_cast %swap3A_223 : i32 to index
    %swap3A_225 = arith.constant 80 : index
    %swap3A_226 = tpu.vector_load %arg7[%swap3A_224, %swap3A_225] {strides = array<i32>} : memref<16x128xf32, #tpu.memory_space<vmem>>, vector<1x16xf32>,
    %swap3A_227 = vector.shape_cast %swap3A_226 : vector<1x16xf32> to vector<16xf32>
    %swap3A_228 = vector.shape_cast %broadcast_in_dim3A_1 : vector<16xf32> to vector<1x16xf32>
    tpu.vector_store %arg7[%swap3A_224, %swap3A_225], %swap3A_228 {strides = array<i32>} : memref<16x128xf32, #tpu.memory_space<vmem>>, vector<1x16xf32>,
    %swap3A_229 = arith.constant 4 : i32
    %swap3A_230 = arith.index_cast %swap3A_229 : i32 to index
    %swap3A_231 = arith.constant 96 : index
    %swap3A_232 = tpu.vector_load %arg7[%swap3A_230, %swap3A_231] {strides = array<i32>} : memref<16x128xf32, #tpu.memory_space<vmem>>, vector<1x16xf32>,
    %swap3A_233 = vector.shape_cast %swap3A_232 : vector<1x16xf32> to vector<16xf32>
    %swap3A_234 = vector.shape_cast %broadcast_in_dim3A_1 : vector<16xf32> to vector<1x16xf32>
    tpu.vector_store %arg7[%swap3A_230, %swap3A_231], %swap3A_234 {strides = array<i32>} : memref<16x128xf32, #tpu.memory_space<vmem>>, vector<1x16xf32>,
    %swap3A_235 = arith.constant 4 : i32
    %swap3A_236 = arith.index_cast %swap3A_235 : i32 to index
    %swap3A_237 = arith.constant 112 : index
    %swap3A_238 = tpu.vector_load %arg7[%swap3A_236, %swap3A_237] {strides = array<i32>} : memref<16x128xf32, #tpu.memory_space<vmem>>, vector<1x16xf32>,
    %swap3A_239 = vector.shape_cast %swap3A_238 : vector<1x16xf32> to vector<16xf32>
    %swap3A_240 = vector.shape_cast %broadcast_in_dim3A_1 : vector<16xf32> to vector<1x16xf32>
    tpu.vector_store %arg7[%swap3A_236, %swap3A_237], %swap3A_240 {strides = array<i32>} : memref<16x128xf32, #tpu.memory_space<vmem>>, vector<1x16xf32>,
    %swap3A_241 = arith.constant 5 : i32
    %swap3A_242 = arith.index_cast %swap3A_241 : i32 to index
    %swap3A_243 = arith.constant 0 : index
    %swap3A_244 = tpu.vector_load %arg7[%swap3A_242, %swap3A_243] {strides = array<i32>} : memref<16x128xf32, #tpu.memory_space<vmem>>, vector<1x16xf32>,
    %swap3A_245 = vector.shape_cast %swap3A_244 : vector<1x16xf32> to vector<16xf32>
    %swap3A_246 = vector.shape_cast %broadcast_in_dim3A_1 : vector<16xf32> to vector<1x16xf32>
    tpu.vector_store %arg7[%swap3A_242, %swap3A_243], %swap3A_246 {strides = array<i32>} : memref<16x128xf32, #tpu.memory_space<vmem>>, vector<1x16xf32>,
    %swap3A_247 = arith.constant 5 : i32
    %swap3A_248 = arith.index_cast %swap3A_247 : i32 to index
    %swap3A_249 = arith.constant 16 : index
    %swap3A_250 = tpu.vector_load %arg7[%swap3A_248, %swap3A_249] {strides = array<i32>} : memref<16x128xf32, #tpu.memory_space<vmem>>, vector<1x16xf32>,
    %swap3A_251 = vector.shape_cast %swap3A_250 : vector<1x16xf32> to vector<16xf32>
    %swap3A_252 = vector.shape_cast %broadcast_in_dim3A_1 : vector<16xf32> to vector<1x16xf32>
    tpu.vector_store %arg7[%swap3A_248, %swap3A_249], %swap3A_252 {strides = array<i32>} : memref<16x128xf32, #tpu.memory_space<vmem>>, vector<1x16xf32>,
    %swap3A_253 = arith.constant 5 : i32
    %swap3A_254 = arith.index_cast %swap3A_253 : i32 to index
    %swap3A_255 = arith.constant 32 : index
    %swap3A_256 = tpu.vector_load %arg7[%swap3A_254, %swap3A_255] {strides = array<i32>} : memref<16x128xf32, #tpu.memory_space<vmem>>, vector<1x16xf32>,
    %swap3A_257 = vector.shape_cast %swap3A_256 : vector<1x16xf32> to vector<16xf32>
    %swap3A_258 = vector.shape_cast %broadcast_in_dim3A_1 : vector<16xf32> to vector<1x16xf32>
    tpu.vector_store %arg7[%swap3A_254, %swap3A_255], %swap3A_258 {strides = array<i32>} : memref<16x128xf32, #tpu.memory_space<vmem>>, vector<1x16xf32>,
    %swap3A_259 = arith.constant 5 : i32
    %swap3A_260 = arith.index_cast %swap3A_259 : i32 to index
    %swap3A_261 = arith.constant 48 : index
    %swap3A_262 = tpu.vector_load %arg7[%swap3A_260, %swap3A_261] {strides = array<i32>} : memref<16x128xf32, #tpu.memory_space<vmem>>, vector<1x16xf32>,
    %swap3A_263 = vector.shape_cast %swap3A_262 : vector<1x16xf32> to vector<16xf32>
    %swap3A_264 = vector.shape_cast %broadcast_in_dim3A_1 : vector<16xf32> to vector<1x16xf32>
    tpu.vector_store %arg7[%swap3A_260, %swap3A_261], %swap3A_264 {strides = array<i32>} : memref<16x128xf32, #tpu.memory_space<vmem>>, vector<1x16xf32>,
    %swap3A_265 = arith.constant 5 : i32
    %swap3A_266 = arith.index_cast %swap3A_265 : i32 to index
    %swap3A_267 = arith.constant 64 : index
    %swap3A_268 = tpu.vector_load %arg7[%swap3A_266, %swap3A_267] {strides = array<i32>} : memref<16x128xf32, #tpu.memory_space<vmem>>, vector<1x16xf32>,
    %swap3A_269 = vector.shape_cast %swap3A_268 : vector<1x16xf32> to vector<16xf32>
    %swap3A_270 = vector.shape_cast %broadcast_in_dim3A_1 : vector<16xf32> to vector<1x16xf32>
    tpu.vector_store %arg7[%swap3A_266, %swap3A_267], %swap3A_270 {strides = array<i32>} : memref<16x128xf32, #tpu.memory_space<vmem>>, vector<1x16xf32>,
    %swap3A_271 = arith.constant 5 : i32
    %swap3A_272 = arith.index_cast %swap3A_271 : i32 to index
    %swap3A_273 = arith.constant 80 : index
    %swap3A_274 = tpu.vector_load %arg7[%swap3A_272, %swap3A_273] {strides = array<i32>} : memref<16x128xf32, #tpu.memory_space<vmem>>, vector<1x16xf32>,
    %swap3A_275 = vector.shape_cast %swap3A_274 : vector<1x16xf32> to vector<16xf32>
    %swap3A_276 = vector.shape_cast %broadcast_in_dim3A_1 : vector<16xf32> to vector<1x16xf32>
    tpu.vector_store %arg7[%swap3A_272, %swap3A_273], %swap3A_276 {strides = array<i32>} : memref<16x128xf32, #tpu.memory_space<vmem>>, vector<1x16xf32>,
    %swap3A_277 = arith.constant 5 : i32
    %swap3A_278 = arith.index_cast %swap3A_277 : i32 to index
    %swap3A_279 = arith.constant 96 : index
    %swap3A_280 = tpu.vector_load %arg7[%swap3A_278, %swap3A_279] {strides = array<i32>} : memref<16x128xf32, #tpu.memory_space<vmem>>, vector<1x16xf32>,
    %swap3A_281 = vector.shape_cast %swap3A_280 : vector<1x16xf32> to vector<16xf32>
    %swap3A_282 = vector.shape_cast %broadcast_in_dim3A_1 : vector<16xf32> to vector<1x16xf32>
    tpu.vector_store %arg7[%swap3A_278, %swap3A_279], %swap3A_282 {strides = array<i32>} : memref<16x128xf32, #tpu.memory_space<vmem>>, vector<1x16xf32>,
    %swap3A_283 = arith.constant 5 : i32
    %swap3A_284 = arith.index_cast %swap3A_283 : i32 to index
    %swap3A_285 = arith.constant 112 : index
    %swap3A_286 = tpu.vector_load %arg7[%swap3A_284, %swap3A_285] {strides = array<i32>} : memref<16x128xf32, #tpu.memory_space<vmem>>, vector<1x16xf32>,
    %swap3A_287 = vector.shape_cast %swap3A_286 : vector<1x16xf32> to vector<16xf32>
    %swap3A_288 = vector.shape_cast %broadcast_in_dim3A_1 : vector<16xf32> to vector<1x16xf32>
    tpu.vector_store %arg7[%swap3A_284, %swap3A_285], %swap3A_288 {strides = array<i32>} : memref<16x128xf32, #tpu.memory_space<vmem>>, vector<1x16xf32>,
    %swap3A_289 = arith.constant 6 : i32
    %swap3A_290 = arith.index_cast %swap3A_289 : i32 to index
    %swap3A_291 = arith.constant 0 : index
    %swap3A_292 = tpu.vector_load %arg7[%swap3A_290, %swap3A_291] {strides = array<i32>} : memref<16x128xf32, #tpu.memory_space<vmem>>, vector<1x16xf32>,
    %swap3A_293 = vector.shape_cast %swap3A_292 : vector<1x16xf32> to vector<16xf32>
    %swap3A_294 = vector.shape_cast %broadcast_in_dim3A_1 : vector<16xf32> to vector<1x16xf32>
    tpu.vector_store %arg7[%swap3A_290, %swap3A_291], %swap3A_294 {strides = array<i32>} : memref<16x128xf32, #tpu.memory_space<vmem>>, vector<1x16xf32>,
    %swap3A_295 = arith.constant 6 : i32
    %swap3A_296 = arith.index_cast %swap3A_295 : i32 to index
    %swap3A_297 = arith.constant 16 : index
    %swap3A_298 = tpu.vector_load %arg7[%swap3A_296, %swap3A_297] {strides = array<i32>} : memref<16x128xf32, #tpu.memory_space<vmem>>, vector<1x16xf32>,
    %swap3A_299 = vector.shape_cast %swap3A_298 : vector<1x16xf32> to vector<16xf32>
    %swap3A_300 = vector.shape_cast %broadcast_in_dim3A_1 : vector<16xf32> to vector<1x16xf32>
    tpu.vector_store %arg7[%swap3A_296, %swap3A_297], %swap3A_300 {strides = array<i32>} : memref<16x128xf32, #tpu.memory_space<vmem>>, vector<1x16xf32>,
    %swap3A_301 = arith.constant 6 : i32
    %swap3A_302 = arith.index_cast %swap3A_301 : i32 to index
    %swap3A_303 = arith.constant 32 : index
    %swap3A_304 = tpu.vector_load %arg7[%swap3A_302, %swap3A_303] {strides = array<i32>} : memref<16x128xf32, #tpu.memory_space<vmem>>, vector<1x16xf32>,
    %swap3A_305 = vector.shape_cast %swap3A_304 : vector<1x16xf32> to vector<16xf32>
    %swap3A_306 = vector.shape_cast %broadcast_in_dim3A_1 : vector<16xf32> to vector<1x16xf32>
    tpu.vector_store %arg7[%swap3A_302, %swap3A_303], %swap3A_306 {strides = array<i32>} : memref<16x128xf32, #tpu.memory_space<vmem>>, vector<1x16xf32>,
    %swap3A_307 = arith.constant 6 : i32
    %swap3A_308 = arith.index_cast %swap3A_307 : i32 to index
    %swap3A_309 = arith.constant 48 : index
    %swap3A_310 = tpu.vector_load %arg7[%swap3A_308, %swap3A_309] {strides = array<i32>} : memref<16x128xf32, #tpu.memory_space<vmem>>, vector<1x16xf32>,
    %swap3A_311 = vector.shape_cast %swap3A_310 : vector<1x16xf32> to vector<16xf32>
    %swap3A_312 = vector.shape_cast %broadcast_in_dim3A_1 : vector<16xf32> to vector<1x16xf32>
    tpu.vector_store %arg7[%swap3A_308, %swap3A_309], %swap3A_312 {strides = array<i32>} : memref<16x128xf32, #tpu.memory_space<vmem>>, vector<1x16xf32>,
    %swap3A_313 = arith.constant 6 : i32
    %swap3A_314 = arith.index_cast %swap3A_313 : i32 to index
    %swap3A_315 = arith.constant 64 : index
    %swap3A_316 = tpu.vector_load %arg7[%swap3A_314, %swap3A_315] {strides = array<i32>} : memref<16x128xf32, #tpu.memory_space<vmem>>, vector<1x16xf32>,
    %swap3A_317 = vector.shape_cast %swap3A_316 : vector<1x16xf32> to vector<16xf32>
    %swap3A_318 = vector.shape_cast %broadcast_in_dim3A_1 : vector<16xf32> to vector<1x16xf32>
    tpu.vector_store %arg7[%swap3A_314, %swap3A_315], %swap3A_318 {strides = array<i32>} : memref<16x128xf32, #tpu.memory_space<vmem>>, vector<1x16xf32>,
    %swap3A_319 = arith.constant 6 : i32
    %swap3A_320 = arith.index_cast %swap3A_319 : i32 to index
    %swap3A_321 = arith.constant 80 : index
    %swap3A_322 = tpu.vector_load %arg7[%swap3A_320, %swap3A_321] {strides = array<i32>} : memref<16x128xf32, #tpu.memory_space<vmem>>, vector<1x16xf32>,
    %swap3A_323 = vector.shape_cast %swap3A_322 : vector<1x16xf32> to vector<16xf32>
    %swap3A_324 = vector.shape_cast %broadcast_in_dim3A_1 : vector<16xf32> to vector<1x16xf32>
    tpu.vector_store %arg7[%swap3A_320, %swap3A_321], %swap3A_324 {strides = array<i32>} : memref<16x128xf32, #tpu.memory_space<vmem>>, vector<1x16xf32>,
    %swap3A_325 = arith.constant 6 : i32
    %swap3A_326 = arith.index_cast %swap3A_325 : i32 to index
    %swap3A_327 = arith.constant 96 : index
    %swap3A_328 = tpu.vector_load %arg7[%swap3A_326, %swap3A_327] {strides = array<i32>} : memref<16x128xf32, #tpu.memory_space<vmem>>, vector<1x16xf32>,
    %swap3A_329 = vector.shape_cast %swap3A_328 : vector<1x16xf32> to vector<16xf32>
    %swap3A_330 = vector.shape_cast %broadcast_in_dim3A_1 : vector<16xf32> to vector<1x16xf32>
    tpu.vector_store %arg7[%swap3A_326, %swap3A_327], %swap3A_330 {strides = array<i32>} : memref<16x128xf32, #tpu.memory_space<vmem>>, vector<1x16xf32>,
    %swap3A_331 = arith.constant 6 : i32
    %swap3A_332 = arith.index_cast %swap3A_331 : i32 to index
    %swap3A_333 = arith.constant 112 : index
    %swap3A_334 = tpu.vector_load %arg7[%swap3A_332, %swap3A_333] {strides = array<i32>} : memref<16x128xf32, #tpu.memory_space<vmem>>, vector<1x16xf32>,
    %swap3A_335 = vector.shape_cast %swap3A_334 : vector<1x16xf32> to vector<16xf32>
    %swap3A_336 = vector.shape_cast %broadcast_in_dim3A_1 : vector<16xf32> to vector<1x16xf32>
    tpu.vector_store %arg7[%swap3A_332, %swap3A_333], %swap3A_336 {strides = array<i32>} : memref<16x128xf32, #tpu.memory_space<vmem>>, vector<1x16xf32>,
    %swap3A_337 = arith.constant 7 : i32
    %swap3A_338 = arith.index_cast %swap3A_337 : i32 to index
    %swap3A_339 = arith.constant 0 : index
    %swap3A_340 = tpu.vector_load %arg7[%swap3A_338, %swap3A_339] {strides = array<i32>} : memref<16x128xf32, #tpu.memory_space<vmem>>, vector<1x16xf32>,
    %swap3A_341 = vector.shape_cast %swap3A_340 : vector<1x16xf32> to vector<16xf32>
    %swap3A_342 = vector.shape_cast %broadcast_in_dim3A_1 : vector<16xf32> to vector<1x16xf32>
    tpu.vector_store %arg7[%swap3A_338, %swap3A_339], %swap3A_342 {strides = array<i32>} : memref<16x128xf32, #tpu.memory_space<vmem>>, vector<1x16xf32>,
    %swap3A_343 = arith.constant 7 : i32
    %swap3A_344 = arith.index_cast %swap3A_343 : i32 to index
    %swap3A_345 = arith.constant 16 : index
    %swap3A_346 = tpu.vector_load %arg7[%swap3A_344, %swap3A_345] {strides = array<i32>} : memref<16x128xf32, #tpu.memory_space<vmem>>, vector<1x16xf32>,
    %swap3A_347 = vector.shape_cast %swap3A_346 : vector<1x16xf32> to vector<16xf32>
    %swap3A_348 = vector.shape_cast %broadcast_in_dim3A_1 : vector<16xf32> to vector<1x16xf32>
    tpu.vector_store %arg7[%swap3A_344, %swap3A_345], %swap3A_348 {strides = array<i32>} : memref<16x128xf32, #tpu.memory_space<vmem>>, vector<1x16xf32>,
    %swap3A_349 = arith.constant 7 : i32
    %swap3A_350 = arith.index_cast %swap3A_349 : i32 to index
    %swap3A_351 = arith.constant 32 : index
    %swap3A_352 = tpu.vector_load %arg7[%swap3A_350, %swap3A_351] {strides = array<i32>} : memref<16x128xf32, #tpu.memory_space<vmem>>, vector<1x16xf32>,
    %swap3A_353 = vector.shape_cast %swap3A_352 : vector<1x16xf32> to vector<16xf32>
    %swap3A_354 = vector.shape_cast %broadcast_in_dim3A_1 : vector<16xf32> to vector<1x16xf32>
    tpu.vector_store %arg7[%swap3A_350, %swap3A_351], %swap3A_354 {strides = array<i32>} : memref<16x128xf32, #tpu.memory_space<vmem>>, vector<1x16xf32>,
    %swap3A_355 = arith.constant 7 : i32
    %swap3A_356 = arith.index_cast %swap3A_355 : i32 to index
    %swap3A_357 = arith.constant 48 : index
    %swap3A_358 = tpu.vector_load %arg7[%swap3A_356, %swap3A_357] {strides = array<i32>} : memref<16x128xf32, #tpu.memory_space<vmem>>, vector<1x16xf32>,
    %swap3A_359 = vector.shape_cast %swap3A_358 : vector<1x16xf32> to vector<16xf32>
    %swap3A_360 = vector.shape_cast %broadcast_in_dim3A_1 : vector<16xf32> to vector<1x16xf32>
    tpu.vector_store %arg7[%swap3A_356, %swap3A_357], %swap3A_360 {strides = array<i32>} : memref<16x128xf32, #tpu.memory_space<vmem>>, vector<1x16xf32>,
    %swap3A_361 = arith.constant 7 : i32
    %swap3A_362 = arith.index_cast %swap3A_361 : i32 to index
    %swap3A_363 = arith.constant 64 : index
    %swap3A_364 = tpu.vector_load %arg7[%swap3A_362, %swap3A_363] {strides = array<i32>} : memref<16x128xf32, #tpu.memory_space<vmem>>, vector<1x16xf32>,
    %swap3A_365 = vector.shape_cast %swap3A_364 : vector<1x16xf32> to vector<16xf32>
    %swap3A_366 = vector.shape_cast %broadcast_in_dim3A_1 : vector<16xf32> to vector<1x16xf32>
    tpu.vector_store %arg7[%swap3A_362, %swap3A_363], %swap3A_366 {strides = array<i32>} : memref<16x128xf32, #tpu.memory_space<vmem>>, vector<1x16xf32>,
    %swap3A_367 = arith.constant 7 : i32
    %swap3A_368 = arith.index_cast %swap3A_367 : i32 to index
    %swap3A_369 = arith.constant 80 : index
    %swap3A_370 = tpu.vector_load %arg7[%swap3A_368, %swap3A_369] {strides = array<i32>} : memref<16x128xf32, #tpu.memory_space<vmem>>, vector<1x16xf32>,
    %swap3A_371 = vector.shape_cast %swap3A_370 : vector<1x16xf32> to vector<16xf32>
    %swap3A_372 = vector.shape_cast %broadcast_in_dim3A_1 : vector<16xf32> to vector<1x16xf32>
    tpu.vector_store %arg7[%swap3A_368, %swap3A_369], %swap3A_372 {strides = array<i32>} : memref<16x128xf32, #tpu.memory_space<vmem>>, vector<1x16xf32>,
    %swap3A_373 = arith.constant 7 : i32
    %swap3A_374 = arith.index_cast %swap3A_373 : i32 to index
    %swap3A_375 = arith.constant 96 : index
    %swap3A_376 = tpu.vector_load %arg7[%swap3A_374, %swap3A_375] {strides = array<i32>} : memref<16x128xf32, #tpu.memory_space<vmem>>, vector<1x16xf32>,
    %swap3A_377 = vector.shape_cast %swap3A_376 : vector<1x16xf32> to vector<16xf32>
    %swap3A_378 = vector.shape_cast %broadcast_in_dim3A_1 : vector<16xf32> to vector<1x16xf32>
    tpu.vector_store %arg7[%swap3A_374, %swap3A_375], %swap3A_378 {strides = array<i32>} : memref<16x128xf32, #tpu.memory_space<vmem>>, vector<1x16xf32>,
    %swap3A_379 = arith.constant 7 : i32
    %swap3A_380 = arith.index_cast %swap3A_379 : i32 to index
    %swap3A_381 = arith.constant 112 : index
    %swap3A_382 = tpu.vector_load %arg7[%swap3A_380, %swap3A_381] {strides = array<i32>} : memref<16x128xf32, #tpu.memory_space<vmem>>, vector<1x16xf32>,
    %swap3A_383 = vector.shape_cast %swap3A_382 : vector<1x16xf32> to vector<16xf32>
    %swap3A_384 = vector.shape_cast %broadcast_in_dim3A_1 : vector<16xf32> to vector<1x16xf32>
    tpu.vector_store %arg7[%swap3A_380, %swap3A_381], %swap3A_384 {strides = array<i32>} : memref<16x128xf32, #tpu.memory_space<vmem>>, vector<1x16xf32>,
    %swap3A_385 = arith.constant 8 : i32
    %swap3A_386 = arith.index_cast %swap3A_385 : i32 to index
    %swap3A_387 = arith.constant 0 : index
    %swap3A_388 = tpu.vector_load %arg7[%swap3A_386, %swap3A_387] {strides = array<i32>} : memref<16x128xf32, #tpu.memory_space<vmem>>, vector<1x16xf32>,
    %swap3A_389 = vector.shape_cast %swap3A_388 : vector<1x16xf32> to vector<16xf32>
    %swap3A_390 = vector.shape_cast %broadcast_in_dim3A_1 : vector<16xf32> to vector<1x16xf32>
    tpu.vector_store %arg7[%swap3A_386, %swap3A_387], %swap3A_390 {strides = array<i32>} : memref<16x128xf32, #tpu.memory_space<vmem>>, vector<1x16xf32>,
    %swap3A_391 = arith.constant 8 : i32
    %swap3A_392 = arith.index_cast %swap3A_391 : i32 to index
    %swap3A_393 = arith.constant 16 : index
    %swap3A_394 = tpu.vector_load %arg7[%swap3A_392, %swap3A_393] {strides = array<i32>} : memref<16x128xf32, #tpu.memory_space<vmem>>, vector<1x16xf32>,
    %swap3A_395 = vector.shape_cast %swap3A_394 : vector<1x16xf32> to vector<16xf32>
    %swap3A_396 = vector.shape_cast %broadcast_in_dim3A_1 : vector<16xf32> to vector<1x16xf32>
    tpu.vector_store %arg7[%swap3A_392, %swap3A_393], %swap3A_396 {strides = array<i32>} : memref<16x128xf32, #tpu.memory_space<vmem>>, vector<1x16xf32>,
    %swap3A_397 = arith.constant 8 : i32
    %swap3A_398 = arith.index_cast %swap3A_397 : i32 to index
    %swap3A_399 = arith.constant 32 : index
    %swap3A_400 = tpu.vector_load %arg7[%swap3A_398, %swap3A_399] {strides = array<i32>} : memref<16x128xf32, #tpu.memory_space<vmem>>, vector<1x16xf32>,
    %swap3A_401 = vector.shape_cast %swap3A_400 : vector<1x16xf32> to vector<16xf32>
    %swap3A_402 = vector.shape_cast %broadcast_in_dim3A_1 : vector<16xf32> to vector<1x16xf32>
    tpu.vector_store %arg7[%swap3A_398, %swap3A_399], %swap3A_402 {strides = array<i32>} : memref<16x128xf32, #tpu.memory_space<vmem>>, vector<1x16xf32>,
    %swap3A_403 = arith.constant 8 : i32
    %swap3A_404 = arith.index_cast %swap3A_403 : i32 to index
    %swap3A_405 = arith.constant 48 : index
    %swap3A_406 = tpu.vector_load %arg7[%swap3A_404, %swap3A_405] {strides = array<i32>} : memref<16x128xf32, #tpu.memory_space<vmem>>, vector<1x16xf32>,
    %swap3A_407 = vector.shape_cast %swap3A_406 : vector<1x16xf32> to vector<16xf32>
    %swap3A_408 = vector.shape_cast %broadcast_in_dim3A_1 : vector<16xf32> to vector<1x16xf32>
    tpu.vector_store %arg7[%swap3A_404, %swap3A_405], %swap3A_408 {strides = array<i32>} : memref<16x128xf32, #tpu.memory_space<vmem>>, vector<1x16xf32>,
    %swap3A_409 = arith.constant 8 : i32
    %swap3A_410 = arith.index_cast %swap3A_409 : i32 to index
    %swap3A_411 = arith.constant 64 : index
    %swap3A_412 = tpu.vector_load %arg7[%swap3A_410, %swap3A_411] {strides = array<i32>} : memref<16x128xf32, #tpu.memory_space<vmem>>, vector<1x16xf32>,
    %swap3A_413 = vector.shape_cast %swap3A_412 : vector<1x16xf32> to vector<16xf32>
    %swap3A_414 = vector.shape_cast %broadcast_in_dim3A_1 : vector<16xf32> to vector<1x16xf32>
    tpu.vector_store %arg7[%swap3A_410, %swap3A_411], %swap3A_414 {strides = array<i32>} : memref<16x128xf32, #tpu.memory_space<vmem>>, vector<1x16xf32>,
    %swap3A_415 = arith.constant 8 : i32
    %swap3A_416 = arith.index_cast %swap3A_415 : i32 to index
    %swap3A_417 = arith.constant 80 : index
    %swap3A_418 = tpu.vector_load %arg7[%swap3A_416, %swap3A_417] {strides = array<i32>} : memref<16x128xf32, #tpu.memory_space<vmem>>, vector<1x16xf32>,
    %swap3A_419 = vector.shape_cast %swap3A_418 : vector<1x16xf32> to vector<16xf32>
    %swap3A_420 = vector.shape_cast %broadcast_in_dim3A_1 : vector<16xf32> to vector<1x16xf32>
    tpu.vector_store %arg7[%swap3A_416, %swap3A_417], %swap3A_420 {strides = array<i32>} : memref<16x128xf32, #tpu.memory_space<vmem>>, vector<1x16xf32>,
    %swap3A_421 = arith.constant 8 : i32
    %swap3A_422 = arith.index_cast %swap3A_421 : i32 to index
    %swap3A_423 = arith.constant 96 : index
    %swap3A_424 = tpu.vector_load %arg7[%swap3A_422, %swap3A_423] {strides = array<i32>} : memref<16x128xf32, #tpu.memory_space<vmem>>, vector<1x16xf32>,
    %swap3A_425 = vector.shape_cast %swap3A_424 : vector<1x16xf32> to vector<16xf32>
    %swap3A_426 = vector.shape_cast %broadcast_in_dim3A_1 : vector<16xf32> to vector<1x16xf32>
    tpu.vector_store %arg7[%swap3A_422, %swap3A_423], %swap3A_426 {strides = array<i32>} : memref<16x128xf32, #tpu.memory_space<vmem>>, vector<1x16xf32>,
    %swap3A_427 = arith.constant 8 : i32
    %swap3A_428 = arith.index_cast %swap3A_427 : i32 to index
    %swap3A_429 = arith.constant 112 : index
    %swap3A_430 = tpu.vector_load %arg7[%swap3A_428, %swap3A_429] {strides = array<i32>} : memref<16x128xf32, #tpu.memory_space<vmem>>, vector<1x16xf32>,
    %swap3A_431 = vector.shape_cast %swap3A_430 : vector<1x16xf32> to vector<16xf32>
    %swap3A_432 = vector.shape_cast %broadcast_in_dim3A_1 : vector<16xf32> to vector<1x16xf32>
    tpu.vector_store %arg7[%swap3A_428, %swap3A_429], %swap3A_432 {strides = array<i32>} : memref<16x128xf32, #tpu.memory_space<vmem>>, vector<1x16xf32>,
    %swap3A_433 = arith.constant 9 : i32
    %swap3A_434 = arith.index_cast %swap3A_433 : i32 to index
    %swap3A_435 = arith.constant 0 : index
    %swap3A_436 = tpu.vector_load %arg7[%swap3A_434, %swap3A_435] {strides = array<i32>} : memref<16x128xf32, #tpu.memory_space<vmem>>, vector<1x16xf32>,
    %swap3A_437 = vector.shape_cast %swap3A_436 : vector<1x16xf32> to vector<16xf32>
    %swap3A_438 = vector.shape_cast %broadcast_in_dim3A_1 : vector<16xf32> to vector<1x16xf32>
    tpu.vector_store %arg7[%swap3A_434, %swap3A_435], %swap3A_438 {strides = array<i32>} : memref<16x128xf32, #tpu.memory_space<vmem>>, vector<1x16xf32>,
    %swap3A_439 = arith.constant 9 : i32
    %swap3A_440 = arith.index_cast %swap3A_439 : i32 to index
    %swap3A_441 = arith.constant 16 : index
    %swap3A_442 = tpu.vector_load %arg7[%swap3A_440, %swap3A_441] {strides = array<i32>} : memref<16x128xf32, #tpu.memory_space<vmem>>, vector<1x16xf32>,
    %swap3A_443 = vector.shape_cast %swap3A_442 : vector<1x16xf32> to vector<16xf32>
    %swap3A_444 = vector.shape_cast %broadcast_in_dim3A_1 : vector<16xf32> to vector<1x16xf32>
    tpu.vector_store %arg7[%swap3A_440, %swap3A_441], %swap3A_444 {strides = array<i32>} : memref<16x128xf32, #tpu.memory_space<vmem>>, vector<1x16xf32>,
    %swap3A_445 = arith.constant 9 : i32
    %swap3A_446 = arith.index_cast %swap3A_445 : i32 to index
    %swap3A_447 = arith.constant 32 : index
    %swap3A_448 = tpu.vector_load %arg7[%swap3A_446, %swap3A_447] {strides = array<i32>} : memref<16x128xf32, #tpu.memory_space<vmem>>, vector<1x16xf32>,
    %swap3A_449 = vector.shape_cast %swap3A_448 : vector<1x16xf32> to vector<16xf32>
    %swap3A_450 = vector.shape_cast %broadcast_in_dim3A_1 : vector<16xf32> to vector<1x16xf32>
    tpu.vector_store %arg7[%swap3A_446, %swap3A_447], %swap3A_450 {strides = array<i32>} : memref<16x128xf32, #tpu.memory_space<vmem>>, vector<1x16xf32>,
    %swap3A_451 = arith.constant 9 : i32
    %swap3A_452 = arith.index_cast %swap3A_451 : i32 to index
    %swap3A_453 = arith.constant 48 : index
    %swap3A_454 = tpu.vector_load %arg7[%swap3A_452, %swap3A_453] {strides = array<i32>} : memref<16x128xf32, #tpu.memory_space<vmem>>, vector<1x16xf32>,
    %swap3A_455 = vector.shape_cast %swap3A_454 : vector<1x16xf32> to vector<16xf32>
    %swap3A_456 = vector.shape_cast %broadcast_in_dim3A_1 : vector<16xf32> to vector<1x16xf32>
    tpu.vector_store %arg7[%swap3A_452, %swap3A_453], %swap3A_456 {strides = array<i32>} : memref<16x128xf32, #tpu.memory_space<vmem>>, vector<1x16xf32>,
    %swap3A_457 = arith.constant 9 : i32
    %swap3A_458 = arith.index_cast %swap3A_457 : i32 to index
    %swap3A_459 = arith.constant 64 : index
    %swap3A_460 = tpu.vector_load %arg7[%swap3A_458, %swap3A_459] {strides = array<i32>} : memref<16x128xf32, #tpu.memory_space<vmem>>, vector<1x16xf32>,
    %swap3A_461 = vector.shape_cast %swap3A_460 : vector<1x16xf32> to vector<16xf32>
    %swap3A_462 = vector.shape_cast %broadcast_in_dim3A_1 : vector<16xf32> to vector<1x16xf32>
    tpu.vector_store %arg7[%swap3A_458, %swap3A_459], %swap3A_462 {strides = array<i32>} : memref<16x128xf32, #tpu.memory_space<vmem>>, vector<1x16xf32>,
    %swap3A_463 = arith.constant 9 : i32
    %swap3A_464 = arith.index_cast %swap3A_463 : i32 to index
    %swap3A_465 = arith.constant 80 : index
    %swap3A_466 = tpu.vector_load %arg7[%swap3A_464, %swap3A_465] {strides = array<i32>} : memref<16x128xf32, #tpu.memory_space<vmem>>, vector<1x16xf32>,
    %swap3A_467 = vector.shape_cast %swap3A_466 : vector<1x16xf32> to vector<16xf32>
    %swap3A_468 = vector.shape_cast %broadcast_in_dim3A_1 : vector<16xf32> to vector<1x16xf32>
    tpu.vector_store %arg7[%swap3A_464, %swap3A_465], %swap3A_468 {strides = array<i32>} : memref<16x128xf32, #tpu.memory_space<vmem>>, vector<1x16xf32>,
    %swap3A_469 = arith.constant 9 : i32
    %swap3A_470 = arith.index_cast %swap3A_469 : i32 to index
    %swap3A_471 = arith.constant 96 : index
    %swap3A_472 = tpu.vector_load %arg7[%swap3A_470, %swap3A_471] {strides = array<i32>} : memref<16x128xf32, #tpu.memory_space<vmem>>, vector<1x16xf32>,
    %swap3A_473 = vector.shape_cast %swap3A_472 : vector<1x16xf32> to vector<16xf32>
    %swap3A_474 = vector.shape_cast %broadcast_in_dim3A_1 : vector<16xf32> to vector<1x16xf32>
    tpu.vector_store %arg7[%swap3A_470, %swap3A_471], %swap3A_474 {strides = array<i32>} : memref<16x128xf32, #tpu.memory_space<vmem>>, vector<1x16xf32>,
    %swap3A_475 = arith.constant 9 : i32
    %swap3A_476 = arith.index_cast %swap3A_475 : i32 to index
    %swap3A_477 = arith.constant 112 : index
    %swap3A_478 = tpu.vector_load %arg7[%swap3A_476, %swap3A_477] {strides = array<i32>} : memref<16x128xf32, #tpu.memory_space<vmem>>, vector<1x16xf32>,
    %swap3A_479 = vector.shape_cast %swap3A_478 : vector<1x16xf32> to vector<16xf32>
    %swap3A_480 = vector.shape_cast %broadcast_in_dim3A_1 : vector<16xf32> to vector<1x16xf32>
    tpu.vector_store %arg7[%swap3A_476, %swap3A_477], %swap3A_480 {strides = array<i32>} : memref<16x128xf32, #tpu.memory_space<vmem>>, vector<1x16xf32>,
    %swap3A_481 = arith.constant 10 : i32
    %swap3A_482 = arith.index_cast %swap3A_481 : i32 to index
    %swap3A_483 = arith.constant 0 : index
    %swap3A_484 = tpu.vector_load %arg7[%swap3A_482, %swap3A_483] {strides = array<i32>} : memref<16x128xf32, #tpu.memory_space<vmem>>, vector<1x16xf32>,
    %swap3A_485 = vector.shape_cast %swap3A_484 : vector<1x16xf32> to vector<16xf32>
    %swap3A_486 = vector.shape_cast %broadcast_in_dim3A_1 : vector<16xf32> to vector<1x16xf32>
    tpu.vector_store %arg7[%swap3A_482, %swap3A_483], %swap3A_486 {strides = array<i32>} : memref<16x128xf32, #tpu.memory_space<vmem>>, vector<1x16xf32>,
    %swap3A_487 = arith.constant 10 : i32
    %swap3A_488 = arith.index_cast %swap3A_487 : i32 to index
    %swap3A_489 = arith.constant 16 : index
    %swap3A_490 = tpu.vector_load %arg7[%swap3A_488, %swap3A_489] {strides = array<i32>} : memref<16x128xf32, #tpu.memory_space<vmem>>, vector<1x16xf32>,
    %swap3A_491 = vector.shape_cast %swap3A_490 : vector<1x16xf32> to vector<16xf32>
    %swap3A_492 = vector.shape_cast %broadcast_in_dim3A_1 : vector<16xf32> to vector<1x16xf32>
    tpu.vector_store %arg7[%swap3A_488, %swap3A_489], %swap3A_492 {strides = array<i32>} : memref<16x128xf32, #tpu.memory_space<vmem>>, vector<1x16xf32>,
    %swap3A_493 = arith.constant 10 : i32
    %swap3A_494 = arith.index_cast %swap3A_493 : i32 to index
    %swap3A_495 = arith.constant 32 : index
    %swap3A_496 = tpu.vector_load %arg7[%swap3A_494, %swap3A_495] {strides = array<i32>} : memref<16x128xf32, #tpu.memory_space<vmem>>, vector<1x16xf32>,
    %swap3A_497 = vector.shape_cast %swap3A_496 : vector<1x16xf32> to vector<16xf32>
    %swap3A_498 = vector.shape_cast %broadcast_in_dim3A_1 : vector<16xf32> to vector<1x16xf32>
    tpu.vector_store %arg7[%swap3A_494, %swap3A_495], %swap3A_498 {strides = array<i32>} : memref<16x128xf32, #tpu.memory_space<vmem>>, vector<1x16xf32>,
    %swap3A_499 = arith.constant 10 : i32
    %swap3A_500 = arith.index_cast %swap3A_499 : i32 to index
    %swap3A_501 = arith.constant 48 : index
    %swap3A_502 = tpu.vector_load %arg7[%swap3A_500, %swap3A_501] {strides = array<i32>} : memref<16x128xf32, #tpu.memory_space<vmem>>, vector<1x16xf32>,
    %swap3A_503 = vector.shape_cast %swap3A_502 : vector<1x16xf32> to vector<16xf32>
    %swap3A_504 = vector.shape_cast %broadcast_in_dim3A_1 : vector<16xf32> to vector<1x16xf32>
    tpu.vector_store %arg7[%swap3A_500, %swap3A_501], %swap3A_504 {strides = array<i32>} : memref<16x128xf32, #tpu.memory_space<vmem>>, vector<1x16xf32>,
    %swap3A_505 = arith.constant 10 : i32
    %swap3A_506 = arith.index_cast %swap3A_505 : i32 to index
    %swap3A_507 = arith.constant 64 : index
    %swap3A_508 = tpu.vector_load %arg7[%swap3A_506, %swap3A_507] {strides = array<i32>} : memref<16x128xf32, #tpu.memory_space<vmem>>, vector<1x16xf32>,
    %swap3A_509 = vector.shape_cast %swap3A_508 : vector<1x16xf32> to vector<16xf32>
    %swap3A_510 = vector.shape_cast %broadcast_in_dim3A_1 : vector<16xf32> to vector<1x16xf32>
    tpu.vector_store %arg7[%swap3A_506, %swap3A_507], %swap3A_510 {strides = array<i32>} : memref<16x128xf32, #tpu.memory_space<vmem>>, vector<1x16xf32>,
    %swap3A_511 = arith.constant 10 : i32
    %swap3A_512 = arith.index_cast %swap3A_511 : i32 to index
    %swap3A_513 = arith.constant 80 : index
    %swap3A_514 = tpu.vector_load %arg7[%swap3A_512, %swap3A_513] {strides = array<i32>} : memref<16x128xf32, #tpu.memory_space<vmem>>, vector<1x16xf32>,
    %swap3A_515 = vector.shape_cast %swap3A_514 : vector<1x16xf32> to vector<16xf32>
    %swap3A_516 = vector.shape_cast %broadcast_in_dim3A_1 : vector<16xf32> to vector<1x16xf32>
    tpu.vector_store %arg7[%swap3A_512, %swap3A_513], %swap3A_516 {strides = array<i32>} : memref<16x128xf32, #tpu.memory_space<vmem>>, vector<1x16xf32>,
    %swap3A_517 = arith.constant 10 : i32
    %swap3A_518 = arith.index_cast %swap3A_517 : i32 to index
    %swap3A_519 = arith.constant 96 : index
    %swap3A_520 = tpu.vector_load %arg7[%swap3A_518, %swap3A_519] {strides = array<i32>} : memref<16x128xf32, #tpu.memory_space<vmem>>, vector<1x16xf32>,
    %swap3A_521 = vector.shape_cast %swap3A_520 : vector<1x16xf32> to vector<16xf32>
    %swap3A_522 = vector.shape_cast %broadcast_in_dim3A_1 : vector<16xf32> to vector<1x16xf32>
    tpu.vector_store %arg7[%swap3A_518, %swap3A_519], %swap3A_522 {strides = array<i32>} : memref<16x128xf32, #tpu.memory_space<vmem>>, vector<1x16xf32>,
    %swap3A_523 = arith.constant 10 : i32
    %swap3A_524 = arith.index_cast %swap3A_523 : i32 to index
    %swap3A_525 = arith.constant 112 : index
    %swap3A_526 = tpu.vector_load %arg7[%swap3A_524, %swap3A_525] {strides = array<i32>} : memref<16x128xf32, #tpu.memory_space<vmem>>, vector<1x16xf32>,
    %swap3A_527 = vector.shape_cast %swap3A_526 : vector<1x16xf32> to vector<16xf32>
    %swap3A_528 = vector.shape_cast %broadcast_in_dim3A_1 : vector<16xf32> to vector<1x16xf32>
    tpu.vector_store %arg7[%swap3A_524, %swap3A_525], %swap3A_528 {strides = array<i32>} : memref<16x128xf32, #tpu.memory_space<vmem>>, vector<1x16xf32>,
    %swap3A_529 = arith.constant 11 : i32
    %swap3A_530 = arith.index_cast %swap3A_529 : i32 to index
    %swap3A_531 = arith.constant 0 : index
    %swap3A_532 = tpu.vector_load %arg7[%swap3A_530, %swap3A_531] {strides = array<i32>} : memref<16x128xf32, #tpu.memory_space<vmem>>, vector<1x16xf32>,
    %swap3A_533 = vector.shape_cast %swap3A_532 : vector<1x16xf32> to vector<16xf32>
    %swap3A_534 = vector.shape_cast %broadcast_in_dim3A_1 : vector<16xf32> to vector<1x16xf32>
    tpu.vector_store %arg7[%swap3A_530, %swap3A_531], %swap3A_534 {strides = array<i32>} : memref<16x128xf32, #tpu.memory_space<vmem>>, vector<1x16xf32>,
    %swap3A_535 = arith.constant 11 : i32
    %swap3A_536 = arith.index_cast %swap3A_535 : i32 to index
    %swap3A_537 = arith.constant 16 : index
    %swap3A_538 = tpu.vector_load %arg7[%swap3A_536, %swap3A_537] {strides = array<i32>} : memref<16x128xf32, #tpu.memory_space<vmem>>, vector<1x16xf32>,
    %swap3A_539 = vector.shape_cast %swap3A_538 : vector<1x16xf32> to vector<16xf32>
    %swap3A_540 = vector.shape_cast %broadcast_in_dim3A_1 : vector<16xf32> to vector<1x16xf32>
    tpu.vector_store %arg7[%swap3A_536, %swap3A_537], %swap3A_540 {strides = array<i32>} : memref<16x128xf32, #tpu.memory_space<vmem>>, vector<1x16xf32>,
    %swap3A_541 = arith.constant 11 : i32
    %swap3A_542 = arith.index_cast %swap3A_541 : i32 to index
    %swap3A_543 = arith.constant 32 : index
    %swap3A_544 = tpu.vector_load %arg7[%swap3A_542, %swap3A_543] {strides = array<i32>} : memref<16x128xf32, #tpu.memory_space<vmem>>, vector<1x16xf32>,
    %swap3A_545 = vector.shape_cast %swap3A_544 : vector<1x16xf32> to vector<16xf32>
    %swap3A_546 = vector.shape_cast %broadcast_in_dim3A_1 : vector<16xf32> to vector<1x16xf32>
    tpu.vector_store %arg7[%swap3A_542, %swap3A_543], %swap3A_546 {strides = array<i32>} : memref<16x128xf32, #tpu.memory_space<vmem>>, vector<1x16xf32>,
    %swap3A_547 = arith.constant 11 : i32
    %swap3A_548 = arith.index_cast %swap3A_547 : i32 to index
    %swap3A_549 = arith.constant 48 : index
    %swap3A_550 = tpu.vector_load %arg7[%swap3A_548, %swap3A_549] {strides = array<i32>} : memref<16x128xf32, #tpu.memory_space<vmem>>, vector<1x16xf32>,
    %swap3A_551 = vector.shape_cast %swap3A_550 : vector<1x16xf32> to vector<16xf32>
    %swap3A_552 = vector.shape_cast %broadcast_in_dim3A_1 : vector<16xf32> to vector<1x16xf32>
    tpu.vector_store %arg7[%swap3A_548, %swap3A_549], %swap3A_552 {strides = array<i32>} : memref<16x128xf32, #tpu.memory_space<vmem>>, vector<1x16xf32>,
    %swap3A_553 = arith.constant 11 : i32
    %swap3A_554 = arith.index_cast %swap3A_553 : i32 to index
    %swap3A_555 = arith.constant 64 : index
    %swap3A_556 = tpu.vector_load %arg7[%swap3A_554, %swap3A_555] {strides = array<i32>} : memref<16x128xf32, #tpu.memory_space<vmem>>, vector<1x16xf32>,
    %swap3A_557 = vector.shape_cast %swap3A_556 : vector<1x16xf32> to vector<16xf32>
    %swap3A_558 = vector.shape_cast %broadcast_in_dim3A_1 : vector<16xf32> to vector<1x16xf32>
    tpu.vector_store %arg7[%swap3A_554, %swap3A_555], %swap3A_558 {strides = array<i32>} : memref<16x128xf32, #tpu.memory_space<vmem>>, vector<1x16xf32>,
    %swap3A_559 = arith.constant 11 : i32
    %swap3A_560 = arith.index_cast %swap3A_559 : i32 to index
    %swap3A_561 = arith.constant 80 : index
    %swap3A_562 = tpu.vector_load %arg7[%swap3A_560, %swap3A_561] {strides = array<i32>} : memref<16x128xf32, #tpu.memory_space<vmem>>, vector<1x16xf32>,
    %swap3A_563 = vector.shape_cast %swap3A_562 : vector<1x16xf32> to vector<16xf32>
    %swap3A_564 = vector.shape_cast %broadcast_in_dim3A_1 : vector<16xf32> to vector<1x16xf32>
    tpu.vector_store %arg7[%swap3A_560, %swap3A_561], %swap3A_564 {strides = array<i32>} : memref<16x128xf32, #tpu.memory_space<vmem>>, vector<1x16xf32>,
    %swap3A_565 = arith.constant 11 : i32
    %swap3A_566 = arith.index_cast %swap3A_565 : i32 to index
    %swap3A_567 = arith.constant 96 : index
    %swap3A_568 = tpu.vector_load %arg7[%swap3A_566, %swap3A_567] {strides = array<i32>} : memref<16x128xf32, #tpu.memory_space<vmem>>, vector<1x16xf32>,
    %swap3A_569 = vector.shape_cast %swap3A_568 : vector<1x16xf32> to vector<16xf32>
    %swap3A_570 = vector.shape_cast %broadcast_in_dim3A_1 : vector<16xf32> to vector<1x16xf32>
    tpu.vector_store %arg7[%swap3A_566, %swap3A_567], %swap3A_570 {strides = array<i32>} : memref<16x128xf32, #tpu.memory_space<vmem>>, vector<1x16xf32>,
    %swap3A_571 = arith.constant 11 : i32
    %swap3A_572 = arith.index_cast %swap3A_571 : i32 to index
    %swap3A_573 = arith.constant 112 : index
    %swap3A_574 = tpu.vector_load %arg7[%swap3A_572, %swap3A_573] {strides = array<i32>} : memref<16x128xf32, #tpu.memory_space<vmem>>, vector<1x16xf32>,
    %swap3A_575 = vector.shape_cast %swap3A_574 : vector<1x16xf32> to vector<16xf32>
    %swap3A_576 = vector.shape_cast %broadcast_in_dim3A_1 : vector<16xf32> to vector<1x16xf32>
    tpu.vector_store %arg7[%swap3A_572, %swap3A_573], %swap3A_576 {strides = array<i32>} : memref<16x128xf32, #tpu.memory_space<vmem>>, vector<1x16xf32>,
    %swap3A_577 = arith.constant 12 : i32
    %swap3A_578 = arith.index_cast %swap3A_577 : i32 to index
    %swap3A_579 = arith.constant 0 : index
    %swap3A_580 = tpu.vector_load %arg7[%swap3A_578, %swap3A_579] {strides = array<i32>} : memref<16x128xf32, #tpu.memory_space<vmem>>, vector<1x16xf32>,
    %swap3A_581 = vector.shape_cast %swap3A_580 : vector<1x16xf32> to vector<16xf32>
    %swap3A_582 = vector.shape_cast %broadcast_in_dim3A_1 : vector<16xf32> to vector<1x16xf32>
    tpu.vector_store %arg7[%swap3A_578, %swap3A_579], %swap3A_582 {strides = array<i32>} : memref<16x128xf32, #tpu.memory_space<vmem>>, vector<1x16xf32>,
    %swap3A_583 = arith.constant 12 : i32
    %swap3A_584 = arith.index_cast %swap3A_583 : i32 to index
    %swap3A_585 = arith.constant 16 : index
    %swap3A_586 = tpu.vector_load %arg7[%swap3A_584, %swap3A_585] {strides = array<i32>} : memref<16x128xf32, #tpu.memory_space<vmem>>, vector<1x16xf32>,
    %swap3A_587 = vector.shape_cast %swap3A_586 : vector<1x16xf32> to vector<16xf32>
    %swap3A_588 = vector.shape_cast %broadcast_in_dim3A_1 : vector<16xf32> to vector<1x16xf32>
    tpu.vector_store %arg7[%swap3A_584, %swap3A_585], %swap3A_588 {strides = array<i32>} : memref<16x128xf32, #tpu.memory_space<vmem>>, vector<1x16xf32>,
    %swap3A_589 = arith.constant 12 : i32
    %swap3A_590 = arith.index_cast %swap3A_589 : i32 to index
    %swap3A_591 = arith.constant 32 : index
    %swap3A_592 = tpu.vector_load %arg7[%swap3A_590, %swap3A_591] {strides = array<i32>} : memref<16x128xf32, #tpu.memory_space<vmem>>, vector<1x16xf32>,
    %swap3A_593 = vector.shape_cast %swap3A_592 : vector<1x16xf32> to vector<16xf32>
    %swap3A_594 = vector.shape_cast %broadcast_in_dim3A_1 : vector<16xf32> to vector<1x16xf32>
    tpu.vector_store %arg7[%swap3A_590, %swap3A_591], %swap3A_594 {strides = array<i32>} : memref<16x128xf32, #tpu.memory_space<vmem>>, vector<1x16xf32>,
    %swap3A_595 = arith.constant 12 : i32
    %swap3A_596 = arith.index_cast %swap3A_595 : i32 to index
    %swap3A_597 = arith.constant 48 : index
    %swap3A_598 = tpu.vector_load %arg7[%swap3A_596, %swap3A_597] {strides = array<i32>} : memref<16x128xf32, #tpu.memory_space<vmem>>, vector<1x16xf32>,
    %swap3A_599 = vector.shape_cast %swap3A_598 : vector<1x16xf32> to vector<16xf32>
    %swap3A_600 = vector.shape_cast %broadcast_in_dim3A_1 : vector<16xf32> to vector<1x16xf32>
    tpu.vector_store %arg7[%swap3A_596, %swap3A_597], %swap3A_600 {strides = array<i32>} : memref<16x128xf32, #tpu.memory_space<vmem>>, vector<1x16xf32>,
    %swap3A_601 = arith.constant 12 : i32
    %swap3A_602 = arith.index_cast %swap3A_601 : i32 to index
    %swap3A_603 = arith.constant 64 : index
    %swap3A_604 = tpu.vector_load %arg7[%swap3A_602, %swap3A_603] {strides = array<i32>} : memref<16x128xf32, #tpu.memory_space<vmem>>, vector<1x16xf32>,
    %swap3A_605 = vector.shape_cast %swap3A_604 : vector<1x16xf32> to vector<16xf32>
    %swap3A_606 = vector.shape_cast %broadcast_in_dim3A_1 : vector<16xf32> to vector<1x16xf32>
    tpu.vector_store %arg7[%swap3A_602, %swap3A_603], %swap3A_606 {strides = array<i32>} : memref<16x128xf32, #tpu.memory_space<vmem>>, vector<1x16xf32>,
    %swap3A_607 = arith.constant 12 : i32
    %swap3A_608 = arith.index_cast %swap3A_607 : i32 to index
    %swap3A_609 = arith.constant 80 : index
    %swap3A_610 = tpu.vector_load %arg7[%swap3A_608, %swap3A_609] {strides = array<i32>} : memref<16x128xf32, #tpu.memory_space<vmem>>, vector<1x16xf32>,
    %swap3A_611 = vector.shape_cast %swap3A_610 : vector<1x16xf32> to vector<16xf32>
    %swap3A_612 = vector.shape_cast %broadcast_in_dim3A_1 : vector<16xf32> to vector<1x16xf32>
    tpu.vector_store %arg7[%swap3A_608, %swap3A_609], %swap3A_612 {strides = array<i32>} : memref<16x128xf32, #tpu.memory_space<vmem>>, vector<1x16xf32>,
    %swap3A_613 = arith.constant 12 : i32
    %swap3A_614 = arith.index_cast %swap3A_613 : i32 to index
    %swap3A_615 = arith.constant 96 : index
    %swap3A_616 = tpu.vector_load %arg7[%swap3A_614, %swap3A_615] {strides = array<i32>} : memref<16x128xf32, #tpu.memory_space<vmem>>, vector<1x16xf32>,
    %swap3A_617 = vector.shape_cast %swap3A_616 : vector<1x16xf32> to vector<16xf32>
    %swap3A_618 = vector.shape_cast %broadcast_in_dim3A_1 : vector<16xf32> to vector<1x16xf32>
    tpu.vector_store %arg7[%swap3A_614, %swap3A_615], %swap3A_618 {strides = array<i32>} : memref<16x128xf32, #tpu.memory_space<vmem>>, vector<1x16xf32>,
    %swap3A_619 = arith.constant 12 : i32
    %swap3A_620 = arith.index_cast %swap3A_619 : i32 to index
    %swap3A_621 = arith.constant 112 : index
    %swap3A_622 = tpu.vector_load %arg7[%swap3A_620, %swap3A_621] {strides = array<i32>} : memref<16x128xf32, #tpu.memory_space<vmem>>, vector<1x16xf32>,
    %swap3A_623 = vector.shape_cast %swap3A_622 : vector<1x16xf32> to vector<16xf32>
    %swap3A_624 = vector.shape_cast %broadcast_in_dim3A_1 : vector<16xf32> to vector<1x16xf32>
    tpu.vector_store %arg7[%swap3A_620, %swap3A_621], %swap3A_624 {strides = array<i32>} : memref<16x128xf32, #tpu.memory_space<vmem>>, vector<1x16xf32>,
    %swap3A_625 = arith.constant 13 : i32
    %swap3A_626 = arith.index_cast %swap3A_625 : i32 to index
    %swap3A_627 = arith.constant 0 : index
    %swap3A_628 = tpu.vector_load %arg7[%swap3A_626, %swap3A_627] {strides = array<i32>} : memref<16x128xf32, #tpu.memory_space<vmem>>, vector<1x16xf32>,
    %swap3A_629 = vector.shape_cast %swap3A_628 : vector<1x16xf32> to vector<16xf32>
    %swap3A_630 = vector.shape_cast %broadcast_in_dim3A_1 : vector<16xf32> to vector<1x16xf32>
    tpu.vector_store %arg7[%swap3A_626, %swap3A_627], %swap3A_630 {strides = array<i32>} : memref<16x128xf32, #tpu.memory_space<vmem>>, vector<1x16xf32>,
    %swap3A_631 = arith.constant 13 : i32
    %swap3A_632 = arith.index_cast %swap3A_631 : i32 to index
    %swap3A_633 = arith.constant 16 : index
    %swap3A_634 = tpu.vector_load %arg7[%swap3A_632, %swap3A_633] {strides = array<i32>} : memref<16x128xf32, #tpu.memory_space<vmem>>, vector<1x16xf32>,
    %swap3A_635 = vector.shape_cast %swap3A_634 : vector<1x16xf32> to vector<16xf32>
    %swap3A_636 = vector.shape_cast %broadcast_in_dim3A_1 : vector<16xf32> to vector<1x16xf32>
    tpu.vector_store %arg7[%swap3A_632, %swap3A_633], %swap3A_636 {strides = array<i32>} : memref<16x128xf32, #tpu.memory_space<vmem>>, vector<1x16xf32>,
    %swap3A_637 = arith.constant 13 : i32
    %swap3A_638 = arith.index_cast %swap3A_637 : i32 to index
    %swap3A_639 = arith.constant 32 : index
    %swap3A_640 = tpu.vector_load %arg7[%swap3A_638, %swap3A_639] {strides = array<i32>} : memref<16x128xf32, #tpu.memory_space<vmem>>, vector<1x16xf32>,
    %swap3A_641 = vector.shape_cast %swap3A_640 : vector<1x16xf32> to vector<16xf32>
    %swap3A_642 = vector.shape_cast %broadcast_in_dim3A_1 : vector<16xf32> to vector<1x16xf32>
    tpu.vector_store %arg7[%swap3A_638, %swap3A_639], %swap3A_642 {strides = array<i32>} : memref<16x128xf32, #tpu.memory_space<vmem>>, vector<1x16xf32>,
    %swap3A_643 = arith.constant 13 : i32
    %swap3A_644 = arith.index_cast %swap3A_643 : i32 to index
    %swap3A_645 = arith.constant 48 : index
    %swap3A_646 = tpu.vector_load %arg7[%swap3A_644, %swap3A_645] {strides = array<i32>} : memref<16x128xf32, #tpu.memory_space<vmem>>, vector<1x16xf32>,
    %swap3A_647 = vector.shape_cast %swap3A_646 : vector<1x16xf32> to vector<16xf32>
    %swap3A_648 = vector.shape_cast %broadcast_in_dim3A_1 : vector<16xf32> to vector<1x16xf32>
    tpu.vector_store %arg7[%swap3A_644, %swap3A_645], %swap3A_648 {strides = array<i32>} : memref<16x128xf32, #tpu.memory_space<vmem>>, vector<1x16xf32>,
    %swap3A_649 = arith.constant 13 : i32
    %swap3A_650 = arith.index_cast %swap3A_649 : i32 to index
    %swap3A_651 = arith.constant 64 : index
    %swap3A_652 = tpu.vector_load %arg7[%swap3A_650, %swap3A_651] {strides = array<i32>} : memref<16x128xf32, #tpu.memory_space<vmem>>, vector<1x16xf32>,
    %swap3A_653 = vector.shape_cast %swap3A_652 : vector<1x16xf32> to vector<16xf32>
    %swap3A_654 = vector.shape_cast %broadcast_in_dim3A_1 : vector<16xf32> to vector<1x16xf32>
    tpu.vector_store %arg7[%swap3A_650, %swap3A_651], %swap3A_654 {strides = array<i32>} : memref<16x128xf32, #tpu.memory_space<vmem>>, vector<1x16xf32>,
    %swap3A_655 = arith.constant 13 : i32
    %swap3A_656 = arith.index_cast %swap3A_655 : i32 to index
    %swap3A_657 = arith.constant 80 : index
    %swap3A_658 = tpu.vector_load %arg7[%swap3A_656, %swap3A_657] {strides = array<i32>} : memref<16x128xf32, #tpu.memory_space<vmem>>, vector<1x16xf32>,
    %swap3A_659 = vector.shape_cast %swap3A_658 : vector<1x16xf32> to vector<16xf32>
    %swap3A_660 = vector.shape_cast %broadcast_in_dim3A_1 : vector<16xf32> to vector<1x16xf32>
    tpu.vector_store %arg7[%swap3A_656, %swap3A_657], %swap3A_660 {strides = array<i32>} : memref<16x128xf32, #tpu.memory_space<vmem>>, vector<1x16xf32>,
    %swap3A_661 = arith.constant 13 : i32
    %swap3A_662 = arith.index_cast %swap3A_661 : i32 to index
    %swap3A_663 = arith.constant 96 : index
    %swap3A_664 = tpu.vector_load %arg7[%swap3A_662, %swap3A_663] {strides = array<i32>} : memref<16x128xf32, #tpu.memory_space<vmem>>, vector<1x16xf32>,
    %swap3A_665 = vector.shape_cast %swap3A_664 : vector<1x16xf32> to vector<16xf32>
    %swap3A_666 = vector.shape_cast %broadcast_in_dim3A_1 : vector<16xf32> to vector<1x16xf32>
    tpu.vector_store %arg7[%swap3A_662, %swap3A_663], %swap3A_666 {strides = array<i32>} : memref<16x128xf32, #tpu.memory_space<vmem>>, vector<1x16xf32>,
    %swap3A_667 = arith.constant 13 : i32
    %swap3A_668 = arith.index_cast %swap3A_667 : i32 to index
    %swap3A_669 = arith.constant 112 : index
    %swap3A_670 = tpu.vector_load %arg7[%swap3A_668, %swap3A_669] {strides = array<i32>} : memref<16x128xf32, #tpu.memory_space<vmem>>, vector<1x16xf32>,
    %swap3A_671 = vector.shape_cast %swap3A_670 : vector<1x16xf32> to vector<16xf32>
    %swap3A_672 = vector.shape_cast %broadcast_in_dim3A_1 : vector<16xf32> to vector<1x16xf32>
    tpu.vector_store %arg7[%swap3A_668, %swap3A_669], %swap3A_672 {strides = array<i32>} : memref<16x128xf32, #tpu.memory_space<vmem>>, vector<1x16xf32>,
    %swap3A_673 = arith.constant 14 : i32
    %swap3A_674 = arith.index_cast %swap3A_673 : i32 to index
    %swap3A_675 = arith.constant 0 : index
    %swap3A_676 = tpu.vector_load %arg7[%swap3A_674, %swap3A_675] {strides = array<i32>} : memref<16x128xf32, #tpu.memory_space<vmem>>, vector<1x16xf32>,
    %swap3A_677 = vector.shape_cast %swap3A_676 : vector<1x16xf32> to vector<16xf32>
    %swap3A_678 = vector.shape_cast %broadcast_in_dim3A_1 : vector<16xf32> to vector<1x16xf32>
    tpu.vector_store %arg7[%swap3A_674, %swap3A_675], %swap3A_678 {strides = array<i32>} : memref<16x128xf32, #tpu.memory_space<vmem>>, vector<1x16xf32>,
    %swap3A_679 = arith.constant 14 : i32
    %swap3A_680 = arith.index_cast %swap3A_679 : i32 to index
    %swap3A_681 = arith.constant 16 : index
    %swap3A_682 = tpu.vector_load %arg7[%swap3A_680, %swap3A_681] {strides = array<i32>} : memref<16x128xf32, #tpu.memory_space<vmem>>, vector<1x16xf32>,
    %swap3A_683 = vector.shape_cast %swap3A_682 : vector<1x16xf32> to vector<16xf32>
    %swap3A_684 = vector.shape_cast %broadcast_in_dim3A_1 : vector<16xf32> to vector<1x16xf32>
    tpu.vector_store %arg7[%swap3A_680, %swap3A_681], %swap3A_684 {strides = array<i32>} : memref<16x128xf32, #tpu.memory_space<vmem>>, vector<1x16xf32>,
    %swap3A_685 = arith.constant 14 : i32
    %swap3A_686 = arith.index_cast %swap3A_685 : i32 to index
    %swap3A_687 = arith.constant 32 : index
    %swap3A_688 = tpu.vector_load %arg7[%swap3A_686, %swap3A_687] {strides = array<i32>} : memref<16x128xf32, #tpu.memory_space<vmem>>, vector<1x16xf32>,
    %swap3A_689 = vector.shape_cast %swap3A_688 : vector<1x16xf32> to vector<16xf32>
    %swap3A_690 = vector.shape_cast %broadcast_in_dim3A_1 : vector<16xf32> to vector<1x16xf32>
    tpu.vector_store %arg7[%swap3A_686, %swap3A_687], %swap3A_690 {strides = array<i32>} : memref<16x128xf32, #tpu.memory_space<vmem>>, vector<1x16xf32>,
    %swap3A_691 = arith.constant 14 : i32
    %swap3A_692 = arith.index_cast %swap3A_691 : i32 to index
    %swap3A_693 = arith.constant 48 : index
    %swap3A_694 = tpu.vector_load %arg7[%swap3A_692, %swap3A_693] {strides = array<i32>} : memref<16x128xf32, #tpu.memory_space<vmem>>, vector<1x16xf32>,
    %swap3A_695 = vector.shape_cast %swap3A_694 : vector<1x16xf32> to vector<16xf32>
    %swap3A_696 = vector.shape_cast %broadcast_in_dim3A_1 : vector<16xf32> to vector<1x16xf32>
    tpu.vector_store %arg7[%swap3A_692, %swap3A_693], %swap3A_696 {strides = array<i32>} : memref<16x128xf32, #tpu.memory_space<vmem>>, vector<1x16xf32>,
    %swap3A_697 = arith.constant 14 : i32
    %swap3A_698 = arith.index_cast %swap3A_697 : i32 to index
    %swap3A_699 = arith.constant 64 : index
    %swap3A_700 = tpu.vector_load %arg7[%swap3A_698, %swap3A_699] {strides = array<i32>} : memref<16x128xf32, #tpu.memory_space<vmem>>, vector<1x16xf32>,
    %swap3A_701 = vector.shape_cast %swap3A_700 : vector<1x16xf32> to vector<16xf32>
    %swap3A_702 = vector.shape_cast %broadcast_in_dim3A_1 : vector<16xf32> to vector<1x16xf32>
    tpu.vector_store %arg7[%swap3A_698, %swap3A_699], %swap3A_702 {strides = array<i32>} : memref<16x128xf32, #tpu.memory_space<vmem>>, vector<1x16xf32>,
    %swap3A_703 = arith.constant 14 : i32
    %swap3A_704 = arith.index_cast %swap3A_703 : i32 to index
    %swap3A_705 = arith.constant 80 : index
    %swap3A_706 = tpu.vector_load %arg7[%swap3A_704, %swap3A_705] {strides = array<i32>} : memref<16x128xf32, #tpu.memory_space<vmem>>, vector<1x16xf32>,
    %swap3A_707 = vector.shape_cast %swap3A_706 : vector<1x16xf32> to vector<16xf32>
    %swap3A_708 = vector.shape_cast %broadcast_in_dim3A_1 : vector<16xf32> to vector<1x16xf32>
    tpu.vector_store %arg7[%swap3A_704, %swap3A_705], %swap3A_708 {strides = array<i32>} : memref<16x128xf32, #tpu.memory_space<vmem>>, vector<1x16xf32>,
    %swap3A_709 = arith.constant 14 : i32
    %swap3A_710 = arith.index_cast %swap3A_709 : i32 to index
    %swap3A_711 = arith.constant 96 : index
    %swap3A_712 = tpu.vector_load %arg7[%swap3A_710, %swap3A_711] {strides = array<i32>} : memref<16x128xf32, #tpu.memory_space<vmem>>, vector<1x16xf32>,
    %swap3A_713 = vector.shape_cast %swap3A_712 : vector<1x16xf32> to vector<16xf32>
    %swap3A_714 = vector.shape_cast %broadcast_in_dim3A_1 : vector<16xf32> to vector<1x16xf32>
    tpu.vector_store %arg7[%swap3A_710, %swap3A_711], %swap3A_714 {strides = array<i32>} : memref<16x128xf32, #tpu.memory_space<vmem>>, vector<1x16xf32>,
    %swap3A_715 = arith.constant 14 : i32
    %swap3A_716 = arith.index_cast %swap3A_715 : i32 to index
    %swap3A_717 = arith.constant 112 : index
    %swap3A_718 = tpu.vector_load %arg7[%swap3A_716, %swap3A_717] {strides = array<i32>} : memref<16x128xf32, #tpu.memory_space<vmem>>, vector<1x16xf32>,
    %swap3A_719 = vector.shape_cast %swap3A_718 : vector<1x16xf32> to vector<16xf32>
    %swap3A_720 = vector.shape_cast %broadcast_in_dim3A_1 : vector<16xf32> to vector<1x16xf32>
    tpu.vector_store %arg7[%swap3A_716, %swap3A_717], %swap3A_720 {strides = array<i32>} : memref<16x128xf32, #tpu.memory_space<vmem>>, vector<1x16xf32>,
    %swap3A_721 = arith.constant 15 : i32
    %swap3A_722 = arith.index_cast %swap3A_721 : i32 to index
    %swap3A_723 = arith.constant 0 : index
    %swap3A_724 = tpu.vector_load %arg7[%swap3A_722, %swap3A_723] {strides = array<i32>} : memref<16x128xf32, #tpu.memory_space<vmem>>, vector<1x16xf32>,
    %swap3A_725 = vector.shape_cast %swap3A_724 : vector<1x16xf32> to vector<16xf32>
    %swap3A_726 = vector.shape_cast %broadcast_in_dim3A_1 : vector<16xf32> to vector<1x16xf32>
    tpu.vector_store %arg7[%swap3A_722, %swap3A_723], %swap3A_726 {strides = array<i32>} : memref<16x128xf32, #tpu.memory_space<vmem>>, vector<1x16xf32>,
    %swap3A_727 = arith.constant 15 : i32
    %swap3A_728 = arith.index_cast %swap3A_727 : i32 to index
    %swap3A_729 = arith.constant 16 : index
    %swap3A_730 = tpu.vector_load %arg7[%swap3A_728, %swap3A_729] {strides = array<i32>} : memref<16x128xf32, #tpu.memory_space<vmem>>, vector<1x16xf32>,
    %swap3A_731 = vector.shape_cast %swap3A_730 : vector<1x16xf32> to vector<16xf32>
    %swap3A_732 = vector.shape_cast %broadcast_in_dim3A_1 : vector<16xf32> to vector<1x16xf32>
    tpu.vector_store %arg7[%swap3A_728, %swap3A_729], %swap3A_732 {strides = array<i32>} : memref<16x128xf32, #tpu.memory_space<vmem>>, vector<1x16xf32>,
    %swap3A_733 = arith.constant 15 : i32
    %swap3A_734 = arith.index_cast %swap3A_733 : i32 to index
    %swap3A_735 = arith.constant 32 : index
    %swap3A_736 = tpu.vector_load %arg7[%swap3A_734, %swap3A_735] {strides = array<i32>} : memref<16x128xf32, #tpu.memory_space<vmem>>, vector<1x16xf32>,
    %swap3A_737 = vector.shape_cast %swap3A_736 : vector<1x16xf32> to vector<16xf32>
    %swap3A_738 = vector.shape_cast %broadcast_in_dim3A_1 : vector<16xf32> to vector<1x16xf32>
    tpu.vector_store %arg7[%swap3A_734, %swap3A_735], %swap3A_738 {strides = array<i32>} : memref<16x128xf32, #tpu.memory_space<vmem>>, vector<1x16xf32>,
    %swap3A_739 = arith.constant 15 : i32
    %swap3A_740 = arith.index_cast %swap3A_739 : i32 to index
    %swap3A_741 = arith.constant 48 : index
    %swap3A_742 = tpu.vector_load %arg7[%swap3A_740, %swap3A_741] {strides = array<i32>} : memref<16x128xf32, #tpu.memory_space<vmem>>, vector<1x16xf32>,
    %swap3A_743 = vector.shape_cast %swap3A_742 : vector<1x16xf32> to vector<16xf32>
    %swap3A_744 = vector.shape_cast %broadcast_in_dim3A_1 : vector<16xf32> to vector<1x16xf32>
    tpu.vector_store %arg7[%swap3A_740, %swap3A_741], %swap3A_744 {strides = array<i32>} : memref<16x128xf32, #tpu.memory_space<vmem>>, vector<1x16xf32>,
    %swap3A_745 = arith.constant 15 : i32
    %swap3A_746 = arith.index_cast %swap3A_745 : i32 to index
    %swap3A_747 = arith.constant 64 : index
    %swap3A_748 = tpu.vector_load %arg7[%swap3A_746, %swap3A_747] {strides = array<i32>} : memref<16x128xf32, #tpu.memory_space<vmem>>, vector<1x16xf32>,
    %swap3A_749 = vector.shape_cast %swap3A_748 : vector<1x16xf32> to vector<16xf32>
    %swap3A_750 = vector.shape_cast %broadcast_in_dim3A_1 : vector<16xf32> to vector<1x16xf32>
    tpu.vector_store %arg7[%swap3A_746, %swap3A_747], %swap3A_750 {strides = array<i32>} : memref<16x128xf32, #tpu.memory_space<vmem>>, vector<1x16xf32>,
    %swap3A_751 = arith.constant 15 : i32
    %swap3A_752 = arith.index_cast %swap3A_751 : i32 to index
    %swap3A_753 = arith.constant 80 : index
    %swap3A_754 = tpu.vector_load %arg7[%swap3A_752, %swap3A_753] {strides = array<i32>} : memref<16x128xf32, #tpu.memory_space<vmem>>, vector<1x16xf32>,
    %swap3A_755 = vector.shape_cast %swap3A_754 : vector<1x16xf32> to vector<16xf32>
    %swap3A_756 = vector.shape_cast %broadcast_in_dim3A_1 : vector<16xf32> to vector<1x16xf32>
    tpu.vector_store %arg7[%swap3A_752, %swap3A_753], %swap3A_756 {strides = array<i32>} : memref<16x128xf32, #tpu.memory_space<vmem>>, vector<1x16xf32>,
    %swap3A_757 = arith.constant 15 : i32
    %swap3A_758 = arith.index_cast %swap3A_757 : i32 to index
    %swap3A_759 = arith.constant 96 : index
    %swap3A_760 = tpu.vector_load %arg7[%swap3A_758, %swap3A_759] {strides = array<i32>} : memref<16x128xf32, #tpu.memory_space<vmem>>, vector<1x16xf32>,
    %swap3A_761 = vector.shape_cast %swap3A_760 : vector<1x16xf32> to vector<16xf32>
    %swap3A_762 = vector.shape_cast %broadcast_in_dim3A_1 : vector<16xf32> to vector<1x16xf32>
    tpu.vector_store %arg7[%swap3A_758, %swap3A_759], %swap3A_762 {strides = array<i32>} : memref<16x128xf32, #tpu.memory_space<vmem>>, vector<1x16xf32>,
    %swap3A_763 = arith.constant 15 : i32
    %swap3A_764 = arith.index_cast %swap3A_763 : i32 to index
    %swap3A_765 = arith.constant 112 : index
    %swap3A_766 = tpu.vector_load %arg7[%swap3A_764, %swap3A_765] {strides = array<i32>} : memref<16x128xf32, #tpu.memory_space<vmem>>, vector<1x16xf32>,
    %swap3A_767 = vector.shape_cast %swap3A_766 : vector<1x16xf32> to vector<16xf32>
    %swap3A_768 = vector.shape_cast %broadcast_in_dim3A_1 : vector<16xf32> to vector<1x16xf32>
    tpu.vector_store %arg7[%swap3A_764, %swap3A_765], %swap3A_768 {strides = array<i32>} : memref<16x128xf32, #tpu.memory_space<vmem>>, vector<1x16xf32>,
    %mul3A_769 = arith.constant 16 : i32
    %mul3A_770 = arith.muli %arg1, %mul3A_769 : i32
    "tpu.region"() ({
      %run_scoped3A = tpu.sem_alloc : memref<!tpu.dma_semaphore, #tpu.memory_space<semaphore_mem>>
      %dma_start3A = arith.constant 0 : i32
      %dma_start3A_945 = tpu.memref_slice %arg8[%mul3A_770, %dma_start3A] : memref<264x128xf32, #tpu.memory_space<vmem_shared>> -> memref<16x128xf32, #tpu.memory_space<vmem_shared>>
      %dma_start3A_946 = arith.constant 0 : i32
      %dma_start3A_947 = tpu.memref_slice %arg8[%mul3A_770, %dma_start3A_946] : memref<264x128xf32, #tpu.memory_space<vmem_shared>> -> memref<16x128xf32, #tpu.memory_space<vmem_shared>>
      tpu.enqueue_dma source(%arg7 : memref<16x128xf32, #tpu.memory_space<vmem>>) target(%dma_start3A_947 : memref<16x128xf32, #tpu.memory_space<vmem_shared>>) target_semaphore(%run_scoped3A : memref<!tpu.dma_semaphore, #tpu.memory_space<semaphore_mem>>)
      %dma_wait3A = arith.constant 0 : i32
      %dma_wait3A_948 = tpu.memref_slice %arg8[%mul3A_770, %dma_wait3A] : memref<264x128xf32, #tpu.memory_space<vmem_shared>> -> memref<16x128xf32, #tpu.memory_space<vmem_shared>>
      %dma_wait3A_949 = arith.constant 0 : i32
      %dma_wait3A_950 = tpu.memref_slice %arg8[%mul3A_770, %dma_wait3A_949] : memref<264x128xf32, #tpu.memory_space<vmem_shared>> -> memref<16x128xf32, #tpu.memory_space<vmem_shared>>
      tpu.wait_dma2 semaphore(%run_scoped3A : memref<!tpu.dma_semaphore, #tpu.memory_space<semaphore_mem>>) src(%arg7 : memref<16x128xf32, #tpu.memory_space<vmem>>) dst(%dma_wait3A_950 : memref<16x128xf32, #tpu.memory_space<vmem_shared>>)
      tpu.yield
    }) : () -> ()
    %eq3A = arith.constant 0 : i32
    %eq3A_771 = arith.cmpi eq, %arg1, %eq3A : i32
    %convert_element_type3A = arith.extui %eq3A_771 : i1 to i32
    %cond3A = arith.constant 0 : i32
    %cond3A_772 = arith.cmpi ne, %convert_element_type3A, %cond3A : i32
    scf.if %cond3A_772 {
      "tpu.region"() ({
        %run_scoped3A = tpu.sem_alloc : memref<!tpu.dma_semaphore, #tpu.memory_space<semaphore_mem>>
        %dma_start3A = arith.constant 0 : i32
        %dma_start3A_945 = arith.constant 0 : i32
        %dma_start3A_946 = tpu.memref_slice %arg7[%dma_start3A, %dma_start3A_945] : memref<16x128xf32, #tpu.memory_space<vmem>> -> memref<8x128xf32, #tpu.memory_space<vmem>>
        %dma_start3A_947 = arith.constant 256 : i32
        %dma_start3A_948 = arith.constant 0 : i32
        %dma_start3A_949 = tpu.memref_slice %arg8[%dma_start3A_947, %dma_start3A_948] : memref<264x128xf32, #tpu.memory_space<vmem_shared>> -> memref<8x128xf32, #tpu.memory_space<vmem_shared>>
        %dma_start3A_950 = arith.constant 256 : i32
        %dma_start3A_951 = arith.constant 0 : i32
        %dma_start3A_952 = tpu.memref_slice %arg8[%dma_start3A_950, %dma_start3A_951] : memref<264x128xf32, #tpu.memory_space<vmem_shared>> -> memref<8x128xf32, #tpu.memory_space<vmem_shared>>
        %dma_start3A_953 = arith.constant 0 : i32
        %dma_start3A_954 = arith.constant 0 : i32
        %dma_start3A_955 = tpu.memref_slice %arg7[%dma_start3A_953, %dma_start3A_954] : memref<16x128xf32, #tpu.memory_space<vmem>> -> memref<8x128xf32, #tpu.memory_space<vmem>>
        tpu.enqueue_dma source(%dma_start3A_955 : memref<8x128xf32, #tpu.memory_space<vmem>>) target(%dma_start3A_952 : memref<8x128xf32, #tpu.memory_space<vmem_shared>>) target_semaphore(%run_scoped3A : memref<!tpu.dma_semaphore, #tpu.memory_space<semaphore_mem>>)
        %dma_wait3A = arith.constant 0 : i32
        %dma_wait3A_956 = arith.constant 0 : i32
        %dma_wait3A_957 = tpu.memref_slice %arg7[%dma_wait3A, %dma_wait3A_956] : memref<16x128xf32, #tpu.memory_space<vmem>> -> memref<8x128xf32, #tpu.memory_space<vmem>>
        %dma_wait3A_958 = arith.constant 256 : i32
        %dma_wait3A_959 = arith.constant 0 : i32
        %dma_wait3A_960 = tpu.memref_slice %arg8[%dma_wait3A_958, %dma_wait3A_959] : memref<264x128xf32, #tpu.memory_space<vmem_shared>> -> memref<8x128xf32, #tpu.memory_space<vmem_shared>>
        %dma_wait3A_961 = arith.constant 256 : i32
        %dma_wait3A_962 = arith.constant 0 : i32
        %dma_wait3A_963 = tpu.memref_slice %arg8[%dma_wait3A_961, %dma_wait3A_962] : memref<264x128xf32, #tpu.memory_space<vmem_shared>> -> memref<8x128xf32, #tpu.memory_space<vmem_shared>>
        %dma_wait3A_964 = arith.constant 0 : i32
        %dma_wait3A_965 = arith.constant 0 : i32
        %dma_wait3A_966 = tpu.memref_slice %arg7[%dma_wait3A_964, %dma_wait3A_965] : memref<16x128xf32, #tpu.memory_space<vmem>> -> memref<8x128xf32, #tpu.memory_space<vmem>>
        tpu.wait_dma2 semaphore(%run_scoped3A : memref<!tpu.dma_semaphore, #tpu.memory_space<semaphore_mem>>) src(%dma_wait3A_966 : memref<8x128xf32, #tpu.memory_space<vmem>>) dst(%dma_wait3A_963 : memref<8x128xf32, #tpu.memory_space<vmem_shared>>)
        tpu.yield
      }) : () -> ()
    } else {
    }
    %mul3A_773 = arith.constant 14 : i32
    %mul3A_774 = arith.muli %mul3A_773, %add3A : i32
    %min3A = arith.constant 0 : i32
    %min3A_775 = arith.minsi %add3A, %min3A : i32
    %add3A_776 = arith.addi %mul3A_774, %min3A_775 : i32
    %lt3A = arith.constant 0 : i32
    %lt3A_777 = arith.cmpi slt, %add3A, %lt3A : i32
    %jit3A = arith.constant 15 : i32
    %jit3A_778 = arith.constant 14 : i32
    %select_n3A = arith.select %lt3A_777, %jit3A, %jit3A_778 : i32
    %jit3A_779 = arith.constant 8 : i32
    %div3A = arith.divsi %add3A_776, %jit3A_779 : i32
    %sign3A = arith.constant 0 : i32
    %sign3A_780 = arith.cmpi sgt, %add3A_776, %sign3A : i32
    %sign3A_781 = arith.extui %sign3A_780 : i1 to i32
    %sign3A_782 = arith.constant 0 : i32
    %sign3A_783 = arith.cmpi slt, %add3A_776, %sign3A_782 : i32
    %sign3A_784 = arith.extui %sign3A_783 : i1 to i32
    %sign3A_785 = arith.subi %sign3A_781, %sign3A_784 : i32
    %sign3A_786 = arith.constant 0 : i32
    %sign3A_787 = arith.cmpi sgt, %jit3A_779, %sign3A_786 : i32
    %sign3A_788 = arith.extui %sign3A_787 : i1 to i32
    %sign3A_789 = arith.constant 0 : i32
    %sign3A_790 = arith.cmpi slt, %jit3A_779, %sign3A_789 : i32
    %sign3A_791 = arith.extui %sign3A_790 : i1 to i32
    %sign3A_792 = arith.subi %sign3A_788, %sign3A_791 : i32
    %ne3A = arith.cmpi ne, %sign3A_785, %sign3A_792 : i32
    %rem3A = arith.remsi %add3A_776, %jit3A_779 : i32
    %ne3A_793 = arith.constant 0 : i32
    %ne3A_794 = arith.cmpi ne, %rem3A, %ne3A_793 : i32
    %and3A = arith.andi %ne3A, %ne3A_794 : i1
    %sub3A = arith.constant 1 : i32
    %sub3A_795 = arith.subi %div3A, %sub3A : i32
    %select_n3A_796 = arith.select %and3A, %sub3A_795, %div3A : i32
    %mul3A_797 = arith.constant 8 : i32
    %mul3A_798 = arith.muli %select_n3A_796, %mul3A_797 : i32
    %sub3A_799 = arith.subi %add3A_776, %mul3A_798 : i32
    "tpu.region"() ({
      %run_scoped3A = tpu.sem_alloc : memref<!tpu.dma_semaphore, #tpu.memory_space<semaphore_mem>>
      %dma_start3A = arith.constant 0 : i32
      %dma_start3A_945 = tpu.memref_slice %arg3[%mul3A_798, %dma_start3A] : memref<880x128xi32, #tpu.memory_space<hbm>> -> memref<24x128xi32, #tpu.memory_space<hbm>>
      %dma_start3A_946 = arith.constant 0 : i32
      %dma_start3A_947 = tpu.memref_slice %arg3[%mul3A_798, %dma_start3A_946] : memref<880x128xi32, #tpu.memory_space<hbm>> -> memref<24x128xi32, #tpu.memory_space<hbm>>
      tpu.enqueue_dma source(%dma_start3A_947 : memref<24x128xi32, #tpu.memory_space<hbm>>) target(%arg5 : memref<24x128xi32, #tpu.memory_space<vmem>>) target_semaphore(%run_scoped3A : memref<!tpu.dma_semaphore, #tpu.memory_space<semaphore_mem>>)
      %dma_wait3A = arith.constant 0 : i32
      %dma_wait3A_948 = tpu.memref_slice %arg3[%mul3A_798, %dma_wait3A] : memref<880x128xi32, #tpu.memory_space<hbm>> -> memref<24x128xi32, #tpu.memory_space<hbm>>
      %dma_wait3A_949 = arith.constant 0 : i32
      %dma_wait3A_950 = tpu.memref_slice %arg3[%mul3A_798, %dma_wait3A_949] : memref<880x128xi32, #tpu.memory_space<hbm>> -> memref<24x128xi32, #tpu.memory_space<hbm>>
      tpu.wait_dma2 semaphore(%run_scoped3A : memref<!tpu.dma_semaphore, #tpu.memory_space<semaphore_mem>>) src(%dma_wait3A_950 : memref<24x128xi32, #tpu.memory_space<hbm>>) dst(%arg5 : memref<24x128xi32, #tpu.memory_space<vmem>>)
      tpu.yield
    }) : () -> ()
    %barrier3A = arith.constant 0 : index
    tpu.barrier barrier_id(%barrier3A)
    %gt3A = arith.constant 0 : i32
    %gt3A_800 = arith.cmpi sgt, %select_n3A, %gt3A : i32
    %convert_element_type3A_801 = arith.extui %gt3A_800 : i1 to i32
    %cond3A_802 = arith.constant 0 : i32
    %cond3A_803 = arith.cmpi ne, %convert_element_type3A_801, %cond3A_802 : i32
    scf.if %cond3A_803 {
      %add3A_945 = arith.constant 0 : i32
      %add3A_946 = arith.addi %add3A_776, %add3A_945 : i32
      %mul3A_947 = arith.constant 128 : i32
      %mul3A_948 = arith.muli %add3A_946, %mul3A_947 : i32
      %dma_start3A = arith.constant 0 : i32
      %dma_start3A_949 = arith.constant 0 : i32
      %dma_start3A_950 = arith.constant 0 : i32
      %dma_start3A_951 = tpu.memref_slice %arg6[%dma_start3A, %dma_start3A_949, %dma_start3A_950] : memref<2x128x128xf32, #tpu.memory_space<vmem>> -> memref<1x128x128xf32, #tpu.memory_space<vmem>>
      %dma_start3A_952 = tpu.memref_squeeze %dma_start3A_951 : memref<1x128x128xf32, #tpu.memory_space<vmem>> -> memref<128x128xf32, #tpu.memory_space<vmem>>
      %dma_start3A_953 = arith.constant 0 : i32
      %dma_start3A_954 = tpu.memref_slice %arg2[%mul3A_948, %dma_start3A_953] : memref<100000x128xf32, #tpu.memory_space<hbm>> -> memref<128x128xf32, #tpu.memory_space<hbm>>
      %dma_start3A_955 = arith.constant 0 : i32
      %dma_start3A_956 = arith.constant 0 : i32
      %dma_start3A_957 = tpu.memref_slice %arg6[%dma_start3A, %dma_start3A_955, %dma_start3A_956] : memref<2x128x128xf32, #tpu.memory_space<vmem>> -> memref<1x128x128xf32, #tpu.memory_space<vmem>>
      %dma_start3A_958 = tpu.memref_squeeze %dma_start3A_957 : memref<1x128x128xf32, #tpu.memory_space<vmem>> -> memref<128x128xf32, #tpu.memory_space<vmem>>
      %dma_start3A_959 = arith.constant 0 : i32
      %dma_start3A_960 = tpu.memref_slice %arg2[%mul3A_948, %dma_start3A_959] : memref<100000x128xf32, #tpu.memory_space<hbm>> -> memref<128x128xf32, #tpu.memory_space<hbm>>
      tpu.enqueue_dma source(%dma_start3A_960 : memref<128x128xf32, #tpu.memory_space<hbm>>) target(%dma_start3A_958 : memref<128x128xf32, #tpu.memory_space<vmem>>) target_semaphore(%arg9 : memref<!tpu.dma_semaphore, #tpu.memory_space<semaphore_mem>>)
    } else {
    }
    %gt3A_804 = arith.constant 1 : i32
    %gt3A_805 = arith.cmpi sgt, %select_n3A, %gt3A_804 : i32
    %convert_element_type3A_806 = arith.extui %gt3A_805 : i1 to i32
    %cond3A_807 = arith.constant 0 : i32
    %cond3A_808 = arith.cmpi ne, %convert_element_type3A_806, %cond3A_807 : i32
    scf.if %cond3A_808 {
      %add3A_945 = arith.constant 1 : i32
      %add3A_946 = arith.addi %add3A_776, %add3A_945 : i32
      %mul3A_947 = arith.constant 128 : i32
      %mul3A_948 = arith.muli %add3A_946, %mul3A_947 : i32
      %dma_start3A = arith.constant 1 : i32
      %dma_start3A_949 = arith.constant 0 : i32
      %dma_start3A_950 = arith.constant 0 : i32
      %dma_start3A_951 = tpu.memref_slice %arg6[%dma_start3A, %dma_start3A_949, %dma_start3A_950] : memref<2x128x128xf32, #tpu.memory_space<vmem>> -> memref<1x128x128xf32, #tpu.memory_space<vmem>>
      %dma_start3A_952 = tpu.memref_squeeze %dma_start3A_951 : memref<1x128x128xf32, #tpu.memory_space<vmem>> -> memref<128x128xf32, #tpu.memory_space<vmem>>
      %dma_start3A_953 = arith.constant 0 : i32
      %dma_start3A_954 = tpu.memref_slice %arg2[%mul3A_948, %dma_start3A_953] : memref<100000x128xf32, #tpu.memory_space<hbm>> -> memref<128x128xf32, #tpu.memory_space<hbm>>
      %dma_start3A_955 = arith.constant 0 : i32
      %dma_start3A_956 = arith.constant 0 : i32
      %dma_start3A_957 = tpu.memref_slice %arg6[%dma_start3A, %dma_start3A_955, %dma_start3A_956] : memref<2x128x128xf32, #tpu.memory_space<vmem>> -> memref<1x128x128xf32, #tpu.memory_space<vmem>>
      %dma_start3A_958 = tpu.memref_squeeze %dma_start3A_957 : memref<1x128x128xf32, #tpu.memory_space<vmem>> -> memref<128x128xf32, #tpu.memory_space<vmem>>
      %dma_start3A_959 = arith.constant 0 : i32
      %dma_start3A_960 = tpu.memref_slice %arg2[%mul3A_948, %dma_start3A_959] : memref<100000x128xf32, #tpu.memory_space<hbm>> -> memref<128x128xf32, #tpu.memory_space<hbm>>
      tpu.enqueue_dma source(%dma_start3A_960 : memref<128x128xf32, #tpu.memory_space<hbm>>) target(%dma_start3A_958 : memref<128x128xf32, #tpu.memory_space<vmem>>) target_semaphore(%arg10 : memref<!tpu.dma_semaphore, #tpu.memory_space<semaphore_mem>>)
    } else {
    }
    %gt3A_809 = arith.constant 0 : i32
    %gt3A_810 = arith.cmpi sgt, %select_n3A, %gt3A_809 : i32
    %convert_element_type3A_811 = arith.extui %gt3A_810 : i1 to i32
    %cond3A_812 = arith.constant 0 : i32
    %cond3A_813 = arith.cmpi ne, %convert_element_type3A_811, %cond3A_812 : i32
    scf.if %cond3A_813 {
      %dma_wait3A = arith.constant 0 : i32
      %dma_wait3A_945 = arith.constant 0 : i32
      %dma_wait3A_946 = arith.constant 0 : i32
      %dma_wait3A_947 = tpu.memref_slice %arg6[%dma_wait3A, %dma_wait3A_945, %dma_wait3A_946] : memref<2x128x128xf32, #tpu.memory_space<vmem>> -> memref<1x128x128xf32, #tpu.memory_space<vmem>>
      %dma_wait3A_948 = tpu.memref_squeeze %dma_wait3A_947 : memref<1x128x128xf32, #tpu.memory_space<vmem>> -> memref<128x128xf32, #tpu.memory_space<vmem>>
      %dma_wait3A_949 = arith.constant 0 : i32
      %dma_wait3A_950 = arith.constant 0 : i32
      %dma_wait3A_951 = tpu.memref_slice %arg2[%dma_wait3A_949, %dma_wait3A_950] : memref<100000x128xf32, #tpu.memory_space<hbm>> -> memref<128x128xf32, #tpu.memory_space<hbm>>
      %dma_wait3A_952 = arith.constant 0 : i32
      %dma_wait3A_953 = arith.constant 0 : i32
      %dma_wait3A_954 = tpu.memref_slice %arg6[%dma_wait3A, %dma_wait3A_952, %dma_wait3A_953] : memref<2x128x128xf32, #tpu.memory_space<vmem>> -> memref<1x128x128xf32, #tpu.memory_space<vmem>>
      %dma_wait3A_955 = tpu.memref_squeeze %dma_wait3A_954 : memref<1x128x128xf32, #tpu.memory_space<vmem>> -> memref<128x128xf32, #tpu.memory_space<vmem>>
      %dma_wait3A_956 = arith.constant 0 : i32
      %dma_wait3A_957 = arith.constant 0 : i32
      %dma_wait3A_958 = tpu.memref_slice %arg2[%dma_wait3A_956, %dma_wait3A_957] : memref<100000x128xf32, #tpu.memory_space<hbm>> -> memref<128x128xf32, #tpu.memory_space<hbm>>
      tpu.wait_dma2 semaphore(%arg9 : memref<!tpu.dma_semaphore, #tpu.memory_space<semaphore_mem>>) src(%dma_wait3A_958 : memref<128x128xf32, #tpu.memory_space<hbm>>) dst(%dma_wait3A_955 : memref<128x128xf32, #tpu.memory_space<vmem>>)
      %add3A_959 = arith.constant 0 : i32
      %add3A_960 = arith.addi %sub3A_799, %add3A_959 : i32
      %run_scoped3A = arith.constant 0 : i32
      "tpu.region"() ({
        %run_scoped3A_961 = tpu.sem_alloc : memref<!tpu.dma_semaphore, #tpu.memory_space<semaphore_mem>>
        %dma_start3A = arith.constant 0 : i32
        %dma_start3A_962 = arith.constant 0 : i32
        %dma_start3A_963 = tpu.memref_slice %arg6[%run_scoped3A, %dma_start3A, %dma_start3A_962] : memref<2x128x128xf32, #tpu.memory_space<vmem>> -> memref<1x128x128xf32, #tpu.memory_space<vmem>>
        %dma_start3A_964 = tpu.memref_squeeze %dma_start3A_963 : memref<1x128x128xf32, #tpu.memory_space<vmem>> -> memref<128x128xf32, #tpu.memory_space<vmem>>
        %dma_start3A_965 = arith.constant 0 : i32
        %dma_start3A_966 = tpu.memref_slice %arg5[%add3A_960, %dma_start3A_965] : memref<24x128xi32, #tpu.memory_space<vmem>> -> memref<1x128xi32, #tpu.memory_space<vmem>>
        %dma_start3A_967 = tpu.memref_squeeze %dma_start3A_966 : memref<1x128xi32, #tpu.memory_space<vmem>> -> memref<128xi32, #tpu.memory_space<vmem>>
        %dma_start3A_968 = arith.constant 0 : i32
        %dma_start3A_969 = arith.constant 0 : i32
        %dma_start3A_970 = tpu.memref_slice %arg8[%dma_start3A_968, %dma_start3A_969] : memref<264x128xf32, #tpu.memory_space<vmem_shared>> -> memref<264x128xf32, #tpu.memory_space<vmem_shared>>
        tpu.enqueue_indirect_dma source(%dma_start3A_964 : memref<128x128xf32, #tpu.memory_space<vmem>>) target(%dma_start3A_970 : memref<264x128xf32, #tpu.memory_space<vmem_shared>>) offsets(%dma_start3A_967 : memref<128xi32, #tpu.memory_space<vmem>>) semaphore(%run_scoped3A_961 : memref<!tpu.dma_semaphore, #tpu.memory_space<semaphore_mem>>) {add = true}
        %dma_wait3A_971 = arith.constant 0 : i32
        %dma_wait3A_972 = arith.constant 0 : i32
        %dma_wait3A_973 = tpu.memref_slice %arg6[%run_scoped3A, %dma_wait3A_971, %dma_wait3A_972] : memref<2x128x128xf32, #tpu.memory_space<vmem>> -> memref<1x128x128xf32, #tpu.memory_space<vmem>>
        %dma_wait3A_974 = tpu.memref_squeeze %dma_wait3A_973 : memref<1x128x128xf32, #tpu.memory_space<vmem>> -> memref<128x128xf32, #tpu.memory_space<vmem>>
        %dma_wait3A_975 = arith.constant 0 : i32
        %dma_wait3A_976 = tpu.memref_slice %arg5[%add3A_960, %dma_wait3A_975] : memref<24x128xi32, #tpu.memory_space<vmem>> -> memref<1x128xi32, #tpu.memory_space<vmem>>
        %dma_wait3A_977 = tpu.memref_squeeze %dma_wait3A_976 : memref<1x128xi32, #tpu.memory_space<vmem>> -> memref<128xi32, #tpu.memory_space<vmem>>
        %dma_wait3A_978 = arith.constant 0 : i32
        %dma_wait3A_979 = arith.constant 0 : i32
        %dma_wait3A_980 = tpu.memref_slice %arg8[%dma_wait3A_978, %dma_wait3A_979] : memref<264x128xf32, #tpu.memory_space<vmem_shared>> -> memref<264x128xf32, #tpu.memory_space<vmem_shared>>
        tpu.wait_indirect_dma semaphore(%run_scoped3A_961 : memref<!tpu.dma_semaphore, #tpu.memory_space<semaphore_mem>>) src(%dma_wait3A_974 : memref<128x128xf32, #tpu.memory_space<vmem>>) dst(%dma_wait3A_980 : memref<264x128xf32, #tpu.memory_space<vmem_shared>>)
        tpu.yield
      }) : () -> ()
    } else {
    }
    %gt3A_814 = arith.constant 2 : i32
    %gt3A_815 = arith.cmpi sgt, %select_n3A, %gt3A_814 : i32
    %convert_element_type3A_816 = arith.extui %gt3A_815 : i1 to i32
    %cond3A_817 = arith.constant 0 : i32
    %cond3A_818 = arith.cmpi ne, %convert_element_type3A_816, %cond3A_817 : i32
    scf.if %cond3A_818 {
      %add3A_945 = arith.constant 2 : i32
      %add3A_946 = arith.addi %add3A_776, %add3A_945 : i32
      %mul3A_947 = arith.constant 128 : i32
      %mul3A_948 = arith.muli %add3A_946, %mul3A_947 : i32
      %dma_start3A = arith.constant 0 : i32
      %dma_start3A_949 = arith.constant 0 : i32
      %dma_start3A_950 = arith.constant 0 : i32
      %dma_start3A_951 = tpu.memref_slice %arg6[%dma_start3A, %dma_start3A_949, %dma_start3A_950] : memref<2x128x128xf32, #tpu.memory_space<vmem>> -> memref<1x128x128xf32, #tpu.memory_space<vmem>>
      %dma_start3A_952 = tpu.memref_squeeze %dma_start3A_951 : memref<1x128x128xf32, #tpu.memory_space<vmem>> -> memref<128x128xf32, #tpu.memory_space<vmem>>
      %dma_start3A_953 = arith.constant 0 : i32
      %dma_start3A_954 = tpu.memref_slice %arg2[%mul3A_948, %dma_start3A_953] : memref<100000x128xf32, #tpu.memory_space<hbm>> -> memref<128x128xf32, #tpu.memory_space<hbm>>
      %dma_start3A_955 = arith.constant 0 : i32
      %dma_start3A_956 = arith.constant 0 : i32
      %dma_start3A_957 = tpu.memref_slice %arg6[%dma_start3A, %dma_start3A_955, %dma_start3A_956] : memref<2x128x128xf32, #tpu.memory_space<vmem>> -> memref<1x128x128xf32, #tpu.memory_space<vmem>>
      %dma_start3A_958 = tpu.memref_squeeze %dma_start3A_957 : memref<1x128x128xf32, #tpu.memory_space<vmem>> -> memref<128x128xf32, #tpu.memory_space<vmem>>
      %dma_start3A_959 = arith.constant 0 : i32
      %dma_start3A_960 = tpu.memref_slice %arg2[%mul3A_948, %dma_start3A_959] : memref<100000x128xf32, #tpu.memory_space<hbm>> -> memref<128x128xf32, #tpu.memory_space<hbm>>
      tpu.enqueue_dma source(%dma_start3A_960 : memref<128x128xf32, #tpu.memory_space<hbm>>) target(%dma_start3A_958 : memref<128x128xf32, #tpu.memory_space<vmem>>) target_semaphore(%arg9 : memref<!tpu.dma_semaphore, #tpu.memory_space<semaphore_mem>>)
    } else {
    }
    %gt3A_819 = arith.constant 1 : i32
    %gt3A_820 = arith.cmpi sgt, %select_n3A, %gt3A_819 : i32
    %convert_element_type3A_821 = arith.extui %gt3A_820 : i1 to i32
    %cond3A_822 = arith.constant 0 : i32
    %cond3A_823 = arith.cmpi ne, %convert_element_type3A_821, %cond3A_822 : i32
    scf.if %cond3A_823 {
      %dma_wait3A = arith.constant 1 : i32
      %dma_wait3A_945 = arith.constant 0 : i32
      %dma_wait3A_946 = arith.constant 0 : i32
      %dma_wait3A_947 = tpu.memref_slice %arg6[%dma_wait3A, %dma_wait3A_945, %dma_wait3A_946] : memref<2x128x128xf32, #tpu.memory_space<vmem>> -> memref<1x128x128xf32, #tpu.memory_space<vmem>>
      %dma_wait3A_948 = tpu.memref_squeeze %dma_wait3A_947 : memref<1x128x128xf32, #tpu.memory_space<vmem>> -> memref<128x128xf32, #tpu.memory_space<vmem>>
      %dma_wait3A_949 = arith.constant 0 : i32
      %dma_wait3A_950 = arith.constant 0 : i32
      %dma_wait3A_951 = tpu.memref_slice %arg2[%dma_wait3A_949, %dma_wait3A_950] : memref<100000x128xf32, #tpu.memory_space<hbm>> -> memref<128x128xf32, #tpu.memory_space<hbm>>
      %dma_wait3A_952 = arith.constant 0 : i32
      %dma_wait3A_953 = arith.constant 0 : i32
      %dma_wait3A_954 = tpu.memref_slice %arg6[%dma_wait3A, %dma_wait3A_952, %dma_wait3A_953] : memref<2x128x128xf32, #tpu.memory_space<vmem>> -> memref<1x128x128xf32, #tpu.memory_space<vmem>>
      %dma_wait3A_955 = tpu.memref_squeeze %dma_wait3A_954 : memref<1x128x128xf32, #tpu.memory_space<vmem>> -> memref<128x128xf32, #tpu.memory_space<vmem>>
      %dma_wait3A_956 = arith.constant 0 : i32
      %dma_wait3A_957 = arith.constant 0 : i32
      %dma_wait3A_958 = tpu.memref_slice %arg2[%dma_wait3A_956, %dma_wait3A_957] : memref<100000x128xf32, #tpu.memory_space<hbm>> -> memref<128x128xf32, #tpu.memory_space<hbm>>
      tpu.wait_dma2 semaphore(%arg10 : memref<!tpu.dma_semaphore, #tpu.memory_space<semaphore_mem>>) src(%dma_wait3A_958 : memref<128x128xf32, #tpu.memory_space<hbm>>) dst(%dma_wait3A_955 : memref<128x128xf32, #tpu.memory_space<vmem>>)
      %add3A_959 = arith.constant 1 : i32
      %add3A_960 = arith.addi %sub3A_799, %add3A_959 : i32
      %run_scoped3A = arith.constant 1 : i32
      "tpu.region"() ({
        %run_scoped3A_961 = tpu.sem_alloc : memref<!tpu.dma_semaphore, #tpu.memory_space<semaphore_mem>>
        %dma_start3A = arith.constant 0 : i32
        %dma_start3A_962 = arith.constant 0 : i32
        %dma_start3A_963 = tpu.memref_slice %arg6[%run_scoped3A, %dma_start3A, %dma_start3A_962] : memref<2x128x128xf32, #tpu.memory_space<vmem>> -> memref<1x128x128xf32, #tpu.memory_space<vmem>>
        %dma_start3A_964 = tpu.memref_squeeze %dma_start3A_963 : memref<1x128x128xf32, #tpu.memory_space<vmem>> -> memref<128x128xf32, #tpu.memory_space<vmem>>
        %dma_start3A_965 = arith.constant 0 : i32
        %dma_start3A_966 = tpu.memref_slice %arg5[%add3A_960, %dma_start3A_965] : memref<24x128xi32, #tpu.memory_space<vmem>> -> memref<1x128xi32, #tpu.memory_space<vmem>>
        %dma_start3A_967 = tpu.memref_squeeze %dma_start3A_966 : memref<1x128xi32, #tpu.memory_space<vmem>> -> memref<128xi32, #tpu.memory_space<vmem>>
        %dma_start3A_968 = arith.constant 0 : i32
        %dma_start3A_969 = arith.constant 0 : i32
        %dma_start3A_970 = tpu.memref_slice %arg8[%dma_start3A_968, %dma_start3A_969] : memref<264x128xf32, #tpu.memory_space<vmem_shared>> -> memref<264x128xf32, #tpu.memory_space<vmem_shared>>
        tpu.enqueue_indirect_dma source(%dma_start3A_964 : memref<128x128xf32, #tpu.memory_space<vmem>>) target(%dma_start3A_970 : memref<264x128xf32, #tpu.memory_space<vmem_shared>>) offsets(%dma_start3A_967 : memref<128xi32, #tpu.memory_space<vmem>>) semaphore(%run_scoped3A_961 : memref<!tpu.dma_semaphore, #tpu.memory_space<semaphore_mem>>) {add = true}
        %dma_wait3A_971 = arith.constant 0 : i32
        %dma_wait3A_972 = arith.constant 0 : i32
        %dma_wait3A_973 = tpu.memref_slice %arg6[%run_scoped3A, %dma_wait3A_971, %dma_wait3A_972] : memref<2x128x128xf32, #tpu.memory_space<vmem>> -> memref<1x128x128xf32, #tpu.memory_space<vmem>>
        %dma_wait3A_974 = tpu.memref_squeeze %dma_wait3A_973 : memref<1x128x128xf32, #tpu.memory_space<vmem>> -> memref<128x128xf32, #tpu.memory_space<vmem>>
        %dma_wait3A_975 = arith.constant 0 : i32
        %dma_wait3A_976 = tpu.memref_slice %arg5[%add3A_960, %dma_wait3A_975] : memref<24x128xi32, #tpu.memory_space<vmem>> -> memref<1x128xi32, #tpu.memory_space<vmem>>
        %dma_wait3A_977 = tpu.memref_squeeze %dma_wait3A_976 : memref<1x128xi32, #tpu.memory_space<vmem>> -> memref<128xi32, #tpu.memory_space<vmem>>
        %dma_wait3A_978 = arith.constant 0 : i32
        %dma_wait3A_979 = arith.constant 0 : i32
        %dma_wait3A_980 = tpu.memref_slice %arg8[%dma_wait3A_978, %dma_wait3A_979] : memref<264x128xf32, #tpu.memory_space<vmem_shared>> -> memref<264x128xf32, #tpu.memory_space<vmem_shared>>
        tpu.wait_indirect_dma semaphore(%run_scoped3A_961 : memref<!tpu.dma_semaphore, #tpu.memory_space<semaphore_mem>>) src(%dma_wait3A_974 : memref<128x128xf32, #tpu.memory_space<vmem>>) dst(%dma_wait3A_980 : memref<264x128xf32, #tpu.memory_space<vmem_shared>>)
        tpu.yield
      }) : () -> ()
    } else {
    }
    %gt3A_824 = arith.constant 3 : i32
    %gt3A_825 = arith.cmpi sgt, %select_n3A, %gt3A_824 : i32
    %convert_element_type3A_826 = arith.extui %gt3A_825 : i1 to i32
    %cond3A_827 = arith.constant 0 : i32
    %cond3A_828 = arith.cmpi ne, %convert_element_type3A_826, %cond3A_827 : i32
    scf.if %cond3A_828 {
      %add3A_945 = arith.constant 3 : i32
      %add3A_946 = arith.addi %add3A_776, %add3A_945 : i32
      %mul3A_947 = arith.constant 128 : i32
      %mul3A_948 = arith.muli %add3A_946, %mul3A_947 : i32
      %dma_start3A = arith.constant 1 : i32
      %dma_start3A_949 = arith.constant 0 : i32
      %dma_start3A_950 = arith.constant 0 : i32
      %dma_start3A_951 = tpu.memref_slice %arg6[%dma_start3A, %dma_start3A_949, %dma_start3A_950] : memref<2x128x128xf32, #tpu.memory_space<vmem>> -> memref<1x128x128xf32, #tpu.memory_space<vmem>>
      %dma_start3A_952 = tpu.memref_squeeze %dma_start3A_951 : memref<1x128x128xf32, #tpu.memory_space<vmem>> -> memref<128x128xf32, #tpu.memory_space<vmem>>
      %dma_start3A_953 = arith.constant 0 : i32
      %dma_start3A_954 = tpu.memref_slice %arg2[%mul3A_948, %dma_start3A_953] : memref<100000x128xf32, #tpu.memory_space<hbm>> -> memref<128x128xf32, #tpu.memory_space<hbm>>
      %dma_start3A_955 = arith.constant 0 : i32
      %dma_start3A_956 = arith.constant 0 : i32
      %dma_start3A_957 = tpu.memref_slice %arg6[%dma_start3A, %dma_start3A_955, %dma_start3A_956] : memref<2x128x128xf32, #tpu.memory_space<vmem>> -> memref<1x128x128xf32, #tpu.memory_space<vmem>>
      %dma_start3A_958 = tpu.memref_squeeze %dma_start3A_957 : memref<1x128x128xf32, #tpu.memory_space<vmem>> -> memref<128x128xf32, #tpu.memory_space<vmem>>
      %dma_start3A_959 = arith.constant 0 : i32
      %dma_start3A_960 = tpu.memref_slice %arg2[%mul3A_948, %dma_start3A_959] : memref<100000x128xf32, #tpu.memory_space<hbm>> -> memref<128x128xf32, #tpu.memory_space<hbm>>
      tpu.enqueue_dma source(%dma_start3A_960 : memref<128x128xf32, #tpu.memory_space<hbm>>) target(%dma_start3A_958 : memref<128x128xf32, #tpu.memory_space<vmem>>) target_semaphore(%arg10 : memref<!tpu.dma_semaphore, #tpu.memory_space<semaphore_mem>>)
    } else {
    }
    %gt3A_829 = arith.constant 2 : i32
    %gt3A_830 = arith.cmpi sgt, %select_n3A, %gt3A_829 : i32
    %convert_element_type3A_831 = arith.extui %gt3A_830 : i1 to i32
    %cond3A_832 = arith.constant 0 : i32
    %cond3A_833 = arith.cmpi ne, %convert_element_type3A_831, %cond3A_832 : i32
    scf.if %cond3A_833 {
      %dma_wait3A = arith.constant 0 : i32
      %dma_wait3A_945 = arith.constant 0 : i32
      %dma_wait3A_946 = arith.constant 0 : i32
      %dma_wait3A_947 = tpu.memref_slice %arg6[%dma_wait3A, %dma_wait3A_945, %dma_wait3A_946] : memref<2x128x128xf32, #tpu.memory_space<vmem>> -> memref<1x128x128xf32, #tpu.memory_space<vmem>>
      %dma_wait3A_948 = tpu.memref_squeeze %dma_wait3A_947 : memref<1x128x128xf32, #tpu.memory_space<vmem>> -> memref<128x128xf32, #tpu.memory_space<vmem>>
      %dma_wait3A_949 = arith.constant 0 : i32
      %dma_wait3A_950 = arith.constant 0 : i32
      %dma_wait3A_951 = tpu.memref_slice %arg2[%dma_wait3A_949, %dma_wait3A_950] : memref<100000x128xf32, #tpu.memory_space<hbm>> -> memref<128x128xf32, #tpu.memory_space<hbm>>
      %dma_wait3A_952 = arith.constant 0 : i32
      %dma_wait3A_953 = arith.constant 0 : i32
      %dma_wait3A_954 = tpu.memref_slice %arg6[%dma_wait3A, %dma_wait3A_952, %dma_wait3A_953] : memref<2x128x128xf32, #tpu.memory_space<vmem>> -> memref<1x128x128xf32, #tpu.memory_space<vmem>>
      %dma_wait3A_955 = tpu.memref_squeeze %dma_wait3A_954 : memref<1x128x128xf32, #tpu.memory_space<vmem>> -> memref<128x128xf32, #tpu.memory_space<vmem>>
      %dma_wait3A_956 = arith.constant 0 : i32
      %dma_wait3A_957 = arith.constant 0 : i32
      %dma_wait3A_958 = tpu.memref_slice %arg2[%dma_wait3A_956, %dma_wait3A_957] : memref<100000x128xf32, #tpu.memory_space<hbm>> -> memref<128x128xf32, #tpu.memory_space<hbm>>
      tpu.wait_dma2 semaphore(%arg9 : memref<!tpu.dma_semaphore, #tpu.memory_space<semaphore_mem>>) src(%dma_wait3A_958 : memref<128x128xf32, #tpu.memory_space<hbm>>) dst(%dma_wait3A_955 : memref<128x128xf32, #tpu.memory_space<vmem>>)
      %add3A_959 = arith.constant 2 : i32
      %add3A_960 = arith.addi %sub3A_799, %add3A_959 : i32
      %run_scoped3A = arith.constant 0 : i32
      "tpu.region"() ({
        %run_scoped3A_961 = tpu.sem_alloc : memref<!tpu.dma_semaphore, #tpu.memory_space<semaphore_mem>>
        %dma_start3A = arith.constant 0 : i32
        %dma_start3A_962 = arith.constant 0 : i32
        %dma_start3A_963 = tpu.memref_slice %arg6[%run_scoped3A, %dma_start3A, %dma_start3A_962] : memref<2x128x128xf32, #tpu.memory_space<vmem>> -> memref<1x128x128xf32, #tpu.memory_space<vmem>>
        %dma_start3A_964 = tpu.memref_squeeze %dma_start3A_963 : memref<1x128x128xf32, #tpu.memory_space<vmem>> -> memref<128x128xf32, #tpu.memory_space<vmem>>
        %dma_start3A_965 = arith.constant 0 : i32
        %dma_start3A_966 = tpu.memref_slice %arg5[%add3A_960, %dma_start3A_965] : memref<24x128xi32, #tpu.memory_space<vmem>> -> memref<1x128xi32, #tpu.memory_space<vmem>>
        %dma_start3A_967 = tpu.memref_squeeze %dma_start3A_966 : memref<1x128xi32, #tpu.memory_space<vmem>> -> memref<128xi32, #tpu.memory_space<vmem>>
        %dma_start3A_968 = arith.constant 0 : i32
        %dma_start3A_969 = arith.constant 0 : i32
        %dma_start3A_970 = tpu.memref_slice %arg8[%dma_start3A_968, %dma_start3A_969] : memref<264x128xf32, #tpu.memory_space<vmem_shared>> -> memref<264x128xf32, #tpu.memory_space<vmem_shared>>
        tpu.enqueue_indirect_dma source(%dma_start3A_964 : memref<128x128xf32, #tpu.memory_space<vmem>>) target(%dma_start3A_970 : memref<264x128xf32, #tpu.memory_space<vmem_shared>>) offsets(%dma_start3A_967 : memref<128xi32, #tpu.memory_space<vmem>>) semaphore(%run_scoped3A_961 : memref<!tpu.dma_semaphore, #tpu.memory_space<semaphore_mem>>) {add = true}
        %dma_wait3A_971 = arith.constant 0 : i32
        %dma_wait3A_972 = arith.constant 0 : i32
        %dma_wait3A_973 = tpu.memref_slice %arg6[%run_scoped3A, %dma_wait3A_971, %dma_wait3A_972] : memref<2x128x128xf32, #tpu.memory_space<vmem>> -> memref<1x128x128xf32, #tpu.memory_space<vmem>>
        %dma_wait3A_974 = tpu.memref_squeeze %dma_wait3A_973 : memref<1x128x128xf32, #tpu.memory_space<vmem>> -> memref<128x128xf32, #tpu.memory_space<vmem>>
        %dma_wait3A_975 = arith.constant 0 : i32
        %dma_wait3A_976 = tpu.memref_slice %arg5[%add3A_960, %dma_wait3A_975] : memref<24x128xi32, #tpu.memory_space<vmem>> -> memref<1x128xi32, #tpu.memory_space<vmem>>
        %dma_wait3A_977 = tpu.memref_squeeze %dma_wait3A_976 : memref<1x128xi32, #tpu.memory_space<vmem>> -> memref<128xi32, #tpu.memory_space<vmem>>
        %dma_wait3A_978 = arith.constant 0 : i32
        %dma_wait3A_979 = arith.constant 0 : i32
        %dma_wait3A_980 = tpu.memref_slice %arg8[%dma_wait3A_978, %dma_wait3A_979] : memref<264x128xf32, #tpu.memory_space<vmem_shared>> -> memref<264x128xf32, #tpu.memory_space<vmem_shared>>
        tpu.wait_indirect_dma semaphore(%run_scoped3A_961 : memref<!tpu.dma_semaphore, #tpu.memory_space<semaphore_mem>>) src(%dma_wait3A_974 : memref<128x128xf32, #tpu.memory_space<vmem>>) dst(%dma_wait3A_980 : memref<264x128xf32, #tpu.memory_space<vmem_shared>>)
        tpu.yield
      }) : () -> ()
    } else {
    }
    %gt3A_834 = arith.constant 4 : i32
    %gt3A_835 = arith.cmpi sgt, %select_n3A, %gt3A_834 : i32
    %convert_element_type3A_836 = arith.extui %gt3A_835 : i1 to i32
    %cond3A_837 = arith.constant 0 : i32
    %cond3A_838 = arith.cmpi ne, %convert_element_type3A_836, %cond3A_837 : i32
    scf.if %cond3A_838 {
      %add3A_945 = arith.constant 4 : i32
      %add3A_946 = arith.addi %add3A_776, %add3A_945 : i32
      %mul3A_947 = arith.constant 128 : i32
      %mul3A_948 = arith.muli %add3A_946, %mul3A_947 : i32
      %dma_start3A = arith.constant 0 : i32
      %dma_start3A_949 = arith.constant 0 : i32
      %dma_start3A_950 = arith.constant 0 : i32
      %dma_start3A_951 = tpu.memref_slice %arg6[%dma_start3A, %dma_start3A_949, %dma_start3A_950] : memref<2x128x128xf32, #tpu.memory_space<vmem>> -> memref<1x128x128xf32, #tpu.memory_space<vmem>>
      %dma_start3A_952 = tpu.memref_squeeze %dma_start3A_951 : memref<1x128x128xf32, #tpu.memory_space<vmem>> -> memref<128x128xf32, #tpu.memory_space<vmem>>
      %dma_start3A_953 = arith.constant 0 : i32
      %dma_start3A_954 = tpu.memref_slice %arg2[%mul3A_948, %dma_start3A_953] : memref<100000x128xf32, #tpu.memory_space<hbm>> -> memref<128x128xf32, #tpu.memory_space<hbm>>
      %dma_start3A_955 = arith.constant 0 : i32
      %dma_start3A_956 = arith.constant 0 : i32
      %dma_start3A_957 = tpu.memref_slice %arg6[%dma_start3A, %dma_start3A_955, %dma_start3A_956] : memref<2x128x128xf32, #tpu.memory_space<vmem>> -> memref<1x128x128xf32, #tpu.memory_space<vmem>>
      %dma_start3A_958 = tpu.memref_squeeze %dma_start3A_957 : memref<1x128x128xf32, #tpu.memory_space<vmem>> -> memref<128x128xf32, #tpu.memory_space<vmem>>
      %dma_start3A_959 = arith.constant 0 : i32
      %dma_start3A_960 = tpu.memref_slice %arg2[%mul3A_948, %dma_start3A_959] : memref<100000x128xf32, #tpu.memory_space<hbm>> -> memref<128x128xf32, #tpu.memory_space<hbm>>
      tpu.enqueue_dma source(%dma_start3A_960 : memref<128x128xf32, #tpu.memory_space<hbm>>) target(%dma_start3A_958 : memref<128x128xf32, #tpu.memory_space<vmem>>) target_semaphore(%arg9 : memref<!tpu.dma_semaphore, #tpu.memory_space<semaphore_mem>>)
    } else {
    }
    %gt3A_839 = arith.constant 3 : i32
    %gt3A_840 = arith.cmpi sgt, %select_n3A, %gt3A_839 : i32
    %convert_element_type3A_841 = arith.extui %gt3A_840 : i1 to i32
    %cond3A_842 = arith.constant 0 : i32
    %cond3A_843 = arith.cmpi ne, %convert_element_type3A_841, %cond3A_842 : i32
    scf.if %cond3A_843 {
      %dma_wait3A = arith.constant 1 : i32
      %dma_wait3A_945 = arith.constant 0 : i32
      %dma_wait3A_946 = arith.constant 0 : i32
      %dma_wait3A_947 = tpu.memref_slice %arg6[%dma_wait3A, %dma_wait3A_945, %dma_wait3A_946] : memref<2x128x128xf32, #tpu.memory_space<vmem>> -> memref<1x128x128xf32, #tpu.memory_space<vmem>>
      %dma_wait3A_948 = tpu.memref_squeeze %dma_wait3A_947 : memref<1x128x128xf32, #tpu.memory_space<vmem>> -> memref<128x128xf32, #tpu.memory_space<vmem>>
      %dma_wait3A_949 = arith.constant 0 : i32
      %dma_wait3A_950 = arith.constant 0 : i32
      %dma_wait3A_951 = tpu.memref_slice %arg2[%dma_wait3A_949, %dma_wait3A_950] : memref<100000x128xf32, #tpu.memory_space<hbm>> -> memref<128x128xf32, #tpu.memory_space<hbm>>
      %dma_wait3A_952 = arith.constant 0 : i32
      %dma_wait3A_953 = arith.constant 0 : i32
      %dma_wait3A_954 = tpu.memref_slice %arg6[%dma_wait3A, %dma_wait3A_952, %dma_wait3A_953] : memref<2x128x128xf32, #tpu.memory_space<vmem>> -> memref<1x128x128xf32, #tpu.memory_space<vmem>>
      %dma_wait3A_955 = tpu.memref_squeeze %dma_wait3A_954 : memref<1x128x128xf32, #tpu.memory_space<vmem>> -> memref<128x128xf32, #tpu.memory_space<vmem>>
      %dma_wait3A_956 = arith.constant 0 : i32
      %dma_wait3A_957 = arith.constant 0 : i32
      %dma_wait3A_958 = tpu.memref_slice %arg2[%dma_wait3A_956, %dma_wait3A_957] : memref<100000x128xf32, #tpu.memory_space<hbm>> -> memref<128x128xf32, #tpu.memory_space<hbm>>
      tpu.wait_dma2 semaphore(%arg10 : memref<!tpu.dma_semaphore, #tpu.memory_space<semaphore_mem>>) src(%dma_wait3A_958 : memref<128x128xf32, #tpu.memory_space<hbm>>) dst(%dma_wait3A_955 : memref<128x128xf32, #tpu.memory_space<vmem>>)
      %add3A_959 = arith.constant 3 : i32
      %add3A_960 = arith.addi %sub3A_799, %add3A_959 : i32
      %run_scoped3A = arith.constant 1 : i32
      "tpu.region"() ({
        %run_scoped3A_961 = tpu.sem_alloc : memref<!tpu.dma_semaphore, #tpu.memory_space<semaphore_mem>>
        %dma_start3A = arith.constant 0 : i32
        %dma_start3A_962 = arith.constant 0 : i32
        %dma_start3A_963 = tpu.memref_slice %arg6[%run_scoped3A, %dma_start3A, %dma_start3A_962] : memref<2x128x128xf32, #tpu.memory_space<vmem>> -> memref<1x128x128xf32, #tpu.memory_space<vmem>>
        %dma_start3A_964 = tpu.memref_squeeze %dma_start3A_963 : memref<1x128x128xf32, #tpu.memory_space<vmem>> -> memref<128x128xf32, #tpu.memory_space<vmem>>
        %dma_start3A_965 = arith.constant 0 : i32
        %dma_start3A_966 = tpu.memref_slice %arg5[%add3A_960, %dma_start3A_965] : memref<24x128xi32, #tpu.memory_space<vmem>> -> memref<1x128xi32, #tpu.memory_space<vmem>>
        %dma_start3A_967 = tpu.memref_squeeze %dma_start3A_966 : memref<1x128xi32, #tpu.memory_space<vmem>> -> memref<128xi32, #tpu.memory_space<vmem>>
        %dma_start3A_968 = arith.constant 0 : i32
        %dma_start3A_969 = arith.constant 0 : i32
        %dma_start3A_970 = tpu.memref_slice %arg8[%dma_start3A_968, %dma_start3A_969] : memref<264x128xf32, #tpu.memory_space<vmem_shared>> -> memref<264x128xf32, #tpu.memory_space<vmem_shared>>
        tpu.enqueue_indirect_dma source(%dma_start3A_964 : memref<128x128xf32, #tpu.memory_space<vmem>>) target(%dma_start3A_970 : memref<264x128xf32, #tpu.memory_space<vmem_shared>>) offsets(%dma_start3A_967 : memref<128xi32, #tpu.memory_space<vmem>>) semaphore(%run_scoped3A_961 : memref<!tpu.dma_semaphore, #tpu.memory_space<semaphore_mem>>) {add = true}
        %dma_wait3A_971 = arith.constant 0 : i32
        %dma_wait3A_972 = arith.constant 0 : i32
        %dma_wait3A_973 = tpu.memref_slice %arg6[%run_scoped3A, %dma_wait3A_971, %dma_wait3A_972] : memref<2x128x128xf32, #tpu.memory_space<vmem>> -> memref<1x128x128xf32, #tpu.memory_space<vmem>>
        %dma_wait3A_974 = tpu.memref_squeeze %dma_wait3A_973 : memref<1x128x128xf32, #tpu.memory_space<vmem>> -> memref<128x128xf32, #tpu.memory_space<vmem>>
        %dma_wait3A_975 = arith.constant 0 : i32
        %dma_wait3A_976 = tpu.memref_slice %arg5[%add3A_960, %dma_wait3A_975] : memref<24x128xi32, #tpu.memory_space<vmem>> -> memref<1x128xi32, #tpu.memory_space<vmem>>
        %dma_wait3A_977 = tpu.memref_squeeze %dma_wait3A_976 : memref<1x128xi32, #tpu.memory_space<vmem>> -> memref<128xi32, #tpu.memory_space<vmem>>
        %dma_wait3A_978 = arith.constant 0 : i32
        %dma_wait3A_979 = arith.constant 0 : i32
        %dma_wait3A_980 = tpu.memref_slice %arg8[%dma_wait3A_978, %dma_wait3A_979] : memref<264x128xf32, #tpu.memory_space<vmem_shared>> -> memref<264x128xf32, #tpu.memory_space<vmem_shared>>
        tpu.wait_indirect_dma semaphore(%run_scoped3A_961 : memref<!tpu.dma_semaphore, #tpu.memory_space<semaphore_mem>>) src(%dma_wait3A_974 : memref<128x128xf32, #tpu.memory_space<vmem>>) dst(%dma_wait3A_980 : memref<264x128xf32, #tpu.memory_space<vmem_shared>>)
        tpu.yield
      }) : () -> ()
    } else {
    }
    %gt3A_844 = arith.constant 5 : i32
    %gt3A_845 = arith.cmpi sgt, %select_n3A, %gt3A_844 : i32
    %convert_element_type3A_846 = arith.extui %gt3A_845 : i1 to i32
    %cond3A_847 = arith.constant 0 : i32
    %cond3A_848 = arith.cmpi ne, %convert_element_type3A_846, %cond3A_847 : i32
    scf.if %cond3A_848 {
      %add3A_945 = arith.constant 5 : i32
      %add3A_946 = arith.addi %add3A_776, %add3A_945 : i32
      %mul3A_947 = arith.constant 128 : i32
      %mul3A_948 = arith.muli %add3A_946, %mul3A_947 : i32
      %dma_start3A = arith.constant 1 : i32
      %dma_start3A_949 = arith.constant 0 : i32
      %dma_start3A_950 = arith.constant 0 : i32
      %dma_start3A_951 = tpu.memref_slice %arg6[%dma_start3A, %dma_start3A_949, %dma_start3A_950] : memref<2x128x128xf32, #tpu.memory_space<vmem>> -> memref<1x128x128xf32, #tpu.memory_space<vmem>>
      %dma_start3A_952 = tpu.memref_squeeze %dma_start3A_951 : memref<1x128x128xf32, #tpu.memory_space<vmem>> -> memref<128x128xf32, #tpu.memory_space<vmem>>
      %dma_start3A_953 = arith.constant 0 : i32
      %dma_start3A_954 = tpu.memref_slice %arg2[%mul3A_948, %dma_start3A_953] : memref<100000x128xf32, #tpu.memory_space<hbm>> -> memref<128x128xf32, #tpu.memory_space<hbm>>
      %dma_start3A_955 = arith.constant 0 : i32
      %dma_start3A_956 = arith.constant 0 : i32
      %dma_start3A_957 = tpu.memref_slice %arg6[%dma_start3A, %dma_start3A_955, %dma_start3A_956] : memref<2x128x128xf32, #tpu.memory_space<vmem>> -> memref<1x128x128xf32, #tpu.memory_space<vmem>>
      %dma_start3A_958 = tpu.memref_squeeze %dma_start3A_957 : memref<1x128x128xf32, #tpu.memory_space<vmem>> -> memref<128x128xf32, #tpu.memory_space<vmem>>
      %dma_start3A_959 = arith.constant 0 : i32
      %dma_start3A_960 = tpu.memref_slice %arg2[%mul3A_948, %dma_start3A_959] : memref<100000x128xf32, #tpu.memory_space<hbm>> -> memref<128x128xf32, #tpu.memory_space<hbm>>
      tpu.enqueue_dma source(%dma_start3A_960 : memref<128x128xf32, #tpu.memory_space<hbm>>) target(%dma_start3A_958 : memref<128x128xf32, #tpu.memory_space<vmem>>) target_semaphore(%arg10 : memref<!tpu.dma_semaphore, #tpu.memory_space<semaphore_mem>>)
    } else {
    }
    %gt3A_849 = arith.constant 4 : i32
    %gt3A_850 = arith.cmpi sgt, %select_n3A, %gt3A_849 : i32
    %convert_element_type3A_851 = arith.extui %gt3A_850 : i1 to i32
    %cond3A_852 = arith.constant 0 : i32
    %cond3A_853 = arith.cmpi ne, %convert_element_type3A_851, %cond3A_852 : i32
    scf.if %cond3A_853 {
      %dma_wait3A = arith.constant 0 : i32
      %dma_wait3A_945 = arith.constant 0 : i32
      %dma_wait3A_946 = arith.constant 0 : i32
      %dma_wait3A_947 = tpu.memref_slice %arg6[%dma_wait3A, %dma_wait3A_945, %dma_wait3A_946] : memref<2x128x128xf32, #tpu.memory_space<vmem>> -> memref<1x128x128xf32, #tpu.memory_space<vmem>>
      %dma_wait3A_948 = tpu.memref_squeeze %dma_wait3A_947 : memref<1x128x128xf32, #tpu.memory_space<vmem>> -> memref<128x128xf32, #tpu.memory_space<vmem>>
      %dma_wait3A_949 = arith.constant 0 : i32
      %dma_wait3A_950 = arith.constant 0 : i32
      %dma_wait3A_951 = tpu.memref_slice %arg2[%dma_wait3A_949, %dma_wait3A_950] : memref<100000x128xf32, #tpu.memory_space<hbm>> -> memref<128x128xf32, #tpu.memory_space<hbm>>
      %dma_wait3A_952 = arith.constant 0 : i32
      %dma_wait3A_953 = arith.constant 0 : i32
      %dma_wait3A_954 = tpu.memref_slice %arg6[%dma_wait3A, %dma_wait3A_952, %dma_wait3A_953] : memref<2x128x128xf32, #tpu.memory_space<vmem>> -> memref<1x128x128xf32, #tpu.memory_space<vmem>>
      %dma_wait3A_955 = tpu.memref_squeeze %dma_wait3A_954 : memref<1x128x128xf32, #tpu.memory_space<vmem>> -> memref<128x128xf32, #tpu.memory_space<vmem>>
      %dma_wait3A_956 = arith.constant 0 : i32
      %dma_wait3A_957 = arith.constant 0 : i32
      %dma_wait3A_958 = tpu.memref_slice %arg2[%dma_wait3A_956, %dma_wait3A_957] : memref<100000x128xf32, #tpu.memory_space<hbm>> -> memref<128x128xf32, #tpu.memory_space<hbm>>
      tpu.wait_dma2 semaphore(%arg9 : memref<!tpu.dma_semaphore, #tpu.memory_space<semaphore_mem>>) src(%dma_wait3A_958 : memref<128x128xf32, #tpu.memory_space<hbm>>) dst(%dma_wait3A_955 : memref<128x128xf32, #tpu.memory_space<vmem>>)
      %add3A_959 = arith.constant 4 : i32
      %add3A_960 = arith.addi %sub3A_799, %add3A_959 : i32
      %run_scoped3A = arith.constant 0 : i32
      "tpu.region"() ({
        %run_scoped3A_961 = tpu.sem_alloc : memref<!tpu.dma_semaphore, #tpu.memory_space<semaphore_mem>>
        %dma_start3A = arith.constant 0 : i32
        %dma_start3A_962 = arith.constant 0 : i32
        %dma_start3A_963 = tpu.memref_slice %arg6[%run_scoped3A, %dma_start3A, %dma_start3A_962] : memref<2x128x128xf32, #tpu.memory_space<vmem>> -> memref<1x128x128xf32, #tpu.memory_space<vmem>>
        %dma_start3A_964 = tpu.memref_squeeze %dma_start3A_963 : memref<1x128x128xf32, #tpu.memory_space<vmem>> -> memref<128x128xf32, #tpu.memory_space<vmem>>
        %dma_start3A_965 = arith.constant 0 : i32
        %dma_start3A_966 = tpu.memref_slice %arg5[%add3A_960, %dma_start3A_965] : memref<24x128xi32, #tpu.memory_space<vmem>> -> memref<1x128xi32, #tpu.memory_space<vmem>>
        %dma_start3A_967 = tpu.memref_squeeze %dma_start3A_966 : memref<1x128xi32, #tpu.memory_space<vmem>> -> memref<128xi32, #tpu.memory_space<vmem>>
        %dma_start3A_968 = arith.constant 0 : i32
        %dma_start3A_969 = arith.constant 0 : i32
        %dma_start3A_970 = tpu.memref_slice %arg8[%dma_start3A_968, %dma_start3A_969] : memref<264x128xf32, #tpu.memory_space<vmem_shared>> -> memref<264x128xf32, #tpu.memory_space<vmem_shared>>
        tpu.enqueue_indirect_dma source(%dma_start3A_964 : memref<128x128xf32, #tpu.memory_space<vmem>>) target(%dma_start3A_970 : memref<264x128xf32, #tpu.memory_space<vmem_shared>>) offsets(%dma_start3A_967 : memref<128xi32, #tpu.memory_space<vmem>>) semaphore(%run_scoped3A_961 : memref<!tpu.dma_semaphore, #tpu.memory_space<semaphore_mem>>) {add = true}
        %dma_wait3A_971 = arith.constant 0 : i32
        %dma_wait3A_972 = arith.constant 0 : i32
        %dma_wait3A_973 = tpu.memref_slice %arg6[%run_scoped3A, %dma_wait3A_971, %dma_wait3A_972] : memref<2x128x128xf32, #tpu.memory_space<vmem>> -> memref<1x128x128xf32, #tpu.memory_space<vmem>>
        %dma_wait3A_974 = tpu.memref_squeeze %dma_wait3A_973 : memref<1x128x128xf32, #tpu.memory_space<vmem>> -> memref<128x128xf32, #tpu.memory_space<vmem>>
        %dma_wait3A_975 = arith.constant 0 : i32
        %dma_wait3A_976 = tpu.memref_slice %arg5[%add3A_960, %dma_wait3A_975] : memref<24x128xi32, #tpu.memory_space<vmem>> -> memref<1x128xi32, #tpu.memory_space<vmem>>
        %dma_wait3A_977 = tpu.memref_squeeze %dma_wait3A_976 : memref<1x128xi32, #tpu.memory_space<vmem>> -> memref<128xi32, #tpu.memory_space<vmem>>
        %dma_wait3A_978 = arith.constant 0 : i32
        %dma_wait3A_979 = arith.constant 0 : i32
        %dma_wait3A_980 = tpu.memref_slice %arg8[%dma_wait3A_978, %dma_wait3A_979] : memref<264x128xf32, #tpu.memory_space<vmem_shared>> -> memref<264x128xf32, #tpu.memory_space<vmem_shared>>
        tpu.wait_indirect_dma semaphore(%run_scoped3A_961 : memref<!tpu.dma_semaphore, #tpu.memory_space<semaphore_mem>>) src(%dma_wait3A_974 : memref<128x128xf32, #tpu.memory_space<vmem>>) dst(%dma_wait3A_980 : memref<264x128xf32, #tpu.memory_space<vmem_shared>>)
        tpu.yield
      }) : () -> ()
    } else {
    }
    %gt3A_854 = arith.constant 6 : i32
    %gt3A_855 = arith.cmpi sgt, %select_n3A, %gt3A_854 : i32
    %convert_element_type3A_856 = arith.extui %gt3A_855 : i1 to i32
    %cond3A_857 = arith.constant 0 : i32
    %cond3A_858 = arith.cmpi ne, %convert_element_type3A_856, %cond3A_857 : i32
    scf.if %cond3A_858 {
      %add3A_945 = arith.constant 6 : i32
      %add3A_946 = arith.addi %add3A_776, %add3A_945 : i32
      %mul3A_947 = arith.constant 128 : i32
      %mul3A_948 = arith.muli %add3A_946, %mul3A_947 : i32
      %dma_start3A = arith.constant 0 : i32
      %dma_start3A_949 = arith.constant 0 : i32
      %dma_start3A_950 = arith.constant 0 : i32
      %dma_start3A_951 = tpu.memref_slice %arg6[%dma_start3A, %dma_start3A_949, %dma_start3A_950] : memref<2x128x128xf32, #tpu.memory_space<vmem>> -> memref<1x128x128xf32, #tpu.memory_space<vmem>>
      %dma_start3A_952 = tpu.memref_squeeze %dma_start3A_951 : memref<1x128x128xf32, #tpu.memory_space<vmem>> -> memref<128x128xf32, #tpu.memory_space<vmem>>
      %dma_start3A_953 = arith.constant 0 : i32
      %dma_start3A_954 = tpu.memref_slice %arg2[%mul3A_948, %dma_start3A_953] : memref<100000x128xf32, #tpu.memory_space<hbm>> -> memref<128x128xf32, #tpu.memory_space<hbm>>
      %dma_start3A_955 = arith.constant 0 : i32
      %dma_start3A_956 = arith.constant 0 : i32
      %dma_start3A_957 = tpu.memref_slice %arg6[%dma_start3A, %dma_start3A_955, %dma_start3A_956] : memref<2x128x128xf32, #tpu.memory_space<vmem>> -> memref<1x128x128xf32, #tpu.memory_space<vmem>>
      %dma_start3A_958 = tpu.memref_squeeze %dma_start3A_957 : memref<1x128x128xf32, #tpu.memory_space<vmem>> -> memref<128x128xf32, #tpu.memory_space<vmem>>
      %dma_start3A_959 = arith.constant 0 : i32
      %dma_start3A_960 = tpu.memref_slice %arg2[%mul3A_948, %dma_start3A_959] : memref<100000x128xf32, #tpu.memory_space<hbm>> -> memref<128x128xf32, #tpu.memory_space<hbm>>
      tpu.enqueue_dma source(%dma_start3A_960 : memref<128x128xf32, #tpu.memory_space<hbm>>) target(%dma_start3A_958 : memref<128x128xf32, #tpu.memory_space<vmem>>) target_semaphore(%arg9 : memref<!tpu.dma_semaphore, #tpu.memory_space<semaphore_mem>>)
    } else {
    }
    %gt3A_859 = arith.constant 5 : i32
    %gt3A_860 = arith.cmpi sgt, %select_n3A, %gt3A_859 : i32
    %convert_element_type3A_861 = arith.extui %gt3A_860 : i1 to i32
    %cond3A_862 = arith.constant 0 : i32
    %cond3A_863 = arith.cmpi ne, %convert_element_type3A_861, %cond3A_862 : i32
    scf.if %cond3A_863 {
      %dma_wait3A = arith.constant 1 : i32
      %dma_wait3A_945 = arith.constant 0 : i32
      %dma_wait3A_946 = arith.constant 0 : i32
      %dma_wait3A_947 = tpu.memref_slice %arg6[%dma_wait3A, %dma_wait3A_945, %dma_wait3A_946] : memref<2x128x128xf32, #tpu.memory_space<vmem>> -> memref<1x128x128xf32, #tpu.memory_space<vmem>>
      %dma_wait3A_948 = tpu.memref_squeeze %dma_wait3A_947 : memref<1x128x128xf32, #tpu.memory_space<vmem>> -> memref<128x128xf32, #tpu.memory_space<vmem>>
      %dma_wait3A_949 = arith.constant 0 : i32
      %dma_wait3A_950 = arith.constant 0 : i32
      %dma_wait3A_951 = tpu.memref_slice %arg2[%dma_wait3A_949, %dma_wait3A_950] : memref<100000x128xf32, #tpu.memory_space<hbm>> -> memref<128x128xf32, #tpu.memory_space<hbm>>
      %dma_wait3A_952 = arith.constant 0 : i32
      %dma_wait3A_953 = arith.constant 0 : i32
      %dma_wait3A_954 = tpu.memref_slice %arg6[%dma_wait3A, %dma_wait3A_952, %dma_wait3A_953] : memref<2x128x128xf32, #tpu.memory_space<vmem>> -> memref<1x128x128xf32, #tpu.memory_space<vmem>>
      %dma_wait3A_955 = tpu.memref_squeeze %dma_wait3A_954 : memref<1x128x128xf32, #tpu.memory_space<vmem>> -> memref<128x128xf32, #tpu.memory_space<vmem>>
      %dma_wait3A_956 = arith.constant 0 : i32
      %dma_wait3A_957 = arith.constant 0 : i32
      %dma_wait3A_958 = tpu.memref_slice %arg2[%dma_wait3A_956, %dma_wait3A_957] : memref<100000x128xf32, #tpu.memory_space<hbm>> -> memref<128x128xf32, #tpu.memory_space<hbm>>
      tpu.wait_dma2 semaphore(%arg10 : memref<!tpu.dma_semaphore, #tpu.memory_space<semaphore_mem>>) src(%dma_wait3A_958 : memref<128x128xf32, #tpu.memory_space<hbm>>) dst(%dma_wait3A_955 : memref<128x128xf32, #tpu.memory_space<vmem>>)
      %add3A_959 = arith.constant 5 : i32
      %add3A_960 = arith.addi %sub3A_799, %add3A_959 : i32
      %run_scoped3A = arith.constant 1 : i32
      "tpu.region"() ({
        %run_scoped3A_961 = tpu.sem_alloc : memref<!tpu.dma_semaphore, #tpu.memory_space<semaphore_mem>>
        %dma_start3A = arith.constant 0 : i32
        %dma_start3A_962 = arith.constant 0 : i32
        %dma_start3A_963 = tpu.memref_slice %arg6[%run_scoped3A, %dma_start3A, %dma_start3A_962] : memref<2x128x128xf32, #tpu.memory_space<vmem>> -> memref<1x128x128xf32, #tpu.memory_space<vmem>>
        %dma_start3A_964 = tpu.memref_squeeze %dma_start3A_963 : memref<1x128x128xf32, #tpu.memory_space<vmem>> -> memref<128x128xf32, #tpu.memory_space<vmem>>
        %dma_start3A_965 = arith.constant 0 : i32
        %dma_start3A_966 = tpu.memref_slice %arg5[%add3A_960, %dma_start3A_965] : memref<24x128xi32, #tpu.memory_space<vmem>> -> memref<1x128xi32, #tpu.memory_space<vmem>>
        %dma_start3A_967 = tpu.memref_squeeze %dma_start3A_966 : memref<1x128xi32, #tpu.memory_space<vmem>> -> memref<128xi32, #tpu.memory_space<vmem>>
        %dma_start3A_968 = arith.constant 0 : i32
        %dma_start3A_969 = arith.constant 0 : i32
        %dma_start3A_970 = tpu.memref_slice %arg8[%dma_start3A_968, %dma_start3A_969] : memref<264x128xf32, #tpu.memory_space<vmem_shared>> -> memref<264x128xf32, #tpu.memory_space<vmem_shared>>
        tpu.enqueue_indirect_dma source(%dma_start3A_964 : memref<128x128xf32, #tpu.memory_space<vmem>>) target(%dma_start3A_970 : memref<264x128xf32, #tpu.memory_space<vmem_shared>>) offsets(%dma_start3A_967 : memref<128xi32, #tpu.memory_space<vmem>>) semaphore(%run_scoped3A_961 : memref<!tpu.dma_semaphore, #tpu.memory_space<semaphore_mem>>) {add = true}
        %dma_wait3A_971 = arith.constant 0 : i32
        %dma_wait3A_972 = arith.constant 0 : i32
        %dma_wait3A_973 = tpu.memref_slice %arg6[%run_scoped3A, %dma_wait3A_971, %dma_wait3A_972] : memref<2x128x128xf32, #tpu.memory_space<vmem>> -> memref<1x128x128xf32, #tpu.memory_space<vmem>>
        %dma_wait3A_974 = tpu.memref_squeeze %dma_wait3A_973 : memref<1x128x128xf32, #tpu.memory_space<vmem>> -> memref<128x128xf32, #tpu.memory_space<vmem>>
        %dma_wait3A_975 = arith.constant 0 : i32
        %dma_wait3A_976 = tpu.memref_slice %arg5[%add3A_960, %dma_wait3A_975] : memref<24x128xi32, #tpu.memory_space<vmem>> -> memref<1x128xi32, #tpu.memory_space<vmem>>
        %dma_wait3A_977 = tpu.memref_squeeze %dma_wait3A_976 : memref<1x128xi32, #tpu.memory_space<vmem>> -> memref<128xi32, #tpu.memory_space<vmem>>
        %dma_wait3A_978 = arith.constant 0 : i32
        %dma_wait3A_979 = arith.constant 0 : i32
        %dma_wait3A_980 = tpu.memref_slice %arg8[%dma_wait3A_978, %dma_wait3A_979] : memref<264x128xf32, #tpu.memory_space<vmem_shared>> -> memref<264x128xf32, #tpu.memory_space<vmem_shared>>
        tpu.wait_indirect_dma semaphore(%run_scoped3A_961 : memref<!tpu.dma_semaphore, #tpu.memory_space<semaphore_mem>>) src(%dma_wait3A_974 : memref<128x128xf32, #tpu.memory_space<vmem>>) dst(%dma_wait3A_980 : memref<264x128xf32, #tpu.memory_space<vmem_shared>>)
        tpu.yield
      }) : () -> ()
    } else {
    }
    %gt3A_864 = arith.constant 7 : i32
    %gt3A_865 = arith.cmpi sgt, %select_n3A, %gt3A_864 : i32
    %convert_element_type3A_866 = arith.extui %gt3A_865 : i1 to i32
    %cond3A_867 = arith.constant 0 : i32
    %cond3A_868 = arith.cmpi ne, %convert_element_type3A_866, %cond3A_867 : i32
    scf.if %cond3A_868 {
      %add3A_945 = arith.constant 7 : i32
      %add3A_946 = arith.addi %add3A_776, %add3A_945 : i32
      %mul3A_947 = arith.constant 128 : i32
      %mul3A_948 = arith.muli %add3A_946, %mul3A_947 : i32
      %dma_start3A = arith.constant 1 : i32
      %dma_start3A_949 = arith.constant 0 : i32
      %dma_start3A_950 = arith.constant 0 : i32
      %dma_start3A_951 = tpu.memref_slice %arg6[%dma_start3A, %dma_start3A_949, %dma_start3A_950] : memref<2x128x128xf32, #tpu.memory_space<vmem>> -> memref<1x128x128xf32, #tpu.memory_space<vmem>>
      %dma_start3A_952 = tpu.memref_squeeze %dma_start3A_951 : memref<1x128x128xf32, #tpu.memory_space<vmem>> -> memref<128x128xf32, #tpu.memory_space<vmem>>
      %dma_start3A_953 = arith.constant 0 : i32
      %dma_start3A_954 = tpu.memref_slice %arg2[%mul3A_948, %dma_start3A_953] : memref<100000x128xf32, #tpu.memory_space<hbm>> -> memref<128x128xf32, #tpu.memory_space<hbm>>
      %dma_start3A_955 = arith.constant 0 : i32
      %dma_start3A_956 = arith.constant 0 : i32
      %dma_start3A_957 = tpu.memref_slice %arg6[%dma_start3A, %dma_start3A_955, %dma_start3A_956] : memref<2x128x128xf32, #tpu.memory_space<vmem>> -> memref<1x128x128xf32, #tpu.memory_space<vmem>>
      %dma_start3A_958 = tpu.memref_squeeze %dma_start3A_957 : memref<1x128x128xf32, #tpu.memory_space<vmem>> -> memref<128x128xf32, #tpu.memory_space<vmem>>
      %dma_start3A_959 = arith.constant 0 : i32
      %dma_start3A_960 = tpu.memref_slice %arg2[%mul3A_948, %dma_start3A_959] : memref<100000x128xf32, #tpu.memory_space<hbm>> -> memref<128x128xf32, #tpu.memory_space<hbm>>
      tpu.enqueue_dma source(%dma_start3A_960 : memref<128x128xf32, #tpu.memory_space<hbm>>) target(%dma_start3A_958 : memref<128x128xf32, #tpu.memory_space<vmem>>) target_semaphore(%arg10 : memref<!tpu.dma_semaphore, #tpu.memory_space<semaphore_mem>>)
    } else {
    }
    %gt3A_869 = arith.constant 6 : i32
    %gt3A_870 = arith.cmpi sgt, %select_n3A, %gt3A_869 : i32
    %convert_element_type3A_871 = arith.extui %gt3A_870 : i1 to i32
    %cond3A_872 = arith.constant 0 : i32
    %cond3A_873 = arith.cmpi ne, %convert_element_type3A_871, %cond3A_872 : i32
    scf.if %cond3A_873 {
      %dma_wait3A = arith.constant 0 : i32
      %dma_wait3A_945 = arith.constant 0 : i32
      %dma_wait3A_946 = arith.constant 0 : i32
      %dma_wait3A_947 = tpu.memref_slice %arg6[%dma_wait3A, %dma_wait3A_945, %dma_wait3A_946] : memref<2x128x128xf32, #tpu.memory_space<vmem>> -> memref<1x128x128xf32, #tpu.memory_space<vmem>>
      %dma_wait3A_948 = tpu.memref_squeeze %dma_wait3A_947 : memref<1x128x128xf32, #tpu.memory_space<vmem>> -> memref<128x128xf32, #tpu.memory_space<vmem>>
      %dma_wait3A_949 = arith.constant 0 : i32
      %dma_wait3A_950 = arith.constant 0 : i32
      %dma_wait3A_951 = tpu.memref_slice %arg2[%dma_wait3A_949, %dma_wait3A_950] : memref<100000x128xf32, #tpu.memory_space<hbm>> -> memref<128x128xf32, #tpu.memory_space<hbm>>
      %dma_wait3A_952 = arith.constant 0 : i32
      %dma_wait3A_953 = arith.constant 0 : i32
      %dma_wait3A_954 = tpu.memref_slice %arg6[%dma_wait3A, %dma_wait3A_952, %dma_wait3A_953] : memref<2x128x128xf32, #tpu.memory_space<vmem>> -> memref<1x128x128xf32, #tpu.memory_space<vmem>>
      %dma_wait3A_955 = tpu.memref_squeeze %dma_wait3A_954 : memref<1x128x128xf32, #tpu.memory_space<vmem>> -> memref<128x128xf32, #tpu.memory_space<vmem>>
      %dma_wait3A_956 = arith.constant 0 : i32
      %dma_wait3A_957 = arith.constant 0 : i32
      %dma_wait3A_958 = tpu.memref_slice %arg2[%dma_wait3A_956, %dma_wait3A_957] : memref<100000x128xf32, #tpu.memory_space<hbm>> -> memref<128x128xf32, #tpu.memory_space<hbm>>
      tpu.wait_dma2 semaphore(%arg9 : memref<!tpu.dma_semaphore, #tpu.memory_space<semaphore_mem>>) src(%dma_wait3A_958 : memref<128x128xf32, #tpu.memory_space<hbm>>) dst(%dma_wait3A_955 : memref<128x128xf32, #tpu.memory_space<vmem>>)
      %add3A_959 = arith.constant 6 : i32
      %add3A_960 = arith.addi %sub3A_799, %add3A_959 : i32
      %run_scoped3A = arith.constant 0 : i32
      "tpu.region"() ({
        %run_scoped3A_961 = tpu.sem_alloc : memref<!tpu.dma_semaphore, #tpu.memory_space<semaphore_mem>>
        %dma_start3A = arith.constant 0 : i32
        %dma_start3A_962 = arith.constant 0 : i32
        %dma_start3A_963 = tpu.memref_slice %arg6[%run_scoped3A, %dma_start3A, %dma_start3A_962] : memref<2x128x128xf32, #tpu.memory_space<vmem>> -> memref<1x128x128xf32, #tpu.memory_space<vmem>>
        %dma_start3A_964 = tpu.memref_squeeze %dma_start3A_963 : memref<1x128x128xf32, #tpu.memory_space<vmem>> -> memref<128x128xf32, #tpu.memory_space<vmem>>
        %dma_start3A_965 = arith.constant 0 : i32
        %dma_start3A_966 = tpu.memref_slice %arg5[%add3A_960, %dma_start3A_965] : memref<24x128xi32, #tpu.memory_space<vmem>> -> memref<1x128xi32, #tpu.memory_space<vmem>>
        %dma_start3A_967 = tpu.memref_squeeze %dma_start3A_966 : memref<1x128xi32, #tpu.memory_space<vmem>> -> memref<128xi32, #tpu.memory_space<vmem>>
        %dma_start3A_968 = arith.constant 0 : i32
        %dma_start3A_969 = arith.constant 0 : i32
        %dma_start3A_970 = tpu.memref_slice %arg8[%dma_start3A_968, %dma_start3A_969] : memref<264x128xf32, #tpu.memory_space<vmem_shared>> -> memref<264x128xf32, #tpu.memory_space<vmem_shared>>
        tpu.enqueue_indirect_dma source(%dma_start3A_964 : memref<128x128xf32, #tpu.memory_space<vmem>>) target(%dma_start3A_970 : memref<264x128xf32, #tpu.memory_space<vmem_shared>>) offsets(%dma_start3A_967 : memref<128xi32, #tpu.memory_space<vmem>>) semaphore(%run_scoped3A_961 : memref<!tpu.dma_semaphore, #tpu.memory_space<semaphore_mem>>) {add = true}
        %dma_wait3A_971 = arith.constant 0 : i32
        %dma_wait3A_972 = arith.constant 0 : i32
        %dma_wait3A_973 = tpu.memref_slice %arg6[%run_scoped3A, %dma_wait3A_971, %dma_wait3A_972] : memref<2x128x128xf32, #tpu.memory_space<vmem>> -> memref<1x128x128xf32, #tpu.memory_space<vmem>>
        %dma_wait3A_974 = tpu.memref_squeeze %dma_wait3A_973 : memref<1x128x128xf32, #tpu.memory_space<vmem>> -> memref<128x128xf32, #tpu.memory_space<vmem>>
        %dma_wait3A_975 = arith.constant 0 : i32
        %dma_wait3A_976 = tpu.memref_slice %arg5[%add3A_960, %dma_wait3A_975] : memref<24x128xi32, #tpu.memory_space<vmem>> -> memref<1x128xi32, #tpu.memory_space<vmem>>
        %dma_wait3A_977 = tpu.memref_squeeze %dma_wait3A_976 : memref<1x128xi32, #tpu.memory_space<vmem>> -> memref<128xi32, #tpu.memory_space<vmem>>
        %dma_wait3A_978 = arith.constant 0 : i32
        %dma_wait3A_979 = arith.constant 0 : i32
        %dma_wait3A_980 = tpu.memref_slice %arg8[%dma_wait3A_978, %dma_wait3A_979] : memref<264x128xf32, #tpu.memory_space<vmem_shared>> -> memref<264x128xf32, #tpu.memory_space<vmem_shared>>
        tpu.wait_indirect_dma semaphore(%run_scoped3A_961 : memref<!tpu.dma_semaphore, #tpu.memory_space<semaphore_mem>>) src(%dma_wait3A_974 : memref<128x128xf32, #tpu.memory_space<vmem>>) dst(%dma_wait3A_980 : memref<264x128xf32, #tpu.memory_space<vmem_shared>>)
        tpu.yield
      }) : () -> ()
    } else {
    }
    %gt3A_874 = arith.constant 8 : i32
    %gt3A_875 = arith.cmpi sgt, %select_n3A, %gt3A_874 : i32
    %convert_element_type3A_876 = arith.extui %gt3A_875 : i1 to i32
    %cond3A_877 = arith.constant 0 : i32
    %cond3A_878 = arith.cmpi ne, %convert_element_type3A_876, %cond3A_877 : i32
    scf.if %cond3A_878 {
      %add3A_945 = arith.constant 8 : i32
      %add3A_946 = arith.addi %add3A_776, %add3A_945 : i32
      %mul3A_947 = arith.constant 128 : i32
      %mul3A_948 = arith.muli %add3A_946, %mul3A_947 : i32
      %dma_start3A = arith.constant 0 : i32
      %dma_start3A_949 = arith.constant 0 : i32
      %dma_start3A_950 = arith.constant 0 : i32
      %dma_start3A_951 = tpu.memref_slice %arg6[%dma_start3A, %dma_start3A_949, %dma_start3A_950] : memref<2x128x128xf32, #tpu.memory_space<vmem>> -> memref<1x128x128xf32, #tpu.memory_space<vmem>>
      %dma_start3A_952 = tpu.memref_squeeze %dma_start3A_951 : memref<1x128x128xf32, #tpu.memory_space<vmem>> -> memref<128x128xf32, #tpu.memory_space<vmem>>
      %dma_start3A_953 = arith.constant 0 : i32
      %dma_start3A_954 = tpu.memref_slice %arg2[%mul3A_948, %dma_start3A_953] : memref<100000x128xf32, #tpu.memory_space<hbm>> -> memref<128x128xf32, #tpu.memory_space<hbm>>
      %dma_start3A_955 = arith.constant 0 : i32
      %dma_start3A_956 = arith.constant 0 : i32
      %dma_start3A_957 = tpu.memref_slice %arg6[%dma_start3A, %dma_start3A_955, %dma_start3A_956] : memref<2x128x128xf32, #tpu.memory_space<vmem>> -> memref<1x128x128xf32, #tpu.memory_space<vmem>>
      %dma_start3A_958 = tpu.memref_squeeze %dma_start3A_957 : memref<1x128x128xf32, #tpu.memory_space<vmem>> -> memref<128x128xf32, #tpu.memory_space<vmem>>
      %dma_start3A_959 = arith.constant 0 : i32
      %dma_start3A_960 = tpu.memref_slice %arg2[%mul3A_948, %dma_start3A_959] : memref<100000x128xf32, #tpu.memory_space<hbm>> -> memref<128x128xf32, #tpu.memory_space<hbm>>
      tpu.enqueue_dma source(%dma_start3A_960 : memref<128x128xf32, #tpu.memory_space<hbm>>) target(%dma_start3A_958 : memref<128x128xf32, #tpu.memory_space<vmem>>) target_semaphore(%arg9 : memref<!tpu.dma_semaphore, #tpu.memory_space<semaphore_mem>>)
    } else {
    }
    %gt3A_879 = arith.constant 7 : i32
    %gt3A_880 = arith.cmpi sgt, %select_n3A, %gt3A_879 : i32
    %convert_element_type3A_881 = arith.extui %gt3A_880 : i1 to i32
    %cond3A_882 = arith.constant 0 : i32
    %cond3A_883 = arith.cmpi ne, %convert_element_type3A_881, %cond3A_882 : i32
    scf.if %cond3A_883 {
      %dma_wait3A = arith.constant 1 : i32
      %dma_wait3A_945 = arith.constant 0 : i32
      %dma_wait3A_946 = arith.constant 0 : i32
      %dma_wait3A_947 = tpu.memref_slice %arg6[%dma_wait3A, %dma_wait3A_945, %dma_wait3A_946] : memref<2x128x128xf32, #tpu.memory_space<vmem>> -> memref<1x128x128xf32, #tpu.memory_space<vmem>>
      %dma_wait3A_948 = tpu.memref_squeeze %dma_wait3A_947 : memref<1x128x128xf32, #tpu.memory_space<vmem>> -> memref<128x128xf32, #tpu.memory_space<vmem>>
      %dma_wait3A_949 = arith.constant 0 : i32
      %dma_wait3A_950 = arith.constant 0 : i32
      %dma_wait3A_951 = tpu.memref_slice %arg2[%dma_wait3A_949, %dma_wait3A_950] : memref<100000x128xf32, #tpu.memory_space<hbm>> -> memref<128x128xf32, #tpu.memory_space<hbm>>
      %dma_wait3A_952 = arith.constant 0 : i32
      %dma_wait3A_953 = arith.constant 0 : i32
      %dma_wait3A_954 = tpu.memref_slice %arg6[%dma_wait3A, %dma_wait3A_952, %dma_wait3A_953] : memref<2x128x128xf32, #tpu.memory_space<vmem>> -> memref<1x128x128xf32, #tpu.memory_space<vmem>>
      %dma_wait3A_955 = tpu.memref_squeeze %dma_wait3A_954 : memref<1x128x128xf32, #tpu.memory_space<vmem>> -> memref<128x128xf32, #tpu.memory_space<vmem>>
      %dma_wait3A_956 = arith.constant 0 : i32
      %dma_wait3A_957 = arith.constant 0 : i32
      %dma_wait3A_958 = tpu.memref_slice %arg2[%dma_wait3A_956, %dma_wait3A_957] : memref<100000x128xf32, #tpu.memory_space<hbm>> -> memref<128x128xf32, #tpu.memory_space<hbm>>
      tpu.wait_dma2 semaphore(%arg10 : memref<!tpu.dma_semaphore, #tpu.memory_space<semaphore_mem>>) src(%dma_wait3A_958 : memref<128x128xf32, #tpu.memory_space<hbm>>) dst(%dma_wait3A_955 : memref<128x128xf32, #tpu.memory_space<vmem>>)
      %add3A_959 = arith.constant 7 : i32
      %add3A_960 = arith.addi %sub3A_799, %add3A_959 : i32
      %run_scoped3A = arith.constant 1 : i32
      "tpu.region"() ({
        %run_scoped3A_961 = tpu.sem_alloc : memref<!tpu.dma_semaphore, #tpu.memory_space<semaphore_mem>>
        %dma_start3A = arith.constant 0 : i32
        %dma_start3A_962 = arith.constant 0 : i32
        %dma_start3A_963 = tpu.memref_slice %arg6[%run_scoped3A, %dma_start3A, %dma_start3A_962] : memref<2x128x128xf32, #tpu.memory_space<vmem>> -> memref<1x128x128xf32, #tpu.memory_space<vmem>>
        %dma_start3A_964 = tpu.memref_squeeze %dma_start3A_963 : memref<1x128x128xf32, #tpu.memory_space<vmem>> -> memref<128x128xf32, #tpu.memory_space<vmem>>
        %dma_start3A_965 = arith.constant 0 : i32
        %dma_start3A_966 = tpu.memref_slice %arg5[%add3A_960, %dma_start3A_965] : memref<24x128xi32, #tpu.memory_space<vmem>> -> memref<1x128xi32, #tpu.memory_space<vmem>>
        %dma_start3A_967 = tpu.memref_squeeze %dma_start3A_966 : memref<1x128xi32, #tpu.memory_space<vmem>> -> memref<128xi32, #tpu.memory_space<vmem>>
        %dma_start3A_968 = arith.constant 0 : i32
        %dma_start3A_969 = arith.constant 0 : i32
        %dma_start3A_970 = tpu.memref_slice %arg8[%dma_start3A_968, %dma_start3A_969] : memref<264x128xf32, #tpu.memory_space<vmem_shared>> -> memref<264x128xf32, #tpu.memory_space<vmem_shared>>
        tpu.enqueue_indirect_dma source(%dma_start3A_964 : memref<128x128xf32, #tpu.memory_space<vmem>>) target(%dma_start3A_970 : memref<264x128xf32, #tpu.memory_space<vmem_shared>>) offsets(%dma_start3A_967 : memref<128xi32, #tpu.memory_space<vmem>>) semaphore(%run_scoped3A_961 : memref<!tpu.dma_semaphore, #tpu.memory_space<semaphore_mem>>) {add = true}
        %dma_wait3A_971 = arith.constant 0 : i32
        %dma_wait3A_972 = arith.constant 0 : i32
        %dma_wait3A_973 = tpu.memref_slice %arg6[%run_scoped3A, %dma_wait3A_971, %dma_wait3A_972] : memref<2x128x128xf32, #tpu.memory_space<vmem>> -> memref<1x128x128xf32, #tpu.memory_space<vmem>>
        %dma_wait3A_974 = tpu.memref_squeeze %dma_wait3A_973 : memref<1x128x128xf32, #tpu.memory_space<vmem>> -> memref<128x128xf32, #tpu.memory_space<vmem>>
        %dma_wait3A_975 = arith.constant 0 : i32
        %dma_wait3A_976 = tpu.memref_slice %arg5[%add3A_960, %dma_wait3A_975] : memref<24x128xi32, #tpu.memory_space<vmem>> -> memref<1x128xi32, #tpu.memory_space<vmem>>
        %dma_wait3A_977 = tpu.memref_squeeze %dma_wait3A_976 : memref<1x128xi32, #tpu.memory_space<vmem>> -> memref<128xi32, #tpu.memory_space<vmem>>
        %dma_wait3A_978 = arith.constant 0 : i32
        %dma_wait3A_979 = arith.constant 0 : i32
        %dma_wait3A_980 = tpu.memref_slice %arg8[%dma_wait3A_978, %dma_wait3A_979] : memref<264x128xf32, #tpu.memory_space<vmem_shared>> -> memref<264x128xf32, #tpu.memory_space<vmem_shared>>
        tpu.wait_indirect_dma semaphore(%run_scoped3A_961 : memref<!tpu.dma_semaphore, #tpu.memory_space<semaphore_mem>>) src(%dma_wait3A_974 : memref<128x128xf32, #tpu.memory_space<vmem>>) dst(%dma_wait3A_980 : memref<264x128xf32, #tpu.memory_space<vmem_shared>>)
        tpu.yield
      }) : () -> ()
    } else {
    }
    %gt3A_884 = arith.constant 9 : i32
    %gt3A_885 = arith.cmpi sgt, %select_n3A, %gt3A_884 : i32
    %convert_element_type3A_886 = arith.extui %gt3A_885 : i1 to i32
    %cond3A_887 = arith.constant 0 : i32
    %cond3A_888 = arith.cmpi ne, %convert_element_type3A_886, %cond3A_887 : i32
    scf.if %cond3A_888 {
      %add3A_945 = arith.constant 9 : i32
      %add3A_946 = arith.addi %add3A_776, %add3A_945 : i32
      %mul3A_947 = arith.constant 128 : i32
      %mul3A_948 = arith.muli %add3A_946, %mul3A_947 : i32
      %dma_start3A = arith.constant 1 : i32
      %dma_start3A_949 = arith.constant 0 : i32
      %dma_start3A_950 = arith.constant 0 : i32
      %dma_start3A_951 = tpu.memref_slice %arg6[%dma_start3A, %dma_start3A_949, %dma_start3A_950] : memref<2x128x128xf32, #tpu.memory_space<vmem>> -> memref<1x128x128xf32, #tpu.memory_space<vmem>>
      %dma_start3A_952 = tpu.memref_squeeze %dma_start3A_951 : memref<1x128x128xf32, #tpu.memory_space<vmem>> -> memref<128x128xf32, #tpu.memory_space<vmem>>
      %dma_start3A_953 = arith.constant 0 : i32
      %dma_start3A_954 = tpu.memref_slice %arg2[%mul3A_948, %dma_start3A_953] : memref<100000x128xf32, #tpu.memory_space<hbm>> -> memref<128x128xf32, #tpu.memory_space<hbm>>
      %dma_start3A_955 = arith.constant 0 : i32
      %dma_start3A_956 = arith.constant 0 : i32
      %dma_start3A_957 = tpu.memref_slice %arg6[%dma_start3A, %dma_start3A_955, %dma_start3A_956] : memref<2x128x128xf32, #tpu.memory_space<vmem>> -> memref<1x128x128xf32, #tpu.memory_space<vmem>>
      %dma_start3A_958 = tpu.memref_squeeze %dma_start3A_957 : memref<1x128x128xf32, #tpu.memory_space<vmem>> -> memref<128x128xf32, #tpu.memory_space<vmem>>
      %dma_start3A_959 = arith.constant 0 : i32
      %dma_start3A_960 = tpu.memref_slice %arg2[%mul3A_948, %dma_start3A_959] : memref<100000x128xf32, #tpu.memory_space<hbm>> -> memref<128x128xf32, #tpu.memory_space<hbm>>
      tpu.enqueue_dma source(%dma_start3A_960 : memref<128x128xf32, #tpu.memory_space<hbm>>) target(%dma_start3A_958 : memref<128x128xf32, #tpu.memory_space<vmem>>) target_semaphore(%arg10 : memref<!tpu.dma_semaphore, #tpu.memory_space<semaphore_mem>>)
    } else {
    }
    %gt3A_889 = arith.constant 8 : i32
    %gt3A_890 = arith.cmpi sgt, %select_n3A, %gt3A_889 : i32
    %convert_element_type3A_891 = arith.extui %gt3A_890 : i1 to i32
    %cond3A_892 = arith.constant 0 : i32
    %cond3A_893 = arith.cmpi ne, %convert_element_type3A_891, %cond3A_892 : i32
    scf.if %cond3A_893 {
      %dma_wait3A = arith.constant 0 : i32
      %dma_wait3A_945 = arith.constant 0 : i32
      %dma_wait3A_946 = arith.constant 0 : i32
      %dma_wait3A_947 = tpu.memref_slice %arg6[%dma_wait3A, %dma_wait3A_945, %dma_wait3A_946] : memref<2x128x128xf32, #tpu.memory_space<vmem>> -> memref<1x128x128xf32, #tpu.memory_space<vmem>>
      %dma_wait3A_948 = tpu.memref_squeeze %dma_wait3A_947 : memref<1x128x128xf32, #tpu.memory_space<vmem>> -> memref<128x128xf32, #tpu.memory_space<vmem>>
      %dma_wait3A_949 = arith.constant 0 : i32
      %dma_wait3A_950 = arith.constant 0 : i32
      %dma_wait3A_951 = tpu.memref_slice %arg2[%dma_wait3A_949, %dma_wait3A_950] : memref<100000x128xf32, #tpu.memory_space<hbm>> -> memref<128x128xf32, #tpu.memory_space<hbm>>
      %dma_wait3A_952 = arith.constant 0 : i32
      %dma_wait3A_953 = arith.constant 0 : i32
      %dma_wait3A_954 = tpu.memref_slice %arg6[%dma_wait3A, %dma_wait3A_952, %dma_wait3A_953] : memref<2x128x128xf32, #tpu.memory_space<vmem>> -> memref<1x128x128xf32, #tpu.memory_space<vmem>>
      %dma_wait3A_955 = tpu.memref_squeeze %dma_wait3A_954 : memref<1x128x128xf32, #tpu.memory_space<vmem>> -> memref<128x128xf32, #tpu.memory_space<vmem>>
      %dma_wait3A_956 = arith.constant 0 : i32
      %dma_wait3A_957 = arith.constant 0 : i32
      %dma_wait3A_958 = tpu.memref_slice %arg2[%dma_wait3A_956, %dma_wait3A_957] : memref<100000x128xf32, #tpu.memory_space<hbm>> -> memref<128x128xf32, #tpu.memory_space<hbm>>
      tpu.wait_dma2 semaphore(%arg9 : memref<!tpu.dma_semaphore, #tpu.memory_space<semaphore_mem>>) src(%dma_wait3A_958 : memref<128x128xf32, #tpu.memory_space<hbm>>) dst(%dma_wait3A_955 : memref<128x128xf32, #tpu.memory_space<vmem>>)
      %add3A_959 = arith.constant 8 : i32
      %add3A_960 = arith.addi %sub3A_799, %add3A_959 : i32
      %run_scoped3A = arith.constant 0 : i32
      "tpu.region"() ({
        %run_scoped3A_961 = tpu.sem_alloc : memref<!tpu.dma_semaphore, #tpu.memory_space<semaphore_mem>>
        %dma_start3A = arith.constant 0 : i32
        %dma_start3A_962 = arith.constant 0 : i32
        %dma_start3A_963 = tpu.memref_slice %arg6[%run_scoped3A, %dma_start3A, %dma_start3A_962] : memref<2x128x128xf32, #tpu.memory_space<vmem>> -> memref<1x128x128xf32, #tpu.memory_space<vmem>>
        %dma_start3A_964 = tpu.memref_squeeze %dma_start3A_963 : memref<1x128x128xf32, #tpu.memory_space<vmem>> -> memref<128x128xf32, #tpu.memory_space<vmem>>
        %dma_start3A_965 = arith.constant 0 : i32
        %dma_start3A_966 = tpu.memref_slice %arg5[%add3A_960, %dma_start3A_965] : memref<24x128xi32, #tpu.memory_space<vmem>> -> memref<1x128xi32, #tpu.memory_space<vmem>>
        %dma_start3A_967 = tpu.memref_squeeze %dma_start3A_966 : memref<1x128xi32, #tpu.memory_space<vmem>> -> memref<128xi32, #tpu.memory_space<vmem>>
        %dma_start3A_968 = arith.constant 0 : i32
        %dma_start3A_969 = arith.constant 0 : i32
        %dma_start3A_970 = tpu.memref_slice %arg8[%dma_start3A_968, %dma_start3A_969] : memref<264x128xf32, #tpu.memory_space<vmem_shared>> -> memref<264x128xf32, #tpu.memory_space<vmem_shared>>
        tpu.enqueue_indirect_dma source(%dma_start3A_964 : memref<128x128xf32, #tpu.memory_space<vmem>>) target(%dma_start3A_970 : memref<264x128xf32, #tpu.memory_space<vmem_shared>>) offsets(%dma_start3A_967 : memref<128xi32, #tpu.memory_space<vmem>>) semaphore(%run_scoped3A_961 : memref<!tpu.dma_semaphore, #tpu.memory_space<semaphore_mem>>) {add = true}
        %dma_wait3A_971 = arith.constant 0 : i32
        %dma_wait3A_972 = arith.constant 0 : i32
        %dma_wait3A_973 = tpu.memref_slice %arg6[%run_scoped3A, %dma_wait3A_971, %dma_wait3A_972] : memref<2x128x128xf32, #tpu.memory_space<vmem>> -> memref<1x128x128xf32, #tpu.memory_space<vmem>>
        %dma_wait3A_974 = tpu.memref_squeeze %dma_wait3A_973 : memref<1x128x128xf32, #tpu.memory_space<vmem>> -> memref<128x128xf32, #tpu.memory_space<vmem>>
        %dma_wait3A_975 = arith.constant 0 : i32
        %dma_wait3A_976 = tpu.memref_slice %arg5[%add3A_960, %dma_wait3A_975] : memref<24x128xi32, #tpu.memory_space<vmem>> -> memref<1x128xi32, #tpu.memory_space<vmem>>
        %dma_wait3A_977 = tpu.memref_squeeze %dma_wait3A_976 : memref<1x128xi32, #tpu.memory_space<vmem>> -> memref<128xi32, #tpu.memory_space<vmem>>
        %dma_wait3A_978 = arith.constant 0 : i32
        %dma_wait3A_979 = arith.constant 0 : i32
        %dma_wait3A_980 = tpu.memref_slice %arg8[%dma_wait3A_978, %dma_wait3A_979] : memref<264x128xf32, #tpu.memory_space<vmem_shared>> -> memref<264x128xf32, #tpu.memory_space<vmem_shared>>
        tpu.wait_indirect_dma semaphore(%run_scoped3A_961 : memref<!tpu.dma_semaphore, #tpu.memory_space<semaphore_mem>>) src(%dma_wait3A_974 : memref<128x128xf32, #tpu.memory_space<vmem>>) dst(%dma_wait3A_980 : memref<264x128xf32, #tpu.memory_space<vmem_shared>>)
        tpu.yield
      }) : () -> ()
    } else {
    }
    %gt3A_894 = arith.constant 10 : i32
    %gt3A_895 = arith.cmpi sgt, %select_n3A, %gt3A_894 : i32
    %convert_element_type3A_896 = arith.extui %gt3A_895 : i1 to i32
    %cond3A_897 = arith.constant 0 : i32
    %cond3A_898 = arith.cmpi ne, %convert_element_type3A_896, %cond3A_897 : i32
    scf.if %cond3A_898 {
      %add3A_945 = arith.constant 10 : i32
      %add3A_946 = arith.addi %add3A_776, %add3A_945 : i32
      %mul3A_947 = arith.constant 128 : i32
      %mul3A_948 = arith.muli %add3A_946, %mul3A_947 : i32
      %dma_start3A = arith.constant 0 : i32
      %dma_start3A_949 = arith.constant 0 : i32
      %dma_start3A_950 = arith.constant 0 : i32
      %dma_start3A_951 = tpu.memref_slice %arg6[%dma_start3A, %dma_start3A_949, %dma_start3A_950] : memref<2x128x128xf32, #tpu.memory_space<vmem>> -> memref<1x128x128xf32, #tpu.memory_space<vmem>>
      %dma_start3A_952 = tpu.memref_squeeze %dma_start3A_951 : memref<1x128x128xf32, #tpu.memory_space<vmem>> -> memref<128x128xf32, #tpu.memory_space<vmem>>
      %dma_start3A_953 = arith.constant 0 : i32
      %dma_start3A_954 = tpu.memref_slice %arg2[%mul3A_948, %dma_start3A_953] : memref<100000x128xf32, #tpu.memory_space<hbm>> -> memref<128x128xf32, #tpu.memory_space<hbm>>
      %dma_start3A_955 = arith.constant 0 : i32
      %dma_start3A_956 = arith.constant 0 : i32
      %dma_start3A_957 = tpu.memref_slice %arg6[%dma_start3A, %dma_start3A_955, %dma_start3A_956] : memref<2x128x128xf32, #tpu.memory_space<vmem>> -> memref<1x128x128xf32, #tpu.memory_space<vmem>>
      %dma_start3A_958 = tpu.memref_squeeze %dma_start3A_957 : memref<1x128x128xf32, #tpu.memory_space<vmem>> -> memref<128x128xf32, #tpu.memory_space<vmem>>
      %dma_start3A_959 = arith.constant 0 : i32
      %dma_start3A_960 = tpu.memref_slice %arg2[%mul3A_948, %dma_start3A_959] : memref<100000x128xf32, #tpu.memory_space<hbm>> -> memref<128x128xf32, #tpu.memory_space<hbm>>
      tpu.enqueue_dma source(%dma_start3A_960 : memref<128x128xf32, #tpu.memory_space<hbm>>) target(%dma_start3A_958 : memref<128x128xf32, #tpu.memory_space<vmem>>) target_semaphore(%arg9 : memref<!tpu.dma_semaphore, #tpu.memory_space<semaphore_mem>>)
    } else {
    }
    %gt3A_899 = arith.constant 9 : i32
    %gt3A_900 = arith.cmpi sgt, %select_n3A, %gt3A_899 : i32
    %convert_element_type3A_901 = arith.extui %gt3A_900 : i1 to i32
    %cond3A_902 = arith.constant 0 : i32
    %cond3A_903 = arith.cmpi ne, %convert_element_type3A_901, %cond3A_902 : i32
    scf.if %cond3A_903 {
      %dma_wait3A = arith.constant 1 : i32
      %dma_wait3A_945 = arith.constant 0 : i32
      %dma_wait3A_946 = arith.constant 0 : i32
      %dma_wait3A_947 = tpu.memref_slice %arg6[%dma_wait3A, %dma_wait3A_945, %dma_wait3A_946] : memref<2x128x128xf32, #tpu.memory_space<vmem>> -> memref<1x128x128xf32, #tpu.memory_space<vmem>>
      %dma_wait3A_948 = tpu.memref_squeeze %dma_wait3A_947 : memref<1x128x128xf32, #tpu.memory_space<vmem>> -> memref<128x128xf32, #tpu.memory_space<vmem>>
      %dma_wait3A_949 = arith.constant 0 : i32
      %dma_wait3A_950 = arith.constant 0 : i32
      %dma_wait3A_951 = tpu.memref_slice %arg2[%dma_wait3A_949, %dma_wait3A_950] : memref<100000x128xf32, #tpu.memory_space<hbm>> -> memref<128x128xf32, #tpu.memory_space<hbm>>
      %dma_wait3A_952 = arith.constant 0 : i32
      %dma_wait3A_953 = arith.constant 0 : i32
      %dma_wait3A_954 = tpu.memref_slice %arg6[%dma_wait3A, %dma_wait3A_952, %dma_wait3A_953] : memref<2x128x128xf32, #tpu.memory_space<vmem>> -> memref<1x128x128xf32, #tpu.memory_space<vmem>>
      %dma_wait3A_955 = tpu.memref_squeeze %dma_wait3A_954 : memref<1x128x128xf32, #tpu.memory_space<vmem>> -> memref<128x128xf32, #tpu.memory_space<vmem>>
      %dma_wait3A_956 = arith.constant 0 : i32
      %dma_wait3A_957 = arith.constant 0 : i32
      %dma_wait3A_958 = tpu.memref_slice %arg2[%dma_wait3A_956, %dma_wait3A_957] : memref<100000x128xf32, #tpu.memory_space<hbm>> -> memref<128x128xf32, #tpu.memory_space<hbm>>
      tpu.wait_dma2 semaphore(%arg10 : memref<!tpu.dma_semaphore, #tpu.memory_space<semaphore_mem>>) src(%dma_wait3A_958 : memref<128x128xf32, #tpu.memory_space<hbm>>) dst(%dma_wait3A_955 : memref<128x128xf32, #tpu.memory_space<vmem>>)
      %add3A_959 = arith.constant 9 : i32
      %add3A_960 = arith.addi %sub3A_799, %add3A_959 : i32
      %run_scoped3A = arith.constant 1 : i32
      "tpu.region"() ({
        %run_scoped3A_961 = tpu.sem_alloc : memref<!tpu.dma_semaphore, #tpu.memory_space<semaphore_mem>>
        %dma_start3A = arith.constant 0 : i32
        %dma_start3A_962 = arith.constant 0 : i32
        %dma_start3A_963 = tpu.memref_slice %arg6[%run_scoped3A, %dma_start3A, %dma_start3A_962] : memref<2x128x128xf32, #tpu.memory_space<vmem>> -> memref<1x128x128xf32, #tpu.memory_space<vmem>>
        %dma_start3A_964 = tpu.memref_squeeze %dma_start3A_963 : memref<1x128x128xf32, #tpu.memory_space<vmem>> -> memref<128x128xf32, #tpu.memory_space<vmem>>
        %dma_start3A_965 = arith.constant 0 : i32
        %dma_start3A_966 = tpu.memref_slice %arg5[%add3A_960, %dma_start3A_965] : memref<24x128xi32, #tpu.memory_space<vmem>> -> memref<1x128xi32, #tpu.memory_space<vmem>>
        %dma_start3A_967 = tpu.memref_squeeze %dma_start3A_966 : memref<1x128xi32, #tpu.memory_space<vmem>> -> memref<128xi32, #tpu.memory_space<vmem>>
        %dma_start3A_968 = arith.constant 0 : i32
        %dma_start3A_969 = arith.constant 0 : i32
        %dma_start3A_970 = tpu.memref_slice %arg8[%dma_start3A_968, %dma_start3A_969] : memref<264x128xf32, #tpu.memory_space<vmem_shared>> -> memref<264x128xf32, #tpu.memory_space<vmem_shared>>
        tpu.enqueue_indirect_dma source(%dma_start3A_964 : memref<128x128xf32, #tpu.memory_space<vmem>>) target(%dma_start3A_970 : memref<264x128xf32, #tpu.memory_space<vmem_shared>>) offsets(%dma_start3A_967 : memref<128xi32, #tpu.memory_space<vmem>>) semaphore(%run_scoped3A_961 : memref<!tpu.dma_semaphore, #tpu.memory_space<semaphore_mem>>) {add = true}
        %dma_wait3A_971 = arith.constant 0 : i32
        %dma_wait3A_972 = arith.constant 0 : i32
        %dma_wait3A_973 = tpu.memref_slice %arg6[%run_scoped3A, %dma_wait3A_971, %dma_wait3A_972] : memref<2x128x128xf32, #tpu.memory_space<vmem>> -> memref<1x128x128xf32, #tpu.memory_space<vmem>>
        %dma_wait3A_974 = tpu.memref_squeeze %dma_wait3A_973 : memref<1x128x128xf32, #tpu.memory_space<vmem>> -> memref<128x128xf32, #tpu.memory_space<vmem>>
        %dma_wait3A_975 = arith.constant 0 : i32
        %dma_wait3A_976 = tpu.memref_slice %arg5[%add3A_960, %dma_wait3A_975] : memref<24x128xi32, #tpu.memory_space<vmem>> -> memref<1x128xi32, #tpu.memory_space<vmem>>
        %dma_wait3A_977 = tpu.memref_squeeze %dma_wait3A_976 : memref<1x128xi32, #tpu.memory_space<vmem>> -> memref<128xi32, #tpu.memory_space<vmem>>
        %dma_wait3A_978 = arith.constant 0 : i32
        %dma_wait3A_979 = arith.constant 0 : i32
        %dma_wait3A_980 = tpu.memref_slice %arg8[%dma_wait3A_978, %dma_wait3A_979] : memref<264x128xf32, #tpu.memory_space<vmem_shared>> -> memref<264x128xf32, #tpu.memory_space<vmem_shared>>
        tpu.wait_indirect_dma semaphore(%run_scoped3A_961 : memref<!tpu.dma_semaphore, #tpu.memory_space<semaphore_mem>>) src(%dma_wait3A_974 : memref<128x128xf32, #tpu.memory_space<vmem>>) dst(%dma_wait3A_980 : memref<264x128xf32, #tpu.memory_space<vmem_shared>>)
        tpu.yield
      }) : () -> ()
    } else {
    }
    %gt3A_904 = arith.constant 11 : i32
    %gt3A_905 = arith.cmpi sgt, %select_n3A, %gt3A_904 : i32
    %convert_element_type3A_906 = arith.extui %gt3A_905 : i1 to i32
    %cond3A_907 = arith.constant 0 : i32
    %cond3A_908 = arith.cmpi ne, %convert_element_type3A_906, %cond3A_907 : i32
    scf.if %cond3A_908 {
      %add3A_945 = arith.constant 11 : i32
      %add3A_946 = arith.addi %add3A_776, %add3A_945 : i32
      %mul3A_947 = arith.constant 128 : i32
      %mul3A_948 = arith.muli %add3A_946, %mul3A_947 : i32
      %dma_start3A = arith.constant 1 : i32
      %dma_start3A_949 = arith.constant 0 : i32
      %dma_start3A_950 = arith.constant 0 : i32
      %dma_start3A_951 = tpu.memref_slice %arg6[%dma_start3A, %dma_start3A_949, %dma_start3A_950] : memref<2x128x128xf32, #tpu.memory_space<vmem>> -> memref<1x128x128xf32, #tpu.memory_space<vmem>>
      %dma_start3A_952 = tpu.memref_squeeze %dma_start3A_951 : memref<1x128x128xf32, #tpu.memory_space<vmem>> -> memref<128x128xf32, #tpu.memory_space<vmem>>
      %dma_start3A_953 = arith.constant 0 : i32
      %dma_start3A_954 = tpu.memref_slice %arg2[%mul3A_948, %dma_start3A_953] : memref<100000x128xf32, #tpu.memory_space<hbm>> -> memref<128x128xf32, #tpu.memory_space<hbm>>
      %dma_start3A_955 = arith.constant 0 : i32
      %dma_start3A_956 = arith.constant 0 : i32
      %dma_start3A_957 = tpu.memref_slice %arg6[%dma_start3A, %dma_start3A_955, %dma_start3A_956] : memref<2x128x128xf32, #tpu.memory_space<vmem>> -> memref<1x128x128xf32, #tpu.memory_space<vmem>>
      %dma_start3A_958 = tpu.memref_squeeze %dma_start3A_957 : memref<1x128x128xf32, #tpu.memory_space<vmem>> -> memref<128x128xf32, #tpu.memory_space<vmem>>
      %dma_start3A_959 = arith.constant 0 : i32
      %dma_start3A_960 = tpu.memref_slice %arg2[%mul3A_948, %dma_start3A_959] : memref<100000x128xf32, #tpu.memory_space<hbm>> -> memref<128x128xf32, #tpu.memory_space<hbm>>
      tpu.enqueue_dma source(%dma_start3A_960 : memref<128x128xf32, #tpu.memory_space<hbm>>) target(%dma_start3A_958 : memref<128x128xf32, #tpu.memory_space<vmem>>) target_semaphore(%arg10 : memref<!tpu.dma_semaphore, #tpu.memory_space<semaphore_mem>>)
    } else {
    }
    %gt3A_909 = arith.constant 10 : i32
    %gt3A_910 = arith.cmpi sgt, %select_n3A, %gt3A_909 : i32
    %convert_element_type3A_911 = arith.extui %gt3A_910 : i1 to i32
    %cond3A_912 = arith.constant 0 : i32
    %cond3A_913 = arith.cmpi ne, %convert_element_type3A_911, %cond3A_912 : i32
    scf.if %cond3A_913 {
      %dma_wait3A = arith.constant 0 : i32
      %dma_wait3A_945 = arith.constant 0 : i32
      %dma_wait3A_946 = arith.constant 0 : i32
      %dma_wait3A_947 = tpu.memref_slice %arg6[%dma_wait3A, %dma_wait3A_945, %dma_wait3A_946] : memref<2x128x128xf32, #tpu.memory_space<vmem>> -> memref<1x128x128xf32, #tpu.memory_space<vmem>>
      %dma_wait3A_948 = tpu.memref_squeeze %dma_wait3A_947 : memref<1x128x128xf32, #tpu.memory_space<vmem>> -> memref<128x128xf32, #tpu.memory_space<vmem>>
      %dma_wait3A_949 = arith.constant 0 : i32
      %dma_wait3A_950 = arith.constant 0 : i32
      %dma_wait3A_951 = tpu.memref_slice %arg2[%dma_wait3A_949, %dma_wait3A_950] : memref<100000x128xf32, #tpu.memory_space<hbm>> -> memref<128x128xf32, #tpu.memory_space<hbm>>
      %dma_wait3A_952 = arith.constant 0 : i32
      %dma_wait3A_953 = arith.constant 0 : i32
      %dma_wait3A_954 = tpu.memref_slice %arg6[%dma_wait3A, %dma_wait3A_952, %dma_wait3A_953] : memref<2x128x128xf32, #tpu.memory_space<vmem>> -> memref<1x128x128xf32, #tpu.memory_space<vmem>>
      %dma_wait3A_955 = tpu.memref_squeeze %dma_wait3A_954 : memref<1x128x128xf32, #tpu.memory_space<vmem>> -> memref<128x128xf32, #tpu.memory_space<vmem>>
      %dma_wait3A_956 = arith.constant 0 : i32
      %dma_wait3A_957 = arith.constant 0 : i32
      %dma_wait3A_958 = tpu.memref_slice %arg2[%dma_wait3A_956, %dma_wait3A_957] : memref<100000x128xf32, #tpu.memory_space<hbm>> -> memref<128x128xf32, #tpu.memory_space<hbm>>
      tpu.wait_dma2 semaphore(%arg9 : memref<!tpu.dma_semaphore, #tpu.memory_space<semaphore_mem>>) src(%dma_wait3A_958 : memref<128x128xf32, #tpu.memory_space<hbm>>) dst(%dma_wait3A_955 : memref<128x128xf32, #tpu.memory_space<vmem>>)
      %add3A_959 = arith.constant 10 : i32
      %add3A_960 = arith.addi %sub3A_799, %add3A_959 : i32
      %run_scoped3A = arith.constant 0 : i32
      "tpu.region"() ({
        %run_scoped3A_961 = tpu.sem_alloc : memref<!tpu.dma_semaphore, #tpu.memory_space<semaphore_mem>>
        %dma_start3A = arith.constant 0 : i32
        %dma_start3A_962 = arith.constant 0 : i32
        %dma_start3A_963 = tpu.memref_slice %arg6[%run_scoped3A, %dma_start3A, %dma_start3A_962] : memref<2x128x128xf32, #tpu.memory_space<vmem>> -> memref<1x128x128xf32, #tpu.memory_space<vmem>>
        %dma_start3A_964 = tpu.memref_squeeze %dma_start3A_963 : memref<1x128x128xf32, #tpu.memory_space<vmem>> -> memref<128x128xf32, #tpu.memory_space<vmem>>
        %dma_start3A_965 = arith.constant 0 : i32
        %dma_start3A_966 = tpu.memref_slice %arg5[%add3A_960, %dma_start3A_965] : memref<24x128xi32, #tpu.memory_space<vmem>> -> memref<1x128xi32, #tpu.memory_space<vmem>>
        %dma_start3A_967 = tpu.memref_squeeze %dma_start3A_966 : memref<1x128xi32, #tpu.memory_space<vmem>> -> memref<128xi32, #tpu.memory_space<vmem>>
        %dma_start3A_968 = arith.constant 0 : i32
        %dma_start3A_969 = arith.constant 0 : i32
        %dma_start3A_970 = tpu.memref_slice %arg8[%dma_start3A_968, %dma_start3A_969] : memref<264x128xf32, #tpu.memory_space<vmem_shared>> -> memref<264x128xf32, #tpu.memory_space<vmem_shared>>
        tpu.enqueue_indirect_dma source(%dma_start3A_964 : memref<128x128xf32, #tpu.memory_space<vmem>>) target(%dma_start3A_970 : memref<264x128xf32, #tpu.memory_space<vmem_shared>>) offsets(%dma_start3A_967 : memref<128xi32, #tpu.memory_space<vmem>>) semaphore(%run_scoped3A_961 : memref<!tpu.dma_semaphore, #tpu.memory_space<semaphore_mem>>) {add = true}
        %dma_wait3A_971 = arith.constant 0 : i32
        %dma_wait3A_972 = arith.constant 0 : i32
        %dma_wait3A_973 = tpu.memref_slice %arg6[%run_scoped3A, %dma_wait3A_971, %dma_wait3A_972] : memref<2x128x128xf32, #tpu.memory_space<vmem>> -> memref<1x128x128xf32, #tpu.memory_space<vmem>>
        %dma_wait3A_974 = tpu.memref_squeeze %dma_wait3A_973 : memref<1x128x128xf32, #tpu.memory_space<vmem>> -> memref<128x128xf32, #tpu.memory_space<vmem>>
        %dma_wait3A_975 = arith.constant 0 : i32
        %dma_wait3A_976 = tpu.memref_slice %arg5[%add3A_960, %dma_wait3A_975] : memref<24x128xi32, #tpu.memory_space<vmem>> -> memref<1x128xi32, #tpu.memory_space<vmem>>
        %dma_wait3A_977 = tpu.memref_squeeze %dma_wait3A_976 : memref<1x128xi32, #tpu.memory_space<vmem>> -> memref<128xi32, #tpu.memory_space<vmem>>
        %dma_wait3A_978 = arith.constant 0 : i32
        %dma_wait3A_979 = arith.constant 0 : i32
        %dma_wait3A_980 = tpu.memref_slice %arg8[%dma_wait3A_978, %dma_wait3A_979] : memref<264x128xf32, #tpu.memory_space<vmem_shared>> -> memref<264x128xf32, #tpu.memory_space<vmem_shared>>
        tpu.wait_indirect_dma semaphore(%run_scoped3A_961 : memref<!tpu.dma_semaphore, #tpu.memory_space<semaphore_mem>>) src(%dma_wait3A_974 : memref<128x128xf32, #tpu.memory_space<vmem>>) dst(%dma_wait3A_980 : memref<264x128xf32, #tpu.memory_space<vmem_shared>>)
        tpu.yield
      }) : () -> ()
    } else {
    }
    %gt3A_914 = arith.constant 12 : i32
    %gt3A_915 = arith.cmpi sgt, %select_n3A, %gt3A_914 : i32
    %convert_element_type3A_916 = arith.extui %gt3A_915 : i1 to i32
    %cond3A_917 = arith.constant 0 : i32
    %cond3A_918 = arith.cmpi ne, %convert_element_type3A_916, %cond3A_917 : i32
    scf.if %cond3A_918 {
      %add3A_945 = arith.constant 12 : i32
      %add3A_946 = arith.addi %add3A_776, %add3A_945 : i32
      %mul3A_947 = arith.constant 128 : i32
      %mul3A_948 = arith.muli %add3A_946, %mul3A_947 : i32
      %dma_start3A = arith.constant 0 : i32
      %dma_start3A_949 = arith.constant 0 : i32
      %dma_start3A_950 = arith.constant 0 : i32
      %dma_start3A_951 = tpu.memref_slice %arg6[%dma_start3A, %dma_start3A_949, %dma_start3A_950] : memref<2x128x128xf32, #tpu.memory_space<vmem>> -> memref<1x128x128xf32, #tpu.memory_space<vmem>>
      %dma_start3A_952 = tpu.memref_squeeze %dma_start3A_951 : memref<1x128x128xf32, #tpu.memory_space<vmem>> -> memref<128x128xf32, #tpu.memory_space<vmem>>
      %dma_start3A_953 = arith.constant 0 : i32
      %dma_start3A_954 = tpu.memref_slice %arg2[%mul3A_948, %dma_start3A_953] : memref<100000x128xf32, #tpu.memory_space<hbm>> -> memref<128x128xf32, #tpu.memory_space<hbm>>
      %dma_start3A_955 = arith.constant 0 : i32
      %dma_start3A_956 = arith.constant 0 : i32
      %dma_start3A_957 = tpu.memref_slice %arg6[%dma_start3A, %dma_start3A_955, %dma_start3A_956] : memref<2x128x128xf32, #tpu.memory_space<vmem>> -> memref<1x128x128xf32, #tpu.memory_space<vmem>>
      %dma_start3A_958 = tpu.memref_squeeze %dma_start3A_957 : memref<1x128x128xf32, #tpu.memory_space<vmem>> -> memref<128x128xf32, #tpu.memory_space<vmem>>
      %dma_start3A_959 = arith.constant 0 : i32
      %dma_start3A_960 = tpu.memref_slice %arg2[%mul3A_948, %dma_start3A_959] : memref<100000x128xf32, #tpu.memory_space<hbm>> -> memref<128x128xf32, #tpu.memory_space<hbm>>
      tpu.enqueue_dma source(%dma_start3A_960 : memref<128x128xf32, #tpu.memory_space<hbm>>) target(%dma_start3A_958 : memref<128x128xf32, #tpu.memory_space<vmem>>) target_semaphore(%arg9 : memref<!tpu.dma_semaphore, #tpu.memory_space<semaphore_mem>>)
    } else {
    }
    %gt3A_919 = arith.constant 11 : i32
    %gt3A_920 = arith.cmpi sgt, %select_n3A, %gt3A_919 : i32
    %convert_element_type3A_921 = arith.extui %gt3A_920 : i1 to i32
    %cond3A_922 = arith.constant 0 : i32
    %cond3A_923 = arith.cmpi ne, %convert_element_type3A_921, %cond3A_922 : i32
    scf.if %cond3A_923 {
      %dma_wait3A = arith.constant 1 : i32
      %dma_wait3A_945 = arith.constant 0 : i32
      %dma_wait3A_946 = arith.constant 0 : i32
      %dma_wait3A_947 = tpu.memref_slice %arg6[%dma_wait3A, %dma_wait3A_945, %dma_wait3A_946] : memref<2x128x128xf32, #tpu.memory_space<vmem>> -> memref<1x128x128xf32, #tpu.memory_space<vmem>>
      %dma_wait3A_948 = tpu.memref_squeeze %dma_wait3A_947 : memref<1x128x128xf32, #tpu.memory_space<vmem>> -> memref<128x128xf32, #tpu.memory_space<vmem>>
      %dma_wait3A_949 = arith.constant 0 : i32
      %dma_wait3A_950 = arith.constant 0 : i32
      %dma_wait3A_951 = tpu.memref_slice %arg2[%dma_wait3A_949, %dma_wait3A_950] : memref<100000x128xf32, #tpu.memory_space<hbm>> -> memref<128x128xf32, #tpu.memory_space<hbm>>
      %dma_wait3A_952 = arith.constant 0 : i32
      %dma_wait3A_953 = arith.constant 0 : i32
      %dma_wait3A_954 = tpu.memref_slice %arg6[%dma_wait3A, %dma_wait3A_952, %dma_wait3A_953] : memref<2x128x128xf32, #tpu.memory_space<vmem>> -> memref<1x128x128xf32, #tpu.memory_space<vmem>>
      %dma_wait3A_955 = tpu.memref_squeeze %dma_wait3A_954 : memref<1x128x128xf32, #tpu.memory_space<vmem>> -> memref<128x128xf32, #tpu.memory_space<vmem>>
      %dma_wait3A_956 = arith.constant 0 : i32
      %dma_wait3A_957 = arith.constant 0 : i32
      %dma_wait3A_958 = tpu.memref_slice %arg2[%dma_wait3A_956, %dma_wait3A_957] : memref<100000x128xf32, #tpu.memory_space<hbm>> -> memref<128x128xf32, #tpu.memory_space<hbm>>
      tpu.wait_dma2 semaphore(%arg10 : memref<!tpu.dma_semaphore, #tpu.memory_space<semaphore_mem>>) src(%dma_wait3A_958 : memref<128x128xf32, #tpu.memory_space<hbm>>) dst(%dma_wait3A_955 : memref<128x128xf32, #tpu.memory_space<vmem>>)
      %add3A_959 = arith.constant 11 : i32
      %add3A_960 = arith.addi %sub3A_799, %add3A_959 : i32
      %run_scoped3A = arith.constant 1 : i32
      "tpu.region"() ({
        %run_scoped3A_961 = tpu.sem_alloc : memref<!tpu.dma_semaphore, #tpu.memory_space<semaphore_mem>>
        %dma_start3A = arith.constant 0 : i32
        %dma_start3A_962 = arith.constant 0 : i32
        %dma_start3A_963 = tpu.memref_slice %arg6[%run_scoped3A, %dma_start3A, %dma_start3A_962] : memref<2x128x128xf32, #tpu.memory_space<vmem>> -> memref<1x128x128xf32, #tpu.memory_space<vmem>>
        %dma_start3A_964 = tpu.memref_squeeze %dma_start3A_963 : memref<1x128x128xf32, #tpu.memory_space<vmem>> -> memref<128x128xf32, #tpu.memory_space<vmem>>
        %dma_start3A_965 = arith.constant 0 : i32
        %dma_start3A_966 = tpu.memref_slice %arg5[%add3A_960, %dma_start3A_965] : memref<24x128xi32, #tpu.memory_space<vmem>> -> memref<1x128xi32, #tpu.memory_space<vmem>>
        %dma_start3A_967 = tpu.memref_squeeze %dma_start3A_966 : memref<1x128xi32, #tpu.memory_space<vmem>> -> memref<128xi32, #tpu.memory_space<vmem>>
        %dma_start3A_968 = arith.constant 0 : i32
        %dma_start3A_969 = arith.constant 0 : i32
        %dma_start3A_970 = tpu.memref_slice %arg8[%dma_start3A_968, %dma_start3A_969] : memref<264x128xf32, #tpu.memory_space<vmem_shared>> -> memref<264x128xf32, #tpu.memory_space<vmem_shared>>
        tpu.enqueue_indirect_dma source(%dma_start3A_964 : memref<128x128xf32, #tpu.memory_space<vmem>>) target(%dma_start3A_970 : memref<264x128xf32, #tpu.memory_space<vmem_shared>>) offsets(%dma_start3A_967 : memref<128xi32, #tpu.memory_space<vmem>>) semaphore(%run_scoped3A_961 : memref<!tpu.dma_semaphore, #tpu.memory_space<semaphore_mem>>) {add = true}
        %dma_wait3A_971 = arith.constant 0 : i32
        %dma_wait3A_972 = arith.constant 0 : i32
        %dma_wait3A_973 = tpu.memref_slice %arg6[%run_scoped3A, %dma_wait3A_971, %dma_wait3A_972] : memref<2x128x128xf32, #tpu.memory_space<vmem>> -> memref<1x128x128xf32, #tpu.memory_space<vmem>>
        %dma_wait3A_974 = tpu.memref_squeeze %dma_wait3A_973 : memref<1x128x128xf32, #tpu.memory_space<vmem>> -> memref<128x128xf32, #tpu.memory_space<vmem>>
        %dma_wait3A_975 = arith.constant 0 : i32
        %dma_wait3A_976 = tpu.memref_slice %arg5[%add3A_960, %dma_wait3A_975] : memref<24x128xi32, #tpu.memory_space<vmem>> -> memref<1x128xi32, #tpu.memory_space<vmem>>
        %dma_wait3A_977 = tpu.memref_squeeze %dma_wait3A_976 : memref<1x128xi32, #tpu.memory_space<vmem>> -> memref<128xi32, #tpu.memory_space<vmem>>
        %dma_wait3A_978 = arith.constant 0 : i32
        %dma_wait3A_979 = arith.constant 0 : i32
        %dma_wait3A_980 = tpu.memref_slice %arg8[%dma_wait3A_978, %dma_wait3A_979] : memref<264x128xf32, #tpu.memory_space<vmem_shared>> -> memref<264x128xf32, #tpu.memory_space<vmem_shared>>
        tpu.wait_indirect_dma semaphore(%run_scoped3A_961 : memref<!tpu.dma_semaphore, #tpu.memory_space<semaphore_mem>>) src(%dma_wait3A_974 : memref<128x128xf32, #tpu.memory_space<vmem>>) dst(%dma_wait3A_980 : memref<264x128xf32, #tpu.memory_space<vmem_shared>>)
        tpu.yield
      }) : () -> ()
    } else {
    }
    %gt3A_924 = arith.constant 13 : i32
    %gt3A_925 = arith.cmpi sgt, %select_n3A, %gt3A_924 : i32
    %convert_element_type3A_926 = arith.extui %gt3A_925 : i1 to i32
    %cond3A_927 = arith.constant 0 : i32
    %cond3A_928 = arith.cmpi ne, %convert_element_type3A_926, %cond3A_927 : i32
    scf.if %cond3A_928 {
      %add3A_945 = arith.constant 13 : i32
      %add3A_946 = arith.addi %add3A_776, %add3A_945 : i32
      %mul3A_947 = arith.constant 128 : i32
      %mul3A_948 = arith.muli %add3A_946, %mul3A_947 : i32
      %dma_start3A = arith.constant 1 : i32
      %dma_start3A_949 = arith.constant 0 : i32
      %dma_start3A_950 = arith.constant 0 : i32
      %dma_start3A_951 = tpu.memref_slice %arg6[%dma_start3A, %dma_start3A_949, %dma_start3A_950] : memref<2x128x128xf32, #tpu.memory_space<vmem>> -> memref<1x128x128xf32, #tpu.memory_space<vmem>>
      %dma_start3A_952 = tpu.memref_squeeze %dma_start3A_951 : memref<1x128x128xf32, #tpu.memory_space<vmem>> -> memref<128x128xf32, #tpu.memory_space<vmem>>
      %dma_start3A_953 = arith.constant 0 : i32
      %dma_start3A_954 = tpu.memref_slice %arg2[%mul3A_948, %dma_start3A_953] : memref<100000x128xf32, #tpu.memory_space<hbm>> -> memref<128x128xf32, #tpu.memory_space<hbm>>
      %dma_start3A_955 = arith.constant 0 : i32
      %dma_start3A_956 = arith.constant 0 : i32
      %dma_start3A_957 = tpu.memref_slice %arg6[%dma_start3A, %dma_start3A_955, %dma_start3A_956] : memref<2x128x128xf32, #tpu.memory_space<vmem>> -> memref<1x128x128xf32, #tpu.memory_space<vmem>>
      %dma_start3A_958 = tpu.memref_squeeze %dma_start3A_957 : memref<1x128x128xf32, #tpu.memory_space<vmem>> -> memref<128x128xf32, #tpu.memory_space<vmem>>
      %dma_start3A_959 = arith.constant 0 : i32
      %dma_start3A_960 = tpu.memref_slice %arg2[%mul3A_948, %dma_start3A_959] : memref<100000x128xf32, #tpu.memory_space<hbm>> -> memref<128x128xf32, #tpu.memory_space<hbm>>
      tpu.enqueue_dma source(%dma_start3A_960 : memref<128x128xf32, #tpu.memory_space<hbm>>) target(%dma_start3A_958 : memref<128x128xf32, #tpu.memory_space<vmem>>) target_semaphore(%arg10 : memref<!tpu.dma_semaphore, #tpu.memory_space<semaphore_mem>>)
    } else {
    }
    %gt3A_929 = arith.constant 12 : i32
    %gt3A_930 = arith.cmpi sgt, %select_n3A, %gt3A_929 : i32
    %convert_element_type3A_931 = arith.extui %gt3A_930 : i1 to i32
    %cond3A_932 = arith.constant 0 : i32
    %cond3A_933 = arith.cmpi ne, %convert_element_type3A_931, %cond3A_932 : i32
    scf.if %cond3A_933 {
      %dma_wait3A = arith.constant 0 : i32
      %dma_wait3A_945 = arith.constant 0 : i32
      %dma_wait3A_946 = arith.constant 0 : i32
      %dma_wait3A_947 = tpu.memref_slice %arg6[%dma_wait3A, %dma_wait3A_945, %dma_wait3A_946] : memref<2x128x128xf32, #tpu.memory_space<vmem>> -> memref<1x128x128xf32, #tpu.memory_space<vmem>>
      %dma_wait3A_948 = tpu.memref_squeeze %dma_wait3A_947 : memref<1x128x128xf32, #tpu.memory_space<vmem>> -> memref<128x128xf32, #tpu.memory_space<vmem>>
      %dma_wait3A_949 = arith.constant 0 : i32
      %dma_wait3A_950 = arith.constant 0 : i32
      %dma_wait3A_951 = tpu.memref_slice %arg2[%dma_wait3A_949, %dma_wait3A_950] : memref<100000x128xf32, #tpu.memory_space<hbm>> -> memref<128x128xf32, #tpu.memory_space<hbm>>
      %dma_wait3A_952 = arith.constant 0 : i32
      %dma_wait3A_953 = arith.constant 0 : i32
      %dma_wait3A_954 = tpu.memref_slice %arg6[%dma_wait3A, %dma_wait3A_952, %dma_wait3A_953] : memref<2x128x128xf32, #tpu.memory_space<vmem>> -> memref<1x128x128xf32, #tpu.memory_space<vmem>>
      %dma_wait3A_955 = tpu.memref_squeeze %dma_wait3A_954 : memref<1x128x128xf32, #tpu.memory_space<vmem>> -> memref<128x128xf32, #tpu.memory_space<vmem>>
      %dma_wait3A_956 = arith.constant 0 : i32
      %dma_wait3A_957 = arith.constant 0 : i32
      %dma_wait3A_958 = tpu.memref_slice %arg2[%dma_wait3A_956, %dma_wait3A_957] : memref<100000x128xf32, #tpu.memory_space<hbm>> -> memref<128x128xf32, #tpu.memory_space<hbm>>
      tpu.wait_dma2 semaphore(%arg9 : memref<!tpu.dma_semaphore, #tpu.memory_space<semaphore_mem>>) src(%dma_wait3A_958 : memref<128x128xf32, #tpu.memory_space<hbm>>) dst(%dma_wait3A_955 : memref<128x128xf32, #tpu.memory_space<vmem>>)
      %add3A_959 = arith.constant 12 : i32
      %add3A_960 = arith.addi %sub3A_799, %add3A_959 : i32
      %run_scoped3A = arith.constant 0 : i32
      "tpu.region"() ({
        %run_scoped3A_961 = tpu.sem_alloc : memref<!tpu.dma_semaphore, #tpu.memory_space<semaphore_mem>>
        %dma_start3A = arith.constant 0 : i32
        %dma_start3A_962 = arith.constant 0 : i32
        %dma_start3A_963 = tpu.memref_slice %arg6[%run_scoped3A, %dma_start3A, %dma_start3A_962] : memref<2x128x128xf32, #tpu.memory_space<vmem>> -> memref<1x128x128xf32, #tpu.memory_space<vmem>>
        %dma_start3A_964 = tpu.memref_squeeze %dma_start3A_963 : memref<1x128x128xf32, #tpu.memory_space<vmem>> -> memref<128x128xf32, #tpu.memory_space<vmem>>
        %dma_start3A_965 = arith.constant 0 : i32
        %dma_start3A_966 = tpu.memref_slice %arg5[%add3A_960, %dma_start3A_965] : memref<24x128xi32, #tpu.memory_space<vmem>> -> memref<1x128xi32, #tpu.memory_space<vmem>>
        %dma_start3A_967 = tpu.memref_squeeze %dma_start3A_966 : memref<1x128xi32, #tpu.memory_space<vmem>> -> memref<128xi32, #tpu.memory_space<vmem>>
        %dma_start3A_968 = arith.constant 0 : i32
        %dma_start3A_969 = arith.constant 0 : i32
        %dma_start3A_970 = tpu.memref_slice %arg8[%dma_start3A_968, %dma_start3A_969] : memref<264x128xf32, #tpu.memory_space<vmem_shared>> -> memref<264x128xf32, #tpu.memory_space<vmem_shared>>
        tpu.enqueue_indirect_dma source(%dma_start3A_964 : memref<128x128xf32, #tpu.memory_space<vmem>>) target(%dma_start3A_970 : memref<264x128xf32, #tpu.memory_space<vmem_shared>>) offsets(%dma_start3A_967 : memref<128xi32, #tpu.memory_space<vmem>>) semaphore(%run_scoped3A_961 : memref<!tpu.dma_semaphore, #tpu.memory_space<semaphore_mem>>) {add = true}
        %dma_wait3A_971 = arith.constant 0 : i32
        %dma_wait3A_972 = arith.constant 0 : i32
        %dma_wait3A_973 = tpu.memref_slice %arg6[%run_scoped3A, %dma_wait3A_971, %dma_wait3A_972] : memref<2x128x128xf32, #tpu.memory_space<vmem>> -> memref<1x128x128xf32, #tpu.memory_space<vmem>>
        %dma_wait3A_974 = tpu.memref_squeeze %dma_wait3A_973 : memref<1x128x128xf32, #tpu.memory_space<vmem>> -> memref<128x128xf32, #tpu.memory_space<vmem>>
        %dma_wait3A_975 = arith.constant 0 : i32
        %dma_wait3A_976 = tpu.memref_slice %arg5[%add3A_960, %dma_wait3A_975] : memref<24x128xi32, #tpu.memory_space<vmem>> -> memref<1x128xi32, #tpu.memory_space<vmem>>
        %dma_wait3A_977 = tpu.memref_squeeze %dma_wait3A_976 : memref<1x128xi32, #tpu.memory_space<vmem>> -> memref<128xi32, #tpu.memory_space<vmem>>
        %dma_wait3A_978 = arith.constant 0 : i32
        %dma_wait3A_979 = arith.constant 0 : i32
        %dma_wait3A_980 = tpu.memref_slice %arg8[%dma_wait3A_978, %dma_wait3A_979] : memref<264x128xf32, #tpu.memory_space<vmem_shared>> -> memref<264x128xf32, #tpu.memory_space<vmem_shared>>
        tpu.wait_indirect_dma semaphore(%run_scoped3A_961 : memref<!tpu.dma_semaphore, #tpu.memory_space<semaphore_mem>>) src(%dma_wait3A_974 : memref<128x128xf32, #tpu.memory_space<vmem>>) dst(%dma_wait3A_980 : memref<264x128xf32, #tpu.memory_space<vmem_shared>>)
        tpu.yield
      }) : () -> ()
    } else {
    }
    %gt3A_934 = arith.constant 13 : i32
    %gt3A_935 = arith.cmpi sgt, %select_n3A, %gt3A_934 : i32
    %convert_element_type3A_936 = arith.extui %gt3A_935 : i1 to i32
    %cond3A_937 = arith.constant 0 : i32
    %cond3A_938 = arith.cmpi ne, %convert_element_type3A_936, %cond3A_937 : i32
    scf.if %cond3A_938 {
      %dma_wait3A = arith.constant 1 : i32
      %dma_wait3A_945 = arith.constant 0 : i32
      %dma_wait3A_946 = arith.constant 0 : i32
      %dma_wait3A_947 = tpu.memref_slice %arg6[%dma_wait3A, %dma_wait3A_945, %dma_wait3A_946] : memref<2x128x128xf32, #tpu.memory_space<vmem>> -> memref<1x128x128xf32, #tpu.memory_space<vmem>>
      %dma_wait3A_948 = tpu.memref_squeeze %dma_wait3A_947 : memref<1x128x128xf32, #tpu.memory_space<vmem>> -> memref<128x128xf32, #tpu.memory_space<vmem>>
      %dma_wait3A_949 = arith.constant 0 : i32
      %dma_wait3A_950 = arith.constant 0 : i32
      %dma_wait3A_951 = tpu.memref_slice %arg2[%dma_wait3A_949, %dma_wait3A_950] : memref<100000x128xf32, #tpu.memory_space<hbm>> -> memref<128x128xf32, #tpu.memory_space<hbm>>
      %dma_wait3A_952 = arith.constant 0 : i32
      %dma_wait3A_953 = arith.constant 0 : i32
      %dma_wait3A_954 = tpu.memref_slice %arg6[%dma_wait3A, %dma_wait3A_952, %dma_wait3A_953] : memref<2x128x128xf32, #tpu.memory_space<vmem>> -> memref<1x128x128xf32, #tpu.memory_space<vmem>>
      %dma_wait3A_955 = tpu.memref_squeeze %dma_wait3A_954 : memref<1x128x128xf32, #tpu.memory_space<vmem>> -> memref<128x128xf32, #tpu.memory_space<vmem>>
      %dma_wait3A_956 = arith.constant 0 : i32
      %dma_wait3A_957 = arith.constant 0 : i32
      %dma_wait3A_958 = tpu.memref_slice %arg2[%dma_wait3A_956, %dma_wait3A_957] : memref<100000x128xf32, #tpu.memory_space<hbm>> -> memref<128x128xf32, #tpu.memory_space<hbm>>
      tpu.wait_dma2 semaphore(%arg10 : memref<!tpu.dma_semaphore, #tpu.memory_space<semaphore_mem>>) src(%dma_wait3A_958 : memref<128x128xf32, #tpu.memory_space<hbm>>) dst(%dma_wait3A_955 : memref<128x128xf32, #tpu.memory_space<vmem>>)
      %add3A_959 = arith.constant 13 : i32
      %add3A_960 = arith.addi %sub3A_799, %add3A_959 : i32
      %run_scoped3A = arith.constant 1 : i32
      "tpu.region"() ({
        %run_scoped3A_961 = tpu.sem_alloc : memref<!tpu.dma_semaphore, #tpu.memory_space<semaphore_mem>>
        %dma_start3A = arith.constant 0 : i32
        %dma_start3A_962 = arith.constant 0 : i32
        %dma_start3A_963 = tpu.memref_slice %arg6[%run_scoped3A, %dma_start3A, %dma_start3A_962] : memref<2x128x128xf32, #tpu.memory_space<vmem>> -> memref<1x128x128xf32, #tpu.memory_space<vmem>>
        %dma_start3A_964 = tpu.memref_squeeze %dma_start3A_963 : memref<1x128x128xf32, #tpu.memory_space<vmem>> -> memref<128x128xf32, #tpu.memory_space<vmem>>
        %dma_start3A_965 = arith.constant 0 : i32
        %dma_start3A_966 = tpu.memref_slice %arg5[%add3A_960, %dma_start3A_965] : memref<24x128xi32, #tpu.memory_space<vmem>> -> memref<1x128xi32, #tpu.memory_space<vmem>>
        %dma_start3A_967 = tpu.memref_squeeze %dma_start3A_966 : memref<1x128xi32, #tpu.memory_space<vmem>> -> memref<128xi32, #tpu.memory_space<vmem>>
        %dma_start3A_968 = arith.constant 0 : i32
        %dma_start3A_969 = arith.constant 0 : i32
        %dma_start3A_970 = tpu.memref_slice %arg8[%dma_start3A_968, %dma_start3A_969] : memref<264x128xf32, #tpu.memory_space<vmem_shared>> -> memref<264x128xf32, #tpu.memory_space<vmem_shared>>
        tpu.enqueue_indirect_dma source(%dma_start3A_964 : memref<128x128xf32, #tpu.memory_space<vmem>>) target(%dma_start3A_970 : memref<264x128xf32, #tpu.memory_space<vmem_shared>>) offsets(%dma_start3A_967 : memref<128xi32, #tpu.memory_space<vmem>>) semaphore(%run_scoped3A_961 : memref<!tpu.dma_semaphore, #tpu.memory_space<semaphore_mem>>) {add = true}
        %dma_wait3A_971 = arith.constant 0 : i32
        %dma_wait3A_972 = arith.constant 0 : i32
        %dma_wait3A_973 = tpu.memref_slice %arg6[%run_scoped3A, %dma_wait3A_971, %dma_wait3A_972] : memref<2x128x128xf32, #tpu.memory_space<vmem>> -> memref<1x128x128xf32, #tpu.memory_space<vmem>>
        %dma_wait3A_974 = tpu.memref_squeeze %dma_wait3A_973 : memref<1x128x128xf32, #tpu.memory_space<vmem>> -> memref<128x128xf32, #tpu.memory_space<vmem>>
        %dma_wait3A_975 = arith.constant 0 : i32
        %dma_wait3A_976 = tpu.memref_slice %arg5[%add3A_960, %dma_wait3A_975] : memref<24x128xi32, #tpu.memory_space<vmem>> -> memref<1x128xi32, #tpu.memory_space<vmem>>
        %dma_wait3A_977 = tpu.memref_squeeze %dma_wait3A_976 : memref<1x128xi32, #tpu.memory_space<vmem>> -> memref<128xi32, #tpu.memory_space<vmem>>
        %dma_wait3A_978 = arith.constant 0 : i32
        %dma_wait3A_979 = arith.constant 0 : i32
        %dma_wait3A_980 = tpu.memref_slice %arg8[%dma_wait3A_978, %dma_wait3A_979] : memref<264x128xf32, #tpu.memory_space<vmem_shared>> -> memref<264x128xf32, #tpu.memory_space<vmem_shared>>
        tpu.wait_indirect_dma semaphore(%run_scoped3A_961 : memref<!tpu.dma_semaphore, #tpu.memory_space<semaphore_mem>>) src(%dma_wait3A_974 : memref<128x128xf32, #tpu.memory_space<vmem>>) dst(%dma_wait3A_980 : memref<264x128xf32, #tpu.memory_space<vmem_shared>>)
        tpu.yield
      }) : () -> ()
    } else {
    }
    %barrier3A_939 = arith.constant 0 : index
    tpu.barrier barrier_id(%barrier3A_939)
    %eq3A_940 = arith.constant 0 : i32
    %eq3A_941 = arith.cmpi eq, %arg1, %eq3A_940 : i32
    %convert_element_type3A_942 = arith.extui %eq3A_941 : i1 to i32
    %cond3A_943 = arith.constant 0 : i32
    %cond3A_944 = arith.cmpi ne, %convert_element_type3A_942, %cond3A_943 : i32
    scf.if %cond3A_944 {
      "tpu.region"() ({
        %run_scoped3A = tpu.sem_alloc : memref<!tpu.dma_semaphore, #tpu.memory_space<semaphore_mem>>
        %dma_start3A = arith.constant 0 : i32
        %dma_start3A_945 = arith.constant 0 : i32
        %dma_start3A_946 = tpu.memref_slice %arg4[%arg0, %dma_start3A, %dma_start3A_945] : memref<2x256x128xf32, #tpu.memory_space<hbm>> -> memref<1x256x128xf32, #tpu.memory_space<hbm>>
        %dma_start3A_947 = tpu.memref_squeeze %dma_start3A_946 : memref<1x256x128xf32, #tpu.memory_space<hbm>> -> memref<256x128xf32, #tpu.memory_space<hbm>>
        %dma_start3A_948 = arith.constant 0 : i32
        %dma_start3A_949 = arith.constant 0 : i32
        %dma_start3A_950 = tpu.memref_slice %arg8[%dma_start3A_948, %dma_start3A_949] : memref<264x128xf32, #tpu.memory_space<vmem_shared>> -> memref<256x128xf32, #tpu.memory_space<vmem_shared>>
        tpu.enqueue_dma source(%dma_start3A_950 : memref<256x128xf32, #tpu.memory_space<vmem_shared>>) target(%dma_start3A_947 : memref<256x128xf32, #tpu.memory_space<hbm>>) target_semaphore(%run_scoped3A : memref<!tpu.dma_semaphore, #tpu.memory_space<semaphore_mem>>)
        %dma_wait3A = arith.constant 0 : i32
        %dma_wait3A_951 = arith.constant 0 : i32
        %dma_wait3A_952 = tpu.memref_slice %arg4[%arg0, %dma_wait3A, %dma_wait3A_951] : memref<2x256x128xf32, #tpu.memory_space<hbm>> -> memref<1x256x128xf32, #tpu.memory_space<hbm>>
        %dma_wait3A_953 = tpu.memref_squeeze %dma_wait3A_952 : memref<1x256x128xf32, #tpu.memory_space<hbm>> -> memref<256x128xf32, #tpu.memory_space<hbm>>
        %dma_wait3A_954 = arith.constant 0 : i32
        %dma_wait3A_955 = arith.constant 0 : i32
        %dma_wait3A_956 = tpu.memref_slice %arg8[%dma_wait3A_954, %dma_wait3A_955] : memref<264x128xf32, #tpu.memory_space<vmem_shared>> -> memref<256x128xf32, #tpu.memory_space<vmem_shared>>
        tpu.wait_dma2 semaphore(%run_scoped3A : memref<!tpu.dma_semaphore, #tpu.memory_space<semaphore_mem>>) src(%dma_wait3A_956 : memref<256x128xf32, #tpu.memory_space<vmem_shared>>) dst(%dma_wait3A_953 : memref<256x128xf32, #tpu.memory_space<hbm>>)
        tpu.yield
      }) : () -> ()
    } else {
    }
    return
  }
}

module attributes {stable_mosaic.version = 14 : i64} {
  func.func @_tc_finish_body(%arg0: memref<2x256x128xf32, #tpu.memory_space<vmem>>, %arg1: memref<256x128xf32, #tpu.memory_space<vmem>>, %arg2: memref<16x16xf32, #tpu.memory_space<vmem>>, %arg3: memref<256x64xf32, #tpu.memory_space<vmem>>, %arg4: memref<192x256xf32, #tpu.memory_space<vmem>>, %arg5: memref<256xf32, #tpu.memory_space<vmem>>, %arg6: memref<256xf32, #tpu.memory_space<vmem>>, %arg7: memref<256xf32, #tpu.memory_space<vmem>>, %arg8: memref<256x128xf32, #tpu.memory_space<vmem>>, %arg9: memref<128xf32, #tpu.memory_space<vmem>>, %arg10: memref<256x128xf32, #tpu.memory_space<vmem>>) attributes {dimension_semantics = [], scalar_prefetch = 0 : i64, scratch_operands = 0 : i64, tpu.core_type = #tpu.core_type<tc>} {
    %get3A = arith.constant 0 : index
    %get3A_0 = arith.constant 0 : index
    %get3A_1 = arith.constant 0 : index
    %get3A_2 = vector.load %arg0[%get3A, %get3A_0, %get3A_1] : memref<2x256x128xf32, #tpu.memory_space<vmem>>, vector<1x256x128xf32>
    %get3A_3 = vector.shape_cast %get3A_2 : vector<1x256x128xf32> to vector<256x128xf32>
    %get3A_4 = arith.constant 1 : index
    %get3A_5 = arith.constant 0 : index
    %get3A_6 = arith.constant 0 : index
    %get3A_7 = vector.load %arg0[%get3A_4, %get3A_5, %get3A_6] : memref<2x256x128xf32, #tpu.memory_space<vmem>>, vector<1x256x128xf32>
    %get3A_8 = vector.shape_cast %get3A_7 : vector<1x256x128xf32> to vector<256x128xf32>
    %add3A = arith.addf %get3A_3, %get3A_8 : vector<256x128xf32>
    %get3A_9 = arith.constant 0 : index
    %get3A_10 = arith.constant 0 : index
    %get3A_11 = vector.load %arg1[%get3A_9, %get3A_10] : memref<256x128xf32, #tpu.memory_space<vmem>>, vector<256x128xf32>
    %add3A_12 = arith.addf %add3A, %get3A_11 : vector<256x128xf32>
    %get3A_13 = arith.constant 0 : index
    %get3A_14 = arith.constant 0 : index
    %get3A_15 = vector.load %arg2[%get3A_13, %get3A_14] : memref<16x16xf32, #tpu.memory_space<vmem>>, vector<16x16xf32>
    %iota3A = tpu.iota {dimensions = array<i32: 0>} : vector<256x16xi32>
    %iota3A_16 = tpu.iota {dimensions = array<i32: 1>} : vector<256x16xi32>
    %shift_right_arithmetic3A = arith.constant 4 : i32
    %shift_right_arithmetic3A_17 = vector.broadcast %shift_right_arithmetic3A : i32 to vector<256x16xi32>
    %shift_right_arithmetic3A_18 = arith.shrsi %iota3A, %shift_right_arithmetic3A_17 : vector<256x16xi32>
    %eq3A = arith.cmpi eq, %shift_right_arithmetic3A_18, %iota3A_16 : vector<256x16xi32>
    %convert_element_type3A = arith.extui %eq3A : vector<256x16xi1> to vector<256x16xi32>
    %convert_element_type3A_19 = arith.sitofp %convert_element_type3A : vector<256x16xi32> to vector<256x16xf32>
    %and3A = arith.constant 15 : i32
    %and3A_20 = vector.broadcast %and3A : i32 to vector<256x16xi32>
    %and3A_21 = arith.andi %iota3A, %and3A_20 : vector<256x16xi32>
    %eq3A_22 = arith.cmpi eq, %and3A_21, %iota3A_16 : vector<256x16xi32>
    %convert_element_type3A_23 = arith.extui %eq3A_22 : vector<256x16xi1> to vector<256x16xi32>
    %convert_element_type3A_24 = arith.sitofp %convert_element_type3A_23 : vector<256x16xi32> to vector<256x16xf32>
    %dot_general3A = arith.constant dense<0.000000e+00> : vector<256x16xf32>
    %dot_general3A_25 = tpu.matmul %convert_element_type3A_19, %get3A_15, %dot_general3A {dimension_numbers = #tpu.dot_dimension_numbers<[1], [0], [0], [1], [0, 0, 1, 1], [], []>, transpose_lhs_hint = false} : vector<256x16xf32>, vector<16x16xf32>, vector<256x16xf32> -> vector<256x16xf32>
    %mul3A = arith.mulf %dot_general3A_25, %convert_element_type3A_24 : vector<256x16xf32>
    %reduce_sum3A = arith.constant dense<0.000000e+00> : vector<256xf32>
    %reduce_sum3A_26 = vector.multi_reduction <add>, %mul3A, %reduce_sum3A [1] : vector<256x16xf32> to vector<256xf32>
    %broadcast_in_dim3A = vector.shape_cast %reduce_sum3A_26 : vector<256xf32> to vector<256x1xf32>
    %jit3A = arith.constant 1.000000e+00 : f32
    %max3A = vector.broadcast %jit3A : f32 to vector<256x1xf32>
    %max3A_27 = arith.maximumf %max3A, %broadcast_in_dim3A : vector<256x1xf32>
    %div3A = vector.broadcast %max3A_27 : vector<256x1xf32> to vector<256x128xf32>
    %div3A_28 = arith.divf %add3A_12, %div3A : vector<256x128xf32>
    %get3A_29 = arith.constant 0 : index
    %get3A_30 = arith.constant 0 : index
    %get3A_31 = vector.load %arg3[%get3A_29, %get3A_30] : memref<256x64xf32, #tpu.memory_space<vmem>>, vector<256x64xf32>
    %concatenate3A = tpu.concatenate %get3A_31, %div3A_28 in 1 : vector<256x64xf32>, vector<256x128xf32> -> vector<256x192xf32>
    %get3A_32 = arith.constant 0 : index
    %get3A_33 = arith.constant 0 : index
    %get3A_34 = vector.load %arg4[%get3A_32, %get3A_33] : memref<192x256xf32, #tpu.memory_space<vmem>>, vector<192x256xf32>
    %dot_general3A_35 = arith.constant dense<0.000000e+00> : vector<256x256xf32>
    %dot_general3A_36 = tpu.matmul %concatenate3A, %get3A_34, %dot_general3A_35 {dimension_numbers = #tpu.dot_dimension_numbers<[1], [0], [0], [1], [0, 0, 1, 1], [], []>, transpose_lhs_hint = false} : vector<256x192xf32>, vector<192x256xf32>, vector<256x256xf32> -> vector<256x256xf32>
    %get3A_37 = arith.constant 0 : index
    %get3A_38 = vector.load %arg5[%get3A_37] : memref<256xf32, #tpu.memory_space<vmem>>, vector<256xf32>
    %broadcast_in_dim3A_39 = vector.shape_cast %get3A_38 : vector<256xf32> to vector<1x256xf32>
    %add3A_40 = vector.broadcast %broadcast_in_dim3A_39 : vector<1x256xf32> to vector<256x256xf32>
    %add3A_41 = arith.addf %dot_general3A_36, %add3A_40 : vector<256x256xf32>
    %reduce_sum3A_42 = arith.constant dense<0.000000e+00> : vector<256xf32>
    %reduce_sum3A_43 = vector.multi_reduction <add>, %add3A_41, %reduce_sum3A_42 [1] : vector<256x256xf32> to vector<256xf32>
    %broadcast_in_dim3A_44 = vector.shape_cast %reduce_sum3A_43 : vector<256xf32> to vector<256x1xf32>
    %div3A_45 = arith.constant 2.560000e+02 : f32
    %div3A_46 = vector.broadcast %div3A_45 : f32 to vector<256x1xf32>
    %div3A_47 = arith.divf %broadcast_in_dim3A_44, %div3A_46 : vector<256x1xf32>
    %sub3A = vector.broadcast %div3A_47 : vector<256x1xf32> to vector<256x256xf32>
    %sub3A_48 = arith.subf %add3A_41, %sub3A : vector<256x256xf32>
    %integer_pow3A = arith.mulf %sub3A_48, %sub3A_48 : vector<256x256xf32>
    %reduce_sum3A_49 = arith.constant dense<0.000000e+00> : vector<256xf32>
    %reduce_sum3A_50 = vector.multi_reduction <add>, %integer_pow3A, %reduce_sum3A_49 [1] : vector<256x256xf32> to vector<256xf32>
    %broadcast_in_dim3A_51 = vector.shape_cast %reduce_sum3A_50 : vector<256xf32> to vector<256x1xf32>
    %div3A_52 = arith.constant 2.560000e+02 : f32
    %div3A_53 = vector.broadcast %div3A_52 : f32 to vector<256x1xf32>
    %div3A_54 = arith.divf %broadcast_in_dim3A_51, %div3A_53 : vector<256x1xf32>
    %sub3A_55 = vector.broadcast %div3A_47 : vector<256x1xf32> to vector<256x256xf32>
    %sub3A_56 = arith.subf %add3A_41, %sub3A_55 : vector<256x256xf32>
    %add3A_57 = arith.constant 9.99999974E-6 : f32
    %add3A_58 = vector.broadcast %add3A_57 : f32 to vector<256x1xf32>
    %add3A_59 = arith.addf %div3A_54, %add3A_58 : vector<256x1xf32>
    %sqrt3A = math.sqrt %add3A_59 : vector<256x1xf32>
    %div3A_60 = vector.broadcast %sqrt3A : vector<256x1xf32> to vector<256x256xf32>
    %div3A_61 = arith.divf %sub3A_56, %div3A_60 : vector<256x256xf32>
    %get3A_62 = arith.constant 0 : index
    %get3A_63 = vector.load %arg6[%get3A_62] : memref<256xf32, #tpu.memory_space<vmem>>, vector<256xf32>
    %broadcast_in_dim3A_64 = vector.shape_cast %get3A_63 : vector<256xf32> to vector<1x256xf32>
    %mul3A_65 = vector.broadcast %broadcast_in_dim3A_64 : vector<1x256xf32> to vector<256x256xf32>
    %mul3A_66 = arith.mulf %div3A_61, %mul3A_65 : vector<256x256xf32>
    %get3A_67 = arith.constant 0 : index
    %get3A_68 = vector.load %arg7[%get3A_67] : memref<256xf32, #tpu.memory_space<vmem>>, vector<256xf32>
    %broadcast_in_dim3A_69 = vector.shape_cast %get3A_68 : vector<256xf32> to vector<1x256xf32>
    %add3A_70 = vector.broadcast %broadcast_in_dim3A_69 : vector<1x256xf32> to vector<256x256xf32>
    %add3A_71 = arith.addf %mul3A_66, %add3A_70 : vector<256x256xf32>
    %max3A_72 = arith.constant 0.000000e+00 : f32
    %max3A_73 = vector.broadcast %max3A_72 : f32 to vector<256x256xf32>
    %max3A_74 = arith.maximumf %add3A_71, %max3A_73 : vector<256x256xf32>
    %get3A_75 = arith.constant 0 : index
    %get3A_76 = arith.constant 0 : index
    %get3A_77 = vector.load %arg8[%get3A_75, %get3A_76] : memref<256x128xf32, #tpu.memory_space<vmem>>, vector<256x128xf32>
    %dot_general3A_78 = arith.constant dense<0.000000e+00> : vector<256x128xf32>
    %dot_general3A_79 = tpu.matmul %max3A_74, %get3A_77, %dot_general3A_78 {dimension_numbers = #tpu.dot_dimension_numbers<[1], [0], [0], [1], [0, 0, 1, 1], [], []>, transpose_lhs_hint = false} : vector<256x256xf32>, vector<256x128xf32>, vector<256x128xf32> -> vector<256x128xf32>
    %get3A_80 = arith.constant 0 : index
    %get3A_81 = vector.load %arg9[%get3A_80] : memref<128xf32, #tpu.memory_space<vmem>>, vector<128xf32>
    %broadcast_in_dim3A_82 = vector.shape_cast %get3A_81 : vector<128xf32> to vector<1x128xf32>
    %add3A_83 = vector.broadcast %broadcast_in_dim3A_82 : vector<1x128xf32> to vector<256x128xf32>
    %add3A_84 = arith.addf %dot_general3A_79, %add3A_83 : vector<256x128xf32>
    %swap3A = arith.constant 0 : index
    %swap3A_85 = arith.constant 0 : index
    %swap3A_86 = vector.load %arg10[%swap3A, %swap3A_85] : memref<256x128xf32, #tpu.memory_space<vmem>>, vector<256x128xf32>
    tpu.vector_store %arg10[%swap3A, %swap3A_85], %add3A_84 {strides = array<i32>} : memref<256x128xf32, #tpu.memory_space<vmem>>, vector<256x128xf32>,
    return
  }
}

module attributes {stable_mosaic.version = 14 : i64} {
  func.func @_tc_segsum_body(%arg0: i32, %arg1: memref<4096x128xf32, #tpu.memory_space<vmem>>, %arg2: memref<4096xi32, #tpu.memory_space<vmem>>, %arg3: memref<80x128xi32, #tpu.memory_space<vmem>>, %arg4: memref<256x128xf32, #tpu.memory_space<vmem>>, %arg5: memref<16x16xf32, #tpu.memory_space<vmem>>) attributes {dimension_semantics = [#tpu.dimension_semantics<arbitrary>], iteration_bounds = array<i64: 11>, scalar_prefetch = 0 : i64, scratch_operands = 0 : i64, tpu.core_type = #tpu.core_type<tc>, window_params = [{transform_indices = @transform_0, window_bounds = array<i64: 4096, 128>}, {transform_indices = @transform_1, window_bounds = array<i64: 4096>}, {transform_indices = @transform_2, window_bounds = array<i64: 80, 128>}, {pipeline_mode = #tpu.pipeline_mode<synchronous>, transform_indices = @transform_3, window_bounds = array<i64: 256, 128>}, {pipeline_mode = #tpu.pipeline_mode<synchronous>, transform_indices = @transform_4, window_bounds = array<i64: 16, 16>}]} {
    %iota3A = tpu.iota {dimensions = array<i32: 0>} : vector<256x4096xi32>
    %convert_element_type3A = arith.sitofp %iota3A : vector<256x4096xi32> to vector<256x4096xbf16>
    %get3A = arith.constant 0 : index
    %get3A_0 = vector.load %arg2[%get3A] : memref<4096xi32, #tpu.memory_space<vmem>>, vector<4096xi32>
    %reshape3A = vector.shape_cast %get3A_0 : vector<4096xi32> to vector<1x4096xi32>
    %convert_element_type3A_1 = arith.sitofp %reshape3A : vector<1x4096xi32> to vector<1x4096xbf16>
    %eq3A = vector.broadcast %convert_element_type3A_1 : vector<1x4096xbf16> to vector<256x4096xbf16>
    %eq3A_2 = arith.cmpf oeq, %convert_element_type3A, %eq3A : vector<256x4096xbf16>
    %mul3A = arith.constant 4096 : i32
    %mul3A_3 = arith.muli %arg0, %mul3A : i32
    %sub3A = arith.constant 42656 : i32
    %sub3A_4 = arith.subi %sub3A, %mul3A_3 : i32
    %iota3A_5 = tpu.iota {dimensions = array<i32: 1>} : vector<256x4096xi32>
    %lt3A = vector.broadcast %sub3A_4 : i32 to vector<256x4096xi32>
    %lt3A_6 = arith.cmpi slt, %iota3A_5, %lt3A : vector<256x4096xi32>
    %and3A = arith.andi %eq3A_2, %lt3A_6 : vector<256x4096xi1>
    %convert_element_type3A_7 = arith.extui %and3A : vector<256x4096xi1> to vector<256x4096xi32>
    %convert_element_type3A_8 = arith.sitofp %convert_element_type3A_7 : vector<256x4096xi32> to vector<256x4096xf32>
    %convert_element_type3A_9 = arith.truncf %convert_element_type3A_8 : vector<256x4096xf32> to vector<256x4096xbf16>
    %get3A_10 = arith.constant 0 : index
    %get3A_11 = arith.constant 0 : index
    %get3A_12 = vector.load %arg1[%get3A_10, %get3A_11] : memref<4096x128xf32, #tpu.memory_space<vmem>>, vector<4096x128xf32>
    %convert_element_type3A_13 = arith.truncf %get3A_12 : vector<4096x128xf32> to vector<4096x128xbf16>
    %iota3A_14 = tpu.iota {dimensions = array<i32: 0>} : vector<4096x128xi32>
    %mul3A_15 = arith.constant 4096 : i32
    %mul3A_16 = arith.muli %arg0, %mul3A_15 : i32
    %sub3A_17 = arith.constant 42656 : i32
    %sub3A_18 = arith.subi %sub3A_17, %mul3A_16 : i32
    %lt3A_19 = vector.broadcast %sub3A_18 : i32 to vector<4096x128xi32>
    %lt3A_20 = arith.cmpi slt, %iota3A_14, %lt3A_19 : vector<4096x128xi32>
    %jit3A = arith.constant 0.000000e+00 : bf16
    %broadcast_in_dim3A = vector.broadcast %jit3A : bf16 to vector<4096x128xbf16>
    %select_n3A = arith.select %lt3A_20, %convert_element_type3A_13, %broadcast_in_dim3A : vector<4096x128xi1>, vector<4096x128xbf16>
    %dot_general3A = arith.constant dense<0.000000e+00> : vector<256x128xf32>
    %dot_general3A_21 = tpu.matmul %convert_element_type3A_9, %select_n3A, %dot_general3A {dimension_numbers = #tpu.dot_dimension_numbers<[1], [0], [0], [1], [0, 0, 1, 1], [], []>, transpose_lhs_hint = false} : vector<256x4096xbf16>, vector<4096x128xbf16>, vector<256x128xf32> -> vector<256x128xf32>
    %iota3A_22 = tpu.iota {dimensions = array<i32: 0>} : vector<16x2048xi32>
    %convert_element_type3A_23 = arith.sitofp %iota3A_22 : vector<16x2048xi32> to vector<16x2048xbf16>
    %broadcast_in_dim3A_24 = arith.constant 0.000000e+00 : f32
    %broadcast_in_dim3A_25 = vector.broadcast %broadcast_in_dim3A_24 : f32 to vector<16x16xf32>
    %get3A_26 = arith.constant 0 : index
    %get3A_27 = arith.constant 0 : index
    %get3A_28 = vector.load %arg3[%get3A_26, %get3A_27] : memref<80x128xi32, #tpu.memory_space<vmem>>, vector<16x128xi32>
    %reshape3A_29 = vector.shape_cast %get3A_28 : vector<16x128xi32> to vector<1x2048xi32>
    %shift_right_arithmetic3A = arith.constant 4 : i32
    %shift_right_arithmetic3A_30 = vector.broadcast %shift_right_arithmetic3A : i32 to vector<1x2048xi32>
    %shift_right_arithmetic3A_31 = arith.shrsi %reshape3A_29, %shift_right_arithmetic3A_30 : vector<1x2048xi32>
    %convert_element_type3A_32 = arith.sitofp %shift_right_arithmetic3A_31 : vector<1x2048xi32> to vector<1x2048xbf16>
    %and3A_33 = arith.constant 15 : i32
    %and3A_34 = vector.broadcast %and3A_33 : i32 to vector<1x2048xi32>
    %and3A_35 = arith.andi %reshape3A_29, %and3A_34 : vector<1x2048xi32>
    %convert_element_type3A_36 = arith.sitofp %and3A_35 : vector<1x2048xi32> to vector<1x2048xbf16>
    %eq3A_37 = vector.broadcast %convert_element_type3A_32 : vector<1x2048xbf16> to vector<16x2048xbf16>
    %eq3A_38 = arith.cmpf oeq, %convert_element_type3A_23, %eq3A_37 : vector<16x2048xbf16>
    %convert_element_type3A_39 = arith.extui %eq3A_38 : vector<16x2048xi1> to vector<16x2048xi32>
    %convert_element_type3A_40 = arith.sitofp %convert_element_type3A_39 : vector<16x2048xi32> to vector<16x2048xf32>
    %convert_element_type3A_41 = arith.truncf %convert_element_type3A_40 : vector<16x2048xf32> to vector<16x2048xbf16>
    %eq3A_42 = vector.broadcast %convert_element_type3A_36 : vector<1x2048xbf16> to vector<16x2048xbf16>
    %eq3A_43 = arith.cmpf oeq, %convert_element_type3A_23, %eq3A_42 : vector<16x2048xbf16>
    %convert_element_type3A_44 = arith.extui %eq3A_43 : vector<16x2048xi1> to vector<16x2048xi32>
    %convert_element_type3A_45 = arith.sitofp %convert_element_type3A_44 : vector<16x2048xi32> to vector<16x2048xf32>
    %convert_element_type3A_46 = arith.truncf %convert_element_type3A_45 : vector<16x2048xf32> to vector<16x2048xbf16>
    %dot_general3A_47 = arith.constant dense<0.000000e+00> : vector<16x16xf32>
    %dot_general3A_48 = tpu.matmul %convert_element_type3A_41, %convert_element_type3A_46, %dot_general3A_47 {dimension_numbers = #tpu.dot_dimension_numbers<[1], [1], [0], [0], [0, 0, 1, 0], [], []>, transpose_lhs_hint = false} : vector<16x2048xbf16>, vector<16x2048xbf16>, vector<16x16xf32> -> vector<16x16xf32>
    %add3A = arith.addf %broadcast_in_dim3A_25, %dot_general3A_48 : vector<16x16xf32>
    %get3A_49 = arith.constant 16 : index
    %get3A_50 = arith.constant 0 : index
    %get3A_51 = vector.load %arg3[%get3A_49, %get3A_50] : memref<80x128xi32, #tpu.memory_space<vmem>>, vector<16x128xi32>
    %reshape3A_52 = vector.shape_cast %get3A_51 : vector<16x128xi32> to vector<1x2048xi32>
    %shift_right_arithmetic3A_53 = arith.constant 4 : i32
    %shift_right_arithmetic3A_54 = vector.broadcast %shift_right_arithmetic3A_53 : i32 to vector<1x2048xi32>
    %shift_right_arithmetic3A_55 = arith.shrsi %reshape3A_52, %shift_right_arithmetic3A_54 : vector<1x2048xi32>
    %convert_element_type3A_56 = arith.sitofp %shift_right_arithmetic3A_55 : vector<1x2048xi32> to vector<1x2048xbf16>
    %and3A_57 = arith.constant 15 : i32
    %and3A_58 = vector.broadcast %and3A_57 : i32 to vector<1x2048xi32>
    %and3A_59 = arith.andi %reshape3A_52, %and3A_58 : vector<1x2048xi32>
    %convert_element_type3A_60 = arith.sitofp %and3A_59 : vector<1x2048xi32> to vector<1x2048xbf16>
    %eq3A_61 = vector.broadcast %convert_element_type3A_56 : vector<1x2048xbf16> to vector<16x2048xbf16>
    %eq3A_62 = arith.cmpf oeq, %convert_element_type3A_23, %eq3A_61 : vector<16x2048xbf16>
    %convert_element_type3A_63 = arith.extui %eq3A_62 : vector<16x2048xi1> to vector<16x2048xi32>
    %convert_element_type3A_64 = arith.sitofp %convert_element_type3A_63 : vector<16x2048xi32> to vector<16x2048xf32>
    %convert_element_type3A_65 = arith.truncf %convert_element_type3A_64 : vector<16x2048xf32> to vector<16x2048xbf16>
    %eq3A_66 = vector.broadcast %convert_element_type3A_60 : vector<1x2048xbf16> to vector<16x2048xbf16>
    %eq3A_67 = arith.cmpf oeq, %convert_element_type3A_23, %eq3A_66 : vector<16x2048xbf16>
    %convert_element_type3A_68 = arith.extui %eq3A_67 : vector<16x2048xi1> to vector<16x2048xi32>
    %convert_element_type3A_69 = arith.sitofp %convert_element_type3A_68 : vector<16x2048xi32> to vector<16x2048xf32>
    %convert_element_type3A_70 = arith.truncf %convert_element_type3A_69 : vector<16x2048xf32> to vector<16x2048xbf16>
    %dot_general3A_71 = arith.constant dense<0.000000e+00> : vector<16x16xf32>
    %dot_general3A_72 = tpu.matmul %convert_element_type3A_65, %convert_element_type3A_70, %dot_general3A_71 {dimension_numbers = #tpu.dot_dimension_numbers<[1], [1], [0], [0], [0, 0, 1, 0], [], []>, transpose_lhs_hint = false} : vector<16x2048xbf16>, vector<16x2048xbf16>, vector<16x16xf32> -> vector<16x16xf32>
    %add3A_73 = arith.addf %add3A, %dot_general3A_72 : vector<16x16xf32>
    %get3A_74 = arith.constant 32 : index
    %get3A_75 = arith.constant 0 : index
    %get3A_76 = vector.load %arg3[%get3A_74, %get3A_75] : memref<80x128xi32, #tpu.memory_space<vmem>>, vector<16x128xi32>
    %reshape3A_77 = vector.shape_cast %get3A_76 : vector<16x128xi32> to vector<1x2048xi32>
    %shift_right_arithmetic3A_78 = arith.constant 4 : i32
    %shift_right_arithmetic3A_79 = vector.broadcast %shift_right_arithmetic3A_78 : i32 to vector<1x2048xi32>
    %shift_right_arithmetic3A_80 = arith.shrsi %reshape3A_77, %shift_right_arithmetic3A_79 : vector<1x2048xi32>
    %convert_element_type3A_81 = arith.sitofp %shift_right_arithmetic3A_80 : vector<1x2048xi32> to vector<1x2048xbf16>
    %and3A_82 = arith.constant 15 : i32
    %and3A_83 = vector.broadcast %and3A_82 : i32 to vector<1x2048xi32>
    %and3A_84 = arith.andi %reshape3A_77, %and3A_83 : vector<1x2048xi32>
    %convert_element_type3A_85 = arith.sitofp %and3A_84 : vector<1x2048xi32> to vector<1x2048xbf16>
    %eq3A_86 = vector.broadcast %convert_element_type3A_81 : vector<1x2048xbf16> to vector<16x2048xbf16>
    %eq3A_87 = arith.cmpf oeq, %convert_element_type3A_23, %eq3A_86 : vector<16x2048xbf16>
    %convert_element_type3A_88 = arith.extui %eq3A_87 : vector<16x2048xi1> to vector<16x2048xi32>
    %convert_element_type3A_89 = arith.sitofp %convert_element_type3A_88 : vector<16x2048xi32> to vector<16x2048xf32>
    %convert_element_type3A_90 = arith.truncf %convert_element_type3A_89 : vector<16x2048xf32> to vector<16x2048xbf16>
    %eq3A_91 = vector.broadcast %convert_element_type3A_85 : vector<1x2048xbf16> to vector<16x2048xbf16>
    %eq3A_92 = arith.cmpf oeq, %convert_element_type3A_23, %eq3A_91 : vector<16x2048xbf16>
    %convert_element_type3A_93 = arith.extui %eq3A_92 : vector<16x2048xi1> to vector<16x2048xi32>
    %convert_element_type3A_94 = arith.sitofp %convert_element_type3A_93 : vector<16x2048xi32> to vector<16x2048xf32>
    %convert_element_type3A_95 = arith.truncf %convert_element_type3A_94 : vector<16x2048xf32> to vector<16x2048xbf16>
    %dot_general3A_96 = arith.constant dense<0.000000e+00> : vector<16x16xf32>
    %dot_general3A_97 = tpu.matmul %convert_element_type3A_90, %convert_element_type3A_95, %dot_general3A_96 {dimension_numbers = #tpu.dot_dimension_numbers<[1], [1], [0], [0], [0, 0, 1, 0], [], []>, transpose_lhs_hint = false} : vector<16x2048xbf16>, vector<16x2048xbf16>, vector<16x16xf32> -> vector<16x16xf32>
    %add3A_98 = arith.addf %add3A_73, %dot_general3A_97 : vector<16x16xf32>
    %get3A_99 = arith.constant 48 : index
    %get3A_100 = arith.constant 0 : index
    %get3A_101 = vector.load %arg3[%get3A_99, %get3A_100] : memref<80x128xi32, #tpu.memory_space<vmem>>, vector<16x128xi32>
    %reshape3A_102 = vector.shape_cast %get3A_101 : vector<16x128xi32> to vector<1x2048xi32>
    %shift_right_arithmetic3A_103 = arith.constant 4 : i32
    %shift_right_arithmetic3A_104 = vector.broadcast %shift_right_arithmetic3A_103 : i32 to vector<1x2048xi32>
    %shift_right_arithmetic3A_105 = arith.shrsi %reshape3A_102, %shift_right_arithmetic3A_104 : vector<1x2048xi32>
    %convert_element_type3A_106 = arith.sitofp %shift_right_arithmetic3A_105 : vector<1x2048xi32> to vector<1x2048xbf16>
    %and3A_107 = arith.constant 15 : i32
    %and3A_108 = vector.broadcast %and3A_107 : i32 to vector<1x2048xi32>
    %and3A_109 = arith.andi %reshape3A_102, %and3A_108 : vector<1x2048xi32>
    %convert_element_type3A_110 = arith.sitofp %and3A_109 : vector<1x2048xi32> to vector<1x2048xbf16>
    %eq3A_111 = vector.broadcast %convert_element_type3A_106 : vector<1x2048xbf16> to vector<16x2048xbf16>
    %eq3A_112 = arith.cmpf oeq, %convert_element_type3A_23, %eq3A_111 : vector<16x2048xbf16>
    %convert_element_type3A_113 = arith.extui %eq3A_112 : vector<16x2048xi1> to vector<16x2048xi32>
    %convert_element_type3A_114 = arith.sitofp %convert_element_type3A_113 : vector<16x2048xi32> to vector<16x2048xf32>
    %convert_element_type3A_115 = arith.truncf %convert_element_type3A_114 : vector<16x2048xf32> to vector<16x2048xbf16>
    %eq3A_116 = vector.broadcast %convert_element_type3A_110 : vector<1x2048xbf16> to vector<16x2048xbf16>
    %eq3A_117 = arith.cmpf oeq, %convert_element_type3A_23, %eq3A_116 : vector<16x2048xbf16>
    %convert_element_type3A_118 = arith.extui %eq3A_117 : vector<16x2048xi1> to vector<16x2048xi32>
    %convert_element_type3A_119 = arith.sitofp %convert_element_type3A_118 : vector<16x2048xi32> to vector<16x2048xf32>
    %convert_element_type3A_120 = arith.truncf %convert_element_type3A_119 : vector<16x2048xf32> to vector<16x2048xbf16>
    %dot_general3A_121 = arith.constant dense<0.000000e+00> : vector<16x16xf32>
    %dot_general3A_122 = tpu.matmul %convert_element_type3A_115, %convert_element_type3A_120, %dot_general3A_121 {dimension_numbers = #tpu.dot_dimension_numbers<[1], [1], [0], [0], [0, 0, 1, 0], [], []>, transpose_lhs_hint = false} : vector<16x2048xbf16>, vector<16x2048xbf16>, vector<16x16xf32> -> vector<16x16xf32>
    %add3A_123 = arith.addf %add3A_98, %dot_general3A_122 : vector<16x16xf32>
    %get3A_124 = arith.constant 64 : index
    %get3A_125 = arith.constant 0 : index
    %get3A_126 = vector.load %arg3[%get3A_124, %get3A_125] : memref<80x128xi32, #tpu.memory_space<vmem>>, vector<16x128xi32>
    %reshape3A_127 = vector.shape_cast %get3A_126 : vector<16x128xi32> to vector<1x2048xi32>
    %shift_right_arithmetic3A_128 = arith.constant 4 : i32
    %shift_right_arithmetic3A_129 = vector.broadcast %shift_right_arithmetic3A_128 : i32 to vector<1x2048xi32>
    %shift_right_arithmetic3A_130 = arith.shrsi %reshape3A_127, %shift_right_arithmetic3A_129 : vector<1x2048xi32>
    %convert_element_type3A_131 = arith.sitofp %shift_right_arithmetic3A_130 : vector<1x2048xi32> to vector<1x2048xbf16>
    %and3A_132 = arith.constant 15 : i32
    %and3A_133 = vector.broadcast %and3A_132 : i32 to vector<1x2048xi32>
    %and3A_134 = arith.andi %reshape3A_127, %and3A_133 : vector<1x2048xi32>
    %convert_element_type3A_135 = arith.sitofp %and3A_134 : vector<1x2048xi32> to vector<1x2048xbf16>
    %eq3A_136 = vector.broadcast %convert_element_type3A_131 : vector<1x2048xbf16> to vector<16x2048xbf16>
    %eq3A_137 = arith.cmpf oeq, %convert_element_type3A_23, %eq3A_136 : vector<16x2048xbf16>
    %convert_element_type3A_138 = arith.extui %eq3A_137 : vector<16x2048xi1> to vector<16x2048xi32>
    %convert_element_type3A_139 = arith.sitofp %convert_element_type3A_138 : vector<16x2048xi32> to vector<16x2048xf32>
    %convert_element_type3A_140 = arith.truncf %convert_element_type3A_139 : vector<16x2048xf32> to vector<16x2048xbf16>
    %eq3A_141 = vector.broadcast %convert_element_type3A_135 : vector<1x2048xbf16> to vector<16x2048xbf16>
    %eq3A_142 = arith.cmpf oeq, %convert_element_type3A_23, %eq3A_141 : vector<16x2048xbf16>
    %convert_element_type3A_143 = arith.extui %eq3A_142 : vector<16x2048xi1> to vector<16x2048xi32>
    %convert_element_type3A_144 = arith.sitofp %convert_element_type3A_143 : vector<16x2048xi32> to vector<16x2048xf32>
    %convert_element_type3A_145 = arith.truncf %convert_element_type3A_144 : vector<16x2048xf32> to vector<16x2048xbf16>
    %dot_general3A_146 = arith.constant dense<0.000000e+00> : vector<16x16xf32>
    %dot_general3A_147 = tpu.matmul %convert_element_type3A_140, %convert_element_type3A_145, %dot_general3A_146 {dimension_numbers = #tpu.dot_dimension_numbers<[1], [1], [0], [0], [0, 0, 1, 0], [], []>, transpose_lhs_hint = false} : vector<16x2048xbf16>, vector<16x2048xbf16>, vector<16x16xf32> -> vector<16x16xf32>
    %add3A_148 = arith.addf %add3A_123, %dot_general3A_147 : vector<16x16xf32>
    %eq3A_149 = arith.constant 0 : i32
    %eq3A_150 = arith.cmpi eq, %arg0, %eq3A_149 : i32
    %convert_element_type3A_151 = arith.extui %eq3A_150 : i1 to i32
    %cond3A = arith.constant 0 : i32
    %cond3A_152 = arith.cmpi ne, %convert_element_type3A_151, %cond3A : i32
    scf.if %cond3A_152 {
      %broadcast_in_dim3A_166 = arith.constant 0.000000e+00 : f32
      %broadcast_in_dim3A_167 = vector.broadcast %broadcast_in_dim3A_166 : f32 to vector<256x128xf32>
      %swap3A_168 = arith.constant 0 : index
      %swap3A_169 = arith.constant 0 : index
      %swap3A_170 = vector.load %arg4[%swap3A_168, %swap3A_169] : memref<256x128xf32, #tpu.memory_space<vmem>>, vector<256x128xf32>
      tpu.vector_store %arg4[%swap3A_168, %swap3A_169], %broadcast_in_dim3A_167 {strides = array<i32>} : memref<256x128xf32, #tpu.memory_space<vmem>>, vector<256x128xf32>,
      %broadcast_in_dim3A_171 = arith.constant 0.000000e+00 : f32
      %broadcast_in_dim3A_172 = vector.broadcast %broadcast_in_dim3A_171 : f32 to vector<16x16xf32>
      %swap3A_173 = arith.constant 0 : index
      %swap3A_174 = arith.constant 0 : index
      %swap3A_175 = vector.load %arg5[%swap3A_173, %swap3A_174] : memref<16x16xf32, #tpu.memory_space<vmem>>, vector<16x16xf32>
      tpu.vector_store %arg5[%swap3A_173, %swap3A_174], %broadcast_in_dim3A_172 {strides = array<i32>} : memref<16x16xf32, #tpu.memory_space<vmem>>, vector<16x16xf32>,
    } else {
    }
    %get3A_153 = arith.constant 0 : index
    %get3A_154 = arith.constant 0 : index
    %get3A_155 = vector.load %arg4[%get3A_153, %get3A_154] : memref<256x128xf32, #tpu.memory_space<vmem>>, vector<256x128xf32>
    %add3A_156 = arith.addf %get3A_155, %dot_general3A_21 : vector<256x128xf32>
    %swap3A = arith.constant 0 : index
    %swap3A_157 = arith.constant 0 : index
    %swap3A_158 = vector.load %arg4[%swap3A, %swap3A_157] : memref<256x128xf32, #tpu.memory_space<vmem>>, vector<256x128xf32>
    tpu.vector_store %arg4[%swap3A, %swap3A_157], %add3A_156 {strides = array<i32>} : memref<256x128xf32, #tpu.memory_space<vmem>>, vector<256x128xf32>,
    %get3A_159 = arith.constant 0 : index
    %get3A_160 = arith.constant 0 : index
    %get3A_161 = vector.load %arg5[%get3A_159, %get3A_160] : memref<16x16xf32, #tpu.memory_space<vmem>>, vector<16x16xf32>
    %add3A_162 = arith.addf %get3A_161, %add3A_148 : vector<16x16xf32>
    %swap3A_163 = arith.constant 0 : index
    %swap3A_164 = arith.constant 0 : index
    %swap3A_165 = vector.load %arg5[%swap3A_163, %swap3A_164] : memref<16x16xf32, #tpu.memory_space<vmem>>, vector<16x16xf32>
    tpu.vector_store %arg5[%swap3A_163, %swap3A_164], %add3A_162 {strides = array<i32>} : memref<16x16xf32, #tpu.memory_space<vmem>>, vector<16x16xf32>,
    return
  }
  func.func @transform_0(%arg0: i32) -> (i32, i32) {
    %add3A = arith.constant 14 : i32
    %add3A_0 = arith.addi %add3A, %arg0 : i32
    %c0_i32 = arith.constant 0 : i32
    %c0_i32_1 = arith.constant 0 : i32
    return %add3A_0, %c0_i32 : i32, i32
  }
  func.func @transform_1(%arg0: i32) -> i32 {
    %add3A = arith.constant 14 : i32
    %add3A_0 = arith.addi %add3A, %arg0 : i32
    %c0_i32 = arith.constant 0 : i32
    return %add3A_0 : i32
  }
  func.func @transform_2(%arg0: i32) -> (i32, i32) {
    %c0_i32 = arith.constant 0 : i32
    %c0_i32_0 = arith.constant 0 : i32
    return %arg0, %c0_i32 : i32, i32
  }
  func.func @transform_3(%arg0: i32) -> (i32, i32) {
    %c0_i32 = arith.constant 0 : i32
    %c0_i32_0 = arith.constant 0 : i32
    %c0_i32_1 = arith.constant 0 : i32
    return %c0_i32, %c0_i32_0 : i32, i32
  }
  func.func @transform_4(%arg0: i32) -> (i32, i32) {
    %c0_i32 = arith.constant 0 : i32
    %c0_i32_0 = arith.constant 0 : i32
    %c0_i32_1 = arith.constant 0 : i32
    return %c0_i32, %c0_i32_0 : i32, i32
  }
}

</mosaic_0001>

<sc_bundles>
// kernel: kernel.5.cloned.1.call-start
scs
__scs_entry_jumppad:
0x0: {  	(pc) =	sbr.rel $0x88, $3  }
0x1: {  	(tag) =	ssettag $0x0;
	lr =	simm.s32 $0x1  }
0x2: {  	[smem:$0x3F98] =	sst lr;
	_ =	strace $0xD0000000  }
0x3: {  	_ = 	snop  }
0x4: {  	_ = 	snop  }
0x5: {  	_ = 	snop  }
0x6: {  	_ = 	snop  }
0x7: {  	_ = 	snop  }
__scs_overlays_trampoline_lowered:
0x8: {  	[smem:$0x3FA7] =	sst s0  }
0x9: {  	[smem:$0x3FA8] =	sst s1  }
0xa: {  	[smem:$0x3FA9] =	sst s2  }
0xb: {  	[smem:$0x3FAA] =	sst s3  }
0xc: {  	[smem:$0x3FAB] =	sst s4  }
0xd: {  	[smem:$0x3FAC] =	sst s5  }
0xe: {  	[smem:$0x3FAD] =	sst s6  }
0xf: {  	[smem:$0x3FAE] =	sst s7  }
0x10: {  	[smem:$0x3FAF] =	sst s8  }
0x11: {  	[smem:$0x3FB0] =	sst s9;
	s0 =	simm.s32 @!p0 $0x0  }
0x12: {  	s1 =	sld [smem:$0x3F96];
	s0 =	simm.s32 @p0 $0x1  }
0x13: {  	[smem:$0x3FB1] =	sst s0;
	s0 =	simm.s32 @!p1 $0x0  }
0x14: {  	s2 =	sld [smem:$0x3F95];
	s0 =	simm.s32 @p1 $0x1  }
0x15: {  	[smem:$0x3FB2] =	sst s0;
	s0 =	simm.s32 @!p2 $0x0  }
0x16: {  	s3 =	sld [smem:$0x3FDB];
	s0 =	simm.s32 @p2 $0x1  }
0x17: {  	s4 =	simm.s32 $0x1BF5;
	[smem:$0x3FB4] =	sst s0  }
0x18: {  	s0 =	sld [smem:$0x3F97];
	_ =	swait.ge [sflag:s4], $0x0  }
0x19: {  	s7 =	sld [smem:$0x3F98]  }
0x1a: {  	s8 =	sadd.s32 $0xFFFFE003, lr  }
0x1b: {  	s9 =	sadd.s32 $0xFFFFFEF7, lr;
	s5 =	simm.s32 $0xFFFFFFFF;
	p2 =	slt.u32 s8, $0xFFFFF086  }
0x1c: {  	p1 =	slt.u32 s9, $0xF7A;
	s5 =	simm.s32 @!p2 $0x0  }
0x1d: {  	s5 =	simm.s32 @p1 $0x1;
	p0 =	seq.s32 s7, s2  }
0x1e: {  	s7 =	smul.u32 @!p0 $0xF7A, s2;
	p2 =	seq.s32 @!p0 s5, $0x0  }
0x1f: {  	s9 =	smul.u32 $0xF7A, s1;
	s8 =	simm.s32 @!p0 $0x1BF5;
	p2 =	por !p2, p0  }
0x20: {  	[sflag:s8] =	ssyncset.s32 @!p0 $0xFFFFF086;
	s6 =	sadd.s32 @!p0 s3, s7;
	s7 =	simm.s32 @!p0 $0x108  }
0x21: {  	s3 =	sadd.s32 s3, s9;
	s6 =	sadd.s32 @!p0 $0x88, s6;
	s7 =	simm.s32 @p2 $0x1082  }
0x22: {  	[simem:s7], [sflag:s8] =	dma.local @!p0 [hbm:s6], $0xF7A  }
0x23: {  	s9 =	sor.u32 $0xD0000000, s2;
	s6 =	simm.s32 $0x108;
	_ =	swait.ge @!p0 [sflag:s8], $0x0  }
0x24: {  	s3 =	sadd.s32 $0x88, s3;
	s6 =	simm.s32 @!p1 $0x1082;
	[sflag:s4] =	ssyncset.s32 $0xFFFFF086  }
0x25: {  	[simem:s6], [sflag:s4] =	dma.local [hbm:s3], $0xF7A  }
0x26: {  	[smem:$0x3F98] =	sst s1;
	(tag) =	ssettag s2;
	_ =	strace s9  }
0x27: {  	s1 =	sld [smem:$0x3FA8]  }
0x28: {  	s2 =	sld [smem:$0x3FA9]  }
0x29: {  	s4 =	sld [smem:$0x3FAB]  }
0x2a: {  	p0 =	seq.s32 s5, $0x0;
	s5 =	sld [smem:$0x3FAC]  }
0x2b: {  	s6 =	sld [smem:$0x3FAD]  }
0x2c: {  	s7 =	sld [smem:$0x3FAE]  }
0x2d: {  	s3 =	simm.s32 $0x108;
	s8 =	sld [smem:$0x3FAF]  }
0x2e: {  	s3 =	simm.s32 @!p0 $0x1082;
	s9 =	sld [smem:$0x3FB0]  }
0x2f: {  	lr =	sadd.s32 s0, s3;
	s0 =	sld [smem:$0x3FA7]  }
0x30: {  	s3 =	sld [smem:$0x3FAA]  }
0x31: {  	[smem:$0x3FB3] =	sst s10  }
0x32: {  	s10 =	sld [smem:$0x3FB1];
	_ =	sdelay $0x3  }
0x33: {  	p0 =	seq.s32 s10, $0x1;
	s10 =	sld [smem:$0x3FB3];
	_ =	sdelay $0x3  }
0x34: {  	[smem:$0x3FB3] =	sst s10  }
0x35: {  	s10 =	sld [smem:$0x3FB2];
	_ =	sdelay $0x3  }
0x36: {  	p1 =	seq.s32 s10, $0x1;
	s10 =	sld [smem:$0x3FB3];
	_ =	sdelay $0x3  }
0x37: {  	[smem:$0x3FB3] =	sst s10  }
0x38: {  	s10 =	sld [smem:$0x3FB4]  }
0x39: {  	_ = 	snop;
	(pc) =	sbr.ind lr, $3  }
0x3a: {  	_ = 	snop  }
0x3b: {  	_ = 	snop  }
0x3c: {  	p2 =	seq.s32 s10, $0x1;
	s10 =	sld [smem:$0x3FB3]  }
0x3d: {  	_ =	shalt  }
0x3e: {  	_ =	shalt  }
0x3f: {  	_ =	shalt  }
0x40: {  	_ =	shalt  }
0x41: {  	_ =	shalt  }
0x42: {  	_ =	shalt  }
0x43: {  	_ =	shalt  }
0x44: {  	_ =	shalt  }
0x45: {  	_ =	shalt  }
0x46: {  	_ =	shalt  }
0x47: {  	_ =	shalt  }
0x48: {  	_ =	shalt  }
0x49: {  	_ =	shalt  }
0x4a: {  	_ =	shalt  }
0x4b: {  	_ =	shalt  }
0x4c: {  	_ =	shalt  }
0x4d: {  	_ =	shalt  }
0x4e: {  	_ =	shalt  }
0x4f: {  	_ =	shalt  }
0x50: {  	_ =	shalt  }
0x51: {  	_ =	shalt  }
0x52: {  	_ =	shalt  }
0x53: {  	_ =	shalt  }
0x54: {  	_ =	shalt  }
0x55: {  	_ =	shalt  }
0x56: {  	_ =	shalt  }
0x57: {  	_ =	shalt  }
0x58: {  	_ =	shalt  }
0x59: {  	_ =	shalt  }
0x5a: {  	_ =	shalt  }
0x5b: {  	_ =	shalt  }
0x5c: {  	_ =	shalt  }
0x5d: {  	_ =	shalt  }
0x5e: {  	_ =	shalt  }
0x5f: {  	_ =	shalt  }
0x60: {  	_ =	shalt  }
0x61: {  	_ =	shalt  }
0x62: {  	_ =	shalt  }
0x63: {  	_ =	shalt  }
0x64: {  	_ =	shalt  }
0x65: {  	_ =	shalt  }
0x66: {  	_ =	shalt  }
0x67: {  	_ =	shalt  }
0x68: {  	_ =	shalt  }
0x69: {  	_ =	shalt  }
0x6a: {  	_ =	shalt  }
0x6b: {  	_ =	shalt  }
0x6c: {  	_ =	shalt  }
0x6d: {  	_ =	shalt  }
0x6e: {  	_ =	shalt  }
0x6f: {  	_ =	shalt  }
0x70: {  	_ =	shalt  }
0x71: {  	_ =	shalt  }
0x72: {  	_ =	shalt  }
0x73: {  	_ =	shalt  }
0x74: {  	_ =	shalt  }
0x75: {  	_ =	shalt  }
0x76: {  	_ =	shalt  }
0x77: {  	_ =	shalt  }
0x78: {  	_ =	shalt  }
0x79: {  	_ =	shalt  }
0x7a: {  	_ =	shalt  }
0x7b: {  	_ =	shalt  }
0x7c: {  	_ =	shalt  }
0x7d: {  	_ =	shalt  }
0x7e: {  	_ =	shalt  }
0x7f: {  	_ =	shalt  }
0x80: {  	_ =	shalt  }
0x81: {  	_ =	shalt  }
0x82: {  	_ =	shalt  }
0x83: {  	_ =	shalt  }
0x84: {  	_ =	shalt  }
0x85: {  	_ =	shalt  }
0x86: {  	_ =	shalt  }
0x87: {  	_ =	shalt  }
.Lfunc_end0:
.L_simem_size_0:
called_computation_lowered:
.L_overlay_start_0:
0x88: {  	s2 =	sld [smem:$0x3FD9]  }
0x89: {  	s3 =	sld [smem:$0x3FFE];
	_ =	sdelay $0x1  }
0x8a: {  	s1 =	srdreg.scid  }
0x8b: {  	s0 =	sand.u32 $0x1, s1  }
0x8c: {  	s17 =	sshll.u32 s0, $0xA;
	s2 =	sadd.s32 s3, s2  }
0x8d: {  	s2 =	sadd.s32 s2, s17  }
0x8e: {  	[smem:$0x3FBF] =	sst s2  }
0x8f: {  	_ = 	snop  }
0x90: {  	s2 =	sld [smem:$0x3FC9];
	(tm) =	ssettm $0x1  }
0x91: {  	s18 =	sld [smem:$0x3FFB];
	_ =	sdelay $0x3  }
0x92: {  	_ =	strace s18  }
0x93: {  	s3 =	sld [smem:$0x3FFC];
	_ =	sdelay $0x3  }
0x94: {  	_ =	strace s3  }
0x95: {  	s3 =	sld [smem:$0x3FFD];
	_ =	sdelay $0x3  }
0x96: {  	_ =	strace s3  }
0x97: {  	_ =	strace $0x8FFFFFFF  }
0x98: {  	s19 =	sld [smem:$0x3FDB];
	_ =	sdelay $0x1  }
0x99: {  	s4 =	simm.s32 $_scs_section_size  }
0x9a: {  	s5 =	simm.s32 $_size__tile_overlayer_lowered;
	s6 =	simm.s32 $_tile_overlayer_lowered  }
0x9b: {  	s22 =	simm.s32 $0x1BFF;
	s21 =	sshll.u32 s6, $0x1;
	s3 =	sadd.s32 s4, s19  }
0x9c: {  	s7 =	simm.s32 $0x0;
	s20 =	sshll.u32 s5, $0x1;
	s5 =	sadd.s32 s21, s3  }
0x9d: {  	[timem:s7], [sflag:s22] =	dma.local [hbm:s5], s20  }
0x9e: {  	_ =	swait.ge [sflag:s22], s20  }
0x9f: {  	s4 =	ssub.s32 $0x0, s20;
	[sflag:s22] =	ssyncset.done $0x0  }
0xa0: {  	[sflag:s22] =	ssyncadd.s32 s4;
	_ =	sdelay $0x1  }
0xa1: {  	s23 =	simm.s32 $0x1B8B  }
0xa2: {  	_ =	swait.ge [sflag:s23], $0x1  }
0xa3: {  	[sflag:s23] =	ssyncset.done $0x0  }
0xa4: {  	s25 =	simm.s32 $0x1B8E;
	s24 =	sld [smem:$0x3FFE];
	[sflag:s23] =	ssyncadd.s32 $0xFFFFFFFF  }
0xa5: {  	s26 =	simm.s32 $execute0_lowered;
	[smem:$0x3FD2] =	sst s25  }
0xa6: {  	s5 =	sshll.u32 s26, $0x1;
	_ =	strace $0x80000046;
	[dreg:$0x1] =	wrdreg $0xFFFFFFFF  }
0xa7: {  	s28 =	simm.s32 $_size_execute0_lowered;
	s3 =	sadd.s32 s3, s5;
	[dreg:$0x0] =	wrdreg $0x0  }
0xa8: {  	s5 =	sshll.u32 s28, $0x1;
	[dreg:$0x2] =	wrdreg s3  }
0xa9: {  	[dreg:$0x3] =	wrdreg s5  }
0xaa: {  	[dreg:$0x4] =	wrdreg $0xC0  }
0xab: {  	_ =	task [dreg:s7], $0x5FFFF  }
0xac: {  	[dreg:$0x1] =	wrdreg $0xFFFFFFFF  }
0xad: {  	[dreg:$0x0] =	wrdreg $0x60  }
0xae: {  	[dreg:$0x2] =	wrdreg s2  }
0xaf: {  	[dreg:$0x3] =	wrdreg s24  }
0xb0: {  	[dreg:$0x4] =	wrdreg $0x94000  }
0xb1: {  	[dreg:$0x5] =	wrdreg $0x9  }
0xb2: {  	_ =	task.clear_ibuf [dreg:s7], $0x6FFFF;
	_ =	strace $0x90000046  }
0xb3: {  	s29 =	simm.s32 $0x9;
	_ =	strace $0x80000048  }
0xb4: {  	_ =	swait.ge [sflag:s29], $0x1  }
0xb5: {  	[sflag:s29] =	ssyncadd.s32 $0xFFFFFFFF  }
0xb6: {  	_ =	strace $0x90000048  }
0xb7: {  	_ =	sfence  }
0xb8: {  	s30 =	sld [smem:$0x0];
	_ =	sdelay $0x2  }
0xb9: {  	s31 =	sshll.u32 s1, $0xD;
	s1 =	sshrl.u32 s1, $0x2  }
0xba: {  	s3 =	sand.u32 $0x4000, s31;
	s1 =	sadd.s32 s1, s30  }
0xbb: {  	s0 =	sor.u32 s3, s0;
	s1 =	sshll.u32 s1, $0x11  }
0xbc: {  	s0 =	sor.u32 s1, s0  }
0xbd: {  	s0 =	sadd.s32 $0x8F2B, s0  }
0xbe: {  	[sflag:s0] =	ssyncadd.remote.s32 $0x1  }
0xbf: {  	_ =	sfence.sel $0xFFFF  }
0xc0: {  	[dreg:$0x0] =	wrdreg $0xFFFFFFFF;
	(pc) =	sbr.abs _section_cstart, $3  }
0xc1: {  	[dreg:$0x1] =	wrdreg $0xFFFFFFFF  }
0xc2: {  	_ =	task.clear_ibuf [dreg:s7], $0x2FFFF;
	_ =	strace $0x9FFFFFFF  }
0xc3: {  	(tm) =	ssettm $0x7FFFFFFF  }
tec
execute0_lowered:
.L_overlay_start_1:
0x0: {  	(tag) =	ssettag $0x1  }
0x1: {  	s3 =	rddreg [dreg:$0x0]  }
0x2: {  	s28 =	rddreg [dreg:$0x1];
	s2 =	simm.s32 $0x0  }
0x3: {  	v0 =	vimm.f32 $0.0e+00;
	[smem:$0x7FF] =	sst s2  }
0x4: {  	s1 =	rddreg [dreg:$0x2];
	_ =	strace $0x80000047;
	[tilespmem:$0x8C00] =	vst v0  }
0x5: {  	[tilespmem:$0x93F0] =	vst v0  }
0x6: {  	[tilespmem:$0x93E0] =	vst v0  }
0x7: {  	[tilespmem:$0x93D0] =	vst v0  }
0x8: {  	[tilespmem:$0x93C0] =	vst v0  }
0x9: {  	[tilespmem:$0x93B0] =	vst v0  }
0xa: {  	[tilespmem:$0x93A0] =	vst v0  }
0xb: {  	[tilespmem:$0x9390] =	vst v0  }
0xc: {  	[tilespmem:$0x9380] =	vst v0  }
0xd: {  	[tilespmem:$0x9370] =	vst v0  }
0xe: {  	[tilespmem:$0x9360] =	vst v0  }
0xf: {  	[tilespmem:$0x9350] =	vst v0  }
0x10: {  	[tilespmem:$0x9340] =	vst v0  }
0x11: {  	[tilespmem:$0x9330] =	vst v0  }
0x12: {  	[tilespmem:$0x9320] =	vst v0  }
0x13: {  	[tilespmem:$0x9310] =	vst v0  }
0x14: {  	[tilespmem:$0x9300] =	vst v0  }
0x15: {  	[tilespmem:$0x92F0] =	vst v0  }
0x16: {  	[tilespmem:$0x92E0] =	vst v0  }
0x17: {  	[tilespmem:$0x92D0] =	vst v0  }
0x18: {  	[tilespmem:$0x92C0] =	vst v0  }
0x19: {  	[tilespmem:$0x92B0] =	vst v0  }
0x1a: {  	[tilespmem:$0x92A0] =	vst v0  }
0x1b: {  	[tilespmem:$0x9290] =	vst v0  }
0x1c: {  	[tilespmem:$0x9280] =	vst v0  }
0x1d: {  	[tilespmem:$0x9270] =	vst v0  }
0x1e: {  	[tilespmem:$0x9260] =	vst v0  }
0x1f: {  	[tilespmem:$0x9250] =	vst v0  }
0x20: {  	[tilespmem:$0x9240] =	vst v0  }
0x21: {  	[tilespmem:$0x9230] =	vst v0  }
0x22: {  	[tilespmem:$0x9220] =	vst v0  }
0x23: {  	[tilespmem:$0x9210] =	vst v0  }
0x24: {  	[tilespmem:$0x9200] =	vst v0  }
0x25: {  	[tilespmem:$0x91F0] =	vst v0  }
0x26: {  	[tilespmem:$0x91E0] =	vst v0  }
0x27: {  	[tilespmem:$0x91D0] =	vst v0  }
0x28: {  	[tilespmem:$0x91C0] =	vst v0  }
0x29: {  	[tilespmem:$0x91B0] =	vst v0  }
0x2a: {  	[tilespmem:$0x91A0] =	vst v0  }
0x2b: {  	[tilespmem:$0x9190] =	vst v0  }
0x2c: {  	[tilespmem:$0x9180] =	vst v0  }
0x2d: {  	[tilespmem:$0x9170] =	vst v0  }
0x2e: {  	[tilespmem:$0x9160] =	vst v0  }
0x2f: {  	[tilespmem:$0x9150] =	vst v0  }
0x30: {  	[tilespmem:$0x9140] =	vst v0  }
0x31: {  	[tilespmem:$0x9130] =	vst v0  }
0x32: {  	[tilespmem:$0x9120] =	vst v0  }
0x33: {  	[tilespmem:$0x9110] =	vst v0  }
0x34: {  	[tilespmem:$0x9100] =	vst v0  }
0x35: {  	[tilespmem:$0x90F0] =	vst v0  }
0x36: {  	[tilespmem:$0x90E0] =	vst v0  }
0x37: {  	[tilespmem:$0x90D0] =	vst v0  }
0x38: {  	[tilespmem:$0x90C0] =	vst v0  }
0x39: {  	[tilespmem:$0x90B0] =	vst v0  }
0x3a: {  	[tilespmem:$0x90A0] =	vst v0  }
0x3b: {  	[tilespmem:$0x9090] =	vst v0  }
0x3c: {  	[tilespmem:$0x9080] =	vst v0  }
0x3d: {  	[tilespmem:$0x9070] =	vst v0  }
0x3e: {  	[tilespmem:$0x9060] =	vst v0  }
0x3f: {  	[tilespmem:$0x9050] =	vst v0  }
0x40: {  	[tilespmem:$0x9040] =	vst v0  }
0x41: {  	[tilespmem:$0x9030] =	vst v0  }
0x42: {  	[tilespmem:$0x9020] =	vst v0  }
0x43: {  	[tilespmem:$0x9010] =	vst v0  }
0x44: {  	[tilespmem:$0x9000] =	vst v0  }
0x45: {  	[tilespmem:$0x8FF0] =	vst v0  }
0x46: {  	[tilespmem:$0x8FE0] =	vst v0  }
0x47: {  	[tilespmem:$0x8FD0] =	vst v0  }
0x48: {  	[tilespmem:$0x8FC0] =	vst v0  }
0x49: {  	[tilespmem:$0x8FB0] =	vst v0  }
0x4a: {  	[tilespmem:$0x8FA0] =	vst v0  }
0x4b: {  	[tilespmem:$0x8F90] =	vst v0  }
0x4c: {  	[tilespmem:$0x8F80] =	vst v0  }
0x4d: {  	[tilespmem:$0x8F70] =	vst v0  }
0x4e: {  	[tilespmem:$0x8F60] =	vst v0  }
0x4f: {  	[tilespmem:$0x8F50] =	vst v0  }
0x50: {  	[tilespmem:$0x8F40] =	vst v0  }
0x51: {  	[tilespmem:$0x8F30] =	vst v0  }
0x52: {  	[tilespmem:$0x8F20] =	vst v0  }
0x53: {  	[tilespmem:$0x8F10] =	vst v0  }
0x54: {  	[tilespmem:$0x8F00] =	vst v0  }
0x55: {  	[tilespmem:$0x8EF0] =	vst v0  }
0x56: {  	[tilespmem:$0x8EE0] =	vst v0  }
0x57: {  	[tilespmem:$0x8ED0] =	vst v0  }
0x58: {  	[tilespmem:$0x8EC0] =	vst v0  }
0x59: {  	[tilespmem:$0x8EB0] =	vst v0  }
0x5a: {  	[tilespmem:$0x8EA0] =	vst v0  }
0x5b: {  	[tilespmem:$0x8E90] =	vst v0  }
0x5c: {  	[tilespmem:$0x8E80] =	vst v0  }
0x5d: {  	[tilespmem:$0x8E70] =	vst v0  }
0x5e: {  	[tilespmem:$0x8E60] =	vst v0  }
0x5f: {  	[tilespmem:$0x8E50] =	vst v0  }
0x60: {  	[tilespmem:$0x8E40] =	vst v0  }
0x61: {  	[tilespmem:$0x8E30] =	vst v0  }
0x62: {  	[tilespmem:$0x8E20] =	vst v0  }
0x63: {  	[tilespmem:$0x8E10] =	vst v0  }
0x64: {  	[tilespmem:$0x8E00] =	vst v0  }
0x65: {  	[tilespmem:$0x8DF0] =	vst v0  }
0x66: {  	[tilespmem:$0x8DE0] =	vst v0  }
0x67: {  	[tilespmem:$0x8DD0] =	vst v0  }
0x68: {  	[tilespmem:$0x8DC0] =	vst v0  }
0x69: {  	[tilespmem:$0x8DB0] =	vst v0  }
0x6a: {  	[tilespmem:$0x8DA0] =	vst v0  }
0x6b: {  	[tilespmem:$0x8D90] =	vst v0  }
0x6c: {  	[tilespmem:$0x8D80] =	vst v0  }
0x6d: {  	[tilespmem:$0x8D70] =	vst v0  }
0x6e: {  	[tilespmem:$0x8D60] =	vst v0  }
0x6f: {  	[tilespmem:$0x8D50] =	vst v0  }
0x70: {  	[tilespmem:$0x8D40] =	vst v0  }
0x71: {  	[tilespmem:$0x8D30] =	vst v0  }
0x72: {  	s4 =	srdreg.scid;
	[tilespmem:$0x8D20] =	vst v0  }
0x73: {  	s29 =	sand.u32 $0x1, s4;
	[tilespmem:$0x8D10] =	vst v0  }
0x74: {  	s6 =	stileid.u32;
	s4 =	sshll.u32 s29, $0x4;
	[tilespmem:$0x8D00] =	vst v0  }
0x75: {  	[tilespmem:$0x8CF0] =	vst v0;
	s4 =	sor.u32 s6, s4  }
0x76: {  	s7 =	sshll.u32 s6, $0xB;
	s20 =	sadd.s32 $0x8000, s1;
	[tilespmem:$0x8CE0] =	vst v0;
	s5 =	smul.u32 $0xE0, s4  }
0x77: {  	s7 =	sadd.s32 s7, s1;
	[dreg:$0x5] =	wrdreg s20;
	[tilespmem:$0x8CD0] =	vst v0;
	s8 =	smul.u32 $0x38000, s4  }
0x78: {  	[tilespmem:$0x8CC0] =	vst v0;
	[dreg:$0x4] =	wrdreg s7;
	s4 =	smul.u32 $0x7000, s4  }
0x79: {  	[tilespmem:$0x8CB0] =	vst v0;
	s13 =	rddreg [dreg:$0x4];
	s5 =	sand.u32 $0x1F80, s5  }
0x7a: {  	[tilespmem:$0x8CA0] =	vst v0;
	s21 =	sshrl.u32 s8, $0x3;
	s4 =	sadd.s32 s3, s4;
	s5 =	sadd.s32 s5, s28  }
0x7b: {  	[tilespmem:$0x8C90] =	vst v0;
	s24 =	sadd.s32 s3, s21;
	[dreg:$0x7] =	wrdreg s4;
	s5 =	sadd.s32 $0x1A00, s5  }
0x7c: {  	[tilespmem:$0x8C80] =	vst v0;
	s3 =	sadd.s32 $0x800, s24;
	[dreg:$0x6] =	wrdreg s5  }
0x7d: {  	[tilespmem:$0x8C70] =	vst v0;
	s25 =	sadd.s32 $0x1000, s24;
	[dreg:$0x8] =	wrdreg s3  }
0x7e: {  	[tilespmem:$0x8C60] =	vst v0;
	s0 =	sadd.s32 $0x1800, s24;
	[dreg:$0x9] =	wrdreg s25  }
0x7f: {  	s22 =	smul.u32 $0xC00, s6;
	[tilespmem:$0x8C50] =	vst v0;
	s7 =	sadd.s32 $0x2000, s24;
	[dreg:$0xb] =	wrdreg s0  }
0x80: {  	[tilespmem:$0x8C40] =	vst v0;
	s9 =	sadd.s32 $0x2800, s24;
	[dreg:$0xd] =	wrdreg s7  }
0x81: {  	[tilespmem:$0x8C30] =	vst v0;
	s23 =	sand.u32 $0xC00, s22;
	s11 =	sadd.s32 $0x3000, s24;
	[dreg:$0xf] =	wrdreg s9  }
0x82: {  	[tilespmem:$0x8C20] =	vst v0;
	s14 =	sadd.s32 $0x3800, s24;
	s3 =	sshrl.u32 s23, $0x2;
	[dreg:$0x11] =	wrdreg s11  }
0x83: {  	[tilespmem:$0x8C10] =	vst v0;
	[dreg:$0x13] =	wrdreg s14;
	s0 =	simm.s32 $0x8C00;
	s26 =	sor.u32 $0x80, s3  }
0x84: {  	[spmem:s13] =	stream.linear.scatter [tilespmem:s0], [sflag:$0x3], $0x800, $0x38;
	[tilespmem:$0x9C40] =	vst v63  }
0x85: {  	s5 =	sadd.s32 $0x100, s3;
	[dreg:$0xa] =	wrdreg s26  }
0x86: {  	s8 =	sadd.s32 $0x180, s3;
	[dreg:$0xc] =	wrdreg s5  }
0x87: {  	s10 =	sadd.s32 $0x200, s3;
	[dreg:$0xe] =	wrdreg s8  }
0x88: {  	s12 =	sadd.s32 $0x280, s3;
	[dreg:$0x10] =	wrdreg s10  }
0x89: {  	[dreg:$0x12] =	wrdreg s12;
	s5 =	simm.s32 $0x3  }
0x8a: {  	p0 =	sne.s32 s6, $0x0;
	_ =	swait.ge [sflag:s5], $0x800  }
0x8b: {  	s6 =	simm.s32 @!p0 $0x3;
	[sflag:s5] =	ssyncset.done $0x0  }
0x8c: {  	s7 =	simm.s32 @!p0 $0x8C00;
	s8 =	rddreg [dreg:$0x5];
	[sflag:s5] =	ssyncadd.s32 $0xFFFFF800  }
0x8d: {  	[spmem:s8] =	stream.linear.scatter @!p0 [tilespmem:s7], [sflag:$0x3], $0x400, $0x38;
	[tilespmem:$0x9C40] =	vst v63  }
0x8e: {  	_ =	swait.ge @!p0 [sflag:s6], $0x400  }
0x8f: {  	[sflag:s6] =	ssyncset.done @!p0 $0x0  }
0x90: {  	s15 =	rddreg [dreg:$0x6];
	[sflag:s6] =	ssyncadd.s32 @!p0 $0xFFFFFC00  }
0x91: {  	[tilespmem:s2], [sflag:$0x3] =	stream.linear.gather [hbm4b:s15+s2], $0xC00, $0x38;
	[tilespmem:$0x9C40] =	vst v63  }
0x92: {  	_ =	swait.ge [sflag:s5], $0xC00  }
0x93: {  	[sflag:s5] =	ssyncset.done $0x0  }
0x94: {  	[sflag:s5] =	ssyncadd.s32 $0xFFFFF400  }
0x95: {  	[bflag:$0x0] =	sbarrier.arrive $0xFFFF  }
0x96: {  	s8 =	simm.s32 $0xC00;
	s9 =	rddreg [dreg:$0x7]  }
0x97: {  	[tilespmem:s8], [sflag:$0x1] =	stream.linear.gather [hbm4b:s9+s2], $0x4000, $0x38;
	[tilespmem:$0x9C40] =	vst v63  }
0x98: {  	s10 =	simm.s32 $0x1;
	s11 =	rddreg [dreg:$0x8];
	s9 =	simm.s32 $0x4C00  }
0x99: {  	[tilespmem:s9], [sflag:$0x2] =	stream.linear.gather [hbm4b:s11+s2], $0x4000, $0x38;
	[tilespmem:$0x9C40] =	vst v63  }
0x9a: {  	_ =	swait.ge [sflag:s10], $0x4000  }
0x9b: {  	[sflag:s10] =	ssyncset.done $0x0  }
0x9c: {  	s11 =	simm.s32 $0x80;
	[sflag:s10] =	ssyncadd.s32 $0xFFFFC000  }
0x9d: {  	[spmem:s1] =	stream.indirect.scatter.add.f32 [tilespmem:s8], [sflag:$0x3], $0x80, s3, s11, $0xb8;
	[tilespmem:$0x9C40] =	vst v63  }
0x9e: {  	_ =	swait.ge [sflag:s5], $0x4000  }
0x9f: {  	[sflag:s5] =	ssyncset.done $0x0  }
0xa0: {  	s12 =	simm.s32 $0x2;
	s13 =	rddreg [dreg:$0x9];
	[sflag:s5] =	ssyncadd.s32 $0xFFFFC000  }
0xa1: {  	[tilespmem:s8], [sflag:$0x1] =	stream.linear.gather [hbm4b:s13+s2], $0x4000, $0x38;
	[tilespmem:$0x9C40] =	vst v63  }
0xa2: {  	_ =	swait.ge [sflag:s12], $0x4000  }
0xa3: {  	[sflag:s12] =	ssyncset.done $0x0  }
0xa4: {  	s16 =	rddreg [dreg:$0xa];
	[sflag:s12] =	ssyncadd.s32 $0xFFFFC000  }
0xa5: {  	[spmem:s1] =	stream.indirect.scatter.add.f32 [tilespmem:s9], [sflag:$0x3], $0x80, s16, s11, $0xb8;
	[tilespmem:$0x9C40] =	vst v63  }
0xa6: {  	_ =	swait.ge [sflag:s5], $0x4000  }
0xa7: {  	[sflag:s5] =	ssyncset.done $0x0  }
0xa8: {  	s17 =	rddreg [dreg:$0xb];
	[sflag:s5] =	ssyncadd.s32 $0xFFFFC000  }
0xa9: {  	[tilespmem:s9], [sflag:$0x2] =	stream.linear.gather [hbm4b:s17+s2], $0x4000, $0x38;
	[tilespmem:$0x9C40] =	vst v63  }
0xaa: {  	_ =	swait.ge [sflag:s10], $0x4000  }
0xab: {  	[sflag:s10] =	ssyncset.done $0x0  }
0xac: {  	s18 =	rddreg [dreg:$0xc];
	[sflag:s10] =	ssyncadd.s32 $0xFFFFC000  }
0xad: {  	[spmem:s1] =	stream.indirect.scatter.add.f32 [tilespmem:s8], [sflag:$0x3], $0x80, s18, s11, $0xb8;
	[tilespmem:$0x9C40] =	vst v63  }
0xae: {  	_ =	swait.ge [sflag:s5], $0x4000  }
0xaf: {  	[sflag:s5] =	ssyncset.done $0x0  }
0xb0: {  	s19 =	rddreg [dreg:$0xd];
	[sflag:s5] =	ssyncadd.s32 $0xFFFFC000  }
0xb1: {  	[tilespmem:s8], [sflag:$0x1] =	stream.linear.gather [hbm4b:s19+s2], $0x4000, $0x38;
	[tilespmem:$0x9C40] =	vst v63  }
0xb2: {  	_ =	swait.ge [sflag:s12], $0x4000  }
0xb3: {  	[sflag:s12] =	ssyncset.done $0x0  }
0xb4: {  	s20 =	rddreg [dreg:$0xe];
	[sflag:s12] =	ssyncadd.s32 $0xFFFFC000  }
0xb5: {  	[spmem:s1] =	stream.indirect.scatter.add.f32 [tilespmem:s9], [sflag:$0x3], $0x80, s20, s11, $0xb8;
	[tilespmem:$0x9C40] =	vst v63  }
0xb6: {  	_ =	swait.ge [sflag:s5], $0x4000  }
0xb7: {  	[sflag:s5] =	ssyncset.done $0x0  }
0xb8: {  	s21 =	rddreg [dreg:$0xf];
	[sflag:s5] =	ssyncadd.s32 $0xFFFFC000  }
0xb9: {  	[tilespmem:s9], [sflag:$0x2] =	stream.linear.gather [hbm4b:s21+s2], $0x4000, $0x38;
	[tilespmem:$0x9C40] =	vst v63  }
0xba: {  	_ =	swait.ge [sflag:s10], $0x4000  }
0xbb: {  	[sflag:s10] =	ssyncset.done $0x0  }
0xbc: {  	s22 =	rddreg [dreg:$0x10];
	[sflag:s10] =	ssyncadd.s32 $0xFFFFC000  }
0xbd: {  	[spmem:s1] =	stream.indirect.scatter.add.f32 [tilespmem:s8], [sflag:$0x3], $0x80, s22, s11, $0xb8;
	[tilespmem:$0x9C40] =	vst v63  }
0xbe: {  	_ =	swait.ge [sflag:s5], $0x4000  }
0xbf: {  	[sflag:s5] =	ssyncset.done $0x0  }
0xc0: {  	s23 =	rddreg [dreg:$0x11];
	[sflag:s5] =	ssyncadd.s32 $0xFFFFC000  }
0xc1: {  	[tilespmem:s8], [sflag:$0x1] =	stream.linear.gather [hbm4b:s23+s2], $0x4000, $0x38;
	[tilespmem:$0x9C40] =	vst v63  }
0xc2: {  	_ =	swait.ge [sflag:s12], $0x4000  }
0xc3: {  	[sflag:s12] =	ssyncset.done $0x0  }
0xc4: {  	s25 =	rddreg [dreg:$0x12];
	[sflag:s12] =	ssyncadd.s32 $0xFFFFC000  }
0xc5: {  	[spmem:s1] =	stream.indirect.scatter.add.f32 [tilespmem:s9], [sflag:$0x3], $0x80, s25, s11, $0xb8;
	[tilespmem:$0x9C40] =	vst v63  }
0xc6: {  	_ =	swait.ge [sflag:s5], $0x4000  }
0xc7: {  	[sflag:s5] =	ssyncset.done $0x0  }
0xc8: {  	s26 =	rddreg [dreg:$0x13];
	[sflag:s5] =	ssyncadd.s32 $0xFFFFC000  }
0xc9: {  	[tilespmem:s9], [sflag:$0x2] =	stream.linear.gather [hbm4b:s26+s2], $0x4000, $0x38;
	[tilespmem:$0x9C40] =	vst v63  }
0xca: {  	_ =	swait.ge [sflag:s10], $0x4000  }
0xcb: {  	[sflag:s10] =	ssyncset.done $0x0  }
0xcc: {  	s13 =	sadd.s32 $0x300, s3;
	[sflag:s10] =	ssyncadd.s32 $0xFFFFC000  }
0xcd: {  	[spmem:s1] =	stream.indirect.scatter.add.f32 [tilespmem:s8], [sflag:$0x3], $0x80, s13, s11, $0xb8;
	[tilespmem:$0x9C40] =	vst v63  }
0xce: {  	_ =	swait.ge [sflag:s5], $0x4000  }
0xcf: {  	[sflag:s5] =	ssyncset.done $0x0  }
0xd0: {  	s14 =	sadd.s32 $0x4000, s24;
	[sflag:s5] =	ssyncadd.s32 $0xFFFFC000  }
0xd1: {  	[tilespmem:s8], [sflag:$0x1] =	stream.linear.gather [hbm4b:s14+s2], $0x4000, $0x38;
	[tilespmem:$0x9C40] =	vst v63  }
0xd2: {  	_ =	swait.ge [sflag:s12], $0x4000  }
0xd3: {  	[sflag:s12] =	ssyncset.done $0x0  }
0xd4: {  	s15 =	sadd.s32 $0x380, s3;
	[sflag:s12] =	ssyncadd.s32 $0xFFFFC000  }
0xd5: {  	[spmem:s1] =	stream.indirect.scatter.add.f32 [tilespmem:s9], [sflag:$0x3], $0x80, s15, s11, $0xb8;
	[tilespmem:$0x9C40] =	vst v63  }
0xd6: {  	_ =	swait.ge [sflag:s5], $0x4000  }
0xd7: {  	[sflag:s5] =	ssyncset.done $0x0  }
0xd8: {  	s16 =	sadd.s32 $0x4800, s24;
	[sflag:s5] =	ssyncadd.s32 $0xFFFFC000  }
0xd9: {  	[tilespmem:s9], [sflag:$0x2] =	stream.linear.gather [hbm4b:s16+s2], $0x4000, $0x38;
	[tilespmem:$0x9C40] =	vst v63  }
0xda: {  	_ =	swait.ge [sflag:s10], $0x4000  }
0xdb: {  	[sflag:s10] =	ssyncset.done $0x0  }
0xdc: {  	s17 =	sor.u32 $0x400, s3;
	[sflag:s10] =	ssyncadd.s32 $0xFFFFC000  }
0xdd: {  	[spmem:s1] =	stream.indirect.scatter.add.f32 [tilespmem:s8], [sflag:$0x3], $0x80, s17, s11, $0xb8;
	[tilespmem:$0x9C40] =	vst v63  }
0xde: {  	_ =	swait.ge [sflag:s5], $0x4000  }
0xdf: {  	[sflag:s5] =	ssyncset.done $0x0  }
0xe0: {  	s18 =	sadd.s32 $0x5000, s24;
	[sflag:s5] =	ssyncadd.s32 $0xFFFFC000  }
0xe1: {  	[tilespmem:s8], [sflag:$0x1] =	stream.linear.gather [hbm4b:s18+s2], $0x4000, $0x38;
	[tilespmem:$0x9C40] =	vst v63  }
0xe2: {  	_ =	swait.ge [sflag:s12], $0x4000  }
0xe3: {  	[sflag:s12] =	ssyncset.done $0x0  }
0xe4: {  	s19 =	sor.u32 $0x480, s3;
	[sflag:s12] =	ssyncadd.s32 $0xFFFFC000  }
0xe5: {  	[spmem:s1] =	stream.indirect.scatter.add.f32 [tilespmem:s9], [sflag:$0x3], $0x80, s19, s11, $0xb8;
	[tilespmem:$0x9C40] =	vst v63  }
0xe6: {  	_ =	swait.ge [sflag:s5], $0x4000  }
0xe7: {  	[sflag:s5] =	ssyncset.done $0x0  }
0xe8: {  	s20 =	sadd.s32 $0x5800, s24;
	[sflag:s5] =	ssyncadd.s32 $0xFFFFC000  }
0xe9: {  	[tilespmem:s9], [sflag:$0x2] =	stream.linear.gather [hbm4b:s20+s2], $0x4000, $0x38;
	[tilespmem:$0x9C40] =	vst v63  }
0xea: {  	_ =	swait.ge [sflag:s10], $0x4000  }
0xeb: {  	[sflag:s10] =	ssyncset.done $0x0  }
0xec: {  	s21 =	sadd.s32 $0x500, s3;
	[sflag:s10] =	ssyncadd.s32 $0xFFFFC000  }
0xed: {  	[spmem:s1] =	stream.indirect.scatter.add.f32 [tilespmem:s8], [sflag:$0x3], $0x80, s21, s11, $0xb8;
	[tilespmem:$0x9C40] =	vst v63  }
0xee: {  	_ =	swait.ge [sflag:s5], $0x4000  }
0xef: {  	[sflag:s5] =	ssyncset.done $0x0  }
0xf0: {  	s22 =	sadd.s32 $0x6000, s24;
	[sflag:s5] =	ssyncadd.s32 $0xFFFFC000  }
0xf1: {  	[tilespmem:s8], [sflag:$0x1] =	stream.linear.gather [hbm4b:s22+s2], $0x4000, $0x38;
	[tilespmem:$0x9C40] =	vst v63  }
0xf2: {  	_ =	swait.ge [sflag:s12], $0x4000  }
0xf3: {  	[sflag:s12] =	ssyncset.done $0x0  }
0xf4: {  	s23 =	sadd.s32 $0x580, s3;
	[sflag:s12] =	ssyncadd.s32 $0xFFFFC000  }
0xf5: {  	[spmem:s1] =	stream.indirect.scatter.add.f32 [tilespmem:s9], [sflag:$0x3], $0x80, s23, s11, $0xb8;
	[tilespmem:$0x9C40] =	vst v63  }
0xf6: {  	_ =	swait.ge [sflag:s5], $0x4000  }
0xf7: {  	[sflag:s5] =	ssyncset.done $0x0  }
0xf8: {  	s24 =	sadd.s32 $0x6800, s24;
	[sflag:s5] =	ssyncadd.s32 $0xFFFFC000  }
0xf9: {  	[tilespmem:s9], [sflag:$0x2] =	stream.linear.gather [hbm4b:s24+s2], $0x4000, $0x38;
	[tilespmem:$0x9C40] =	vst v63  }
0xfa: {  	_ =	swait.ge [sflag:s10], $0x4000  }
0xfb: {  	[sflag:s10] =	ssyncset.done $0x0  }
0xfc: {  	s25 =	sadd.s32 $0x600, s3;
	[sflag:s10] =	ssyncadd.s32 $0xFFFFC000  }
0xfd: {  	[spmem:s1] =	stream.indirect.scatter.add.f32 [tilespmem:s8], [sflag:$0x3], $0x80, s25, s11, $0xb8;
	[tilespmem:$0x9C40] =	vst v63  }
0xfe: {  	_ =	swait.ge [sflag:s5], $0x4000  }
0xff: {  	[sflag:s5] =	ssyncset.done $0x0  }
0x100: {  	s30 =	ssub.s32 $0x2, s29;
	[sflag:s5] =	ssyncadd.s32 $0xFFFFC000  }
0x101: {  	s29 =	sshll.u32 s29, $0xC;
	s31 =	sshrl.u32 s30, $0x1;
	_ =	swait.ge [sflag:s12], $0x4000  }
0x102: {  	s30 =	ssub.s32 s30, s31;
	s28 =	sadd.s32 s29, s28;
	[sflag:s12] =	ssyncset.done $0x0  }
0x103: {  	s29 =	smax.u32 s30, $0x1;
	s26 =	sadd.s32 $0x680, s3;
	[sflag:s12] =	ssyncadd.s32 $0xFFFFC000  }
0x104: {  	[spmem:s1] =	stream.indirect.scatter.add.f32 [tilespmem:s9], [sflag:$0x3], $0x80, s26, s11, $0xb8;
	[tilespmem:$0x9C40] =	vst v63  }
0x105: {  	s29 =	sadd.s32 $0xFFFFFFFF, s29;
	_ =	swait.ge [sflag:s5], $0x4000  }
0x106: {  	p1 =	sne.s32 s29, $0x0;
	[sflag:s5] =	ssyncset.done $0x0  }
.Ltmp0:
0x107: {  	s31 =	simm.s32 @!p0 $0x1C03;
	[sflag:s5] =	ssyncadd.s32 $0xFFFFC000;
	(pc) =	sbr.rel @!p1 .LBB2_2-.Ltmp0, $4  }
0x108: {  	s30 =	sshrl.u32 @!p0 s1, $0x3;
	s28 =	sadd.s32 $0x5200, s28;
	[bflag:$0x0] =	sbarrier.arrive $0xFFFF  }
0x109: {  	[hbm:s28], [sflag:s31] =	dma.local @!p0 [spmem:s30], $0x1000  }
0x10a: {  	_ =	swait.ge @!p0 [sflag:s6], $0x1000  }
0x10b: {  	[sflag:s6] =	ssyncset.done @!p0 $0x0  }
.LBB2_1:
0x10c: {  	[sflag:s6] =	ssyncadd.s32 @!p0 $0xFFFFF000  }
0x10d: {  	[tilespmem:$0x8C00] =	vst v0  }
0x10e: {  	[tilespmem:$0x93F0] =	vst v0  }
0x10f: {  	[tilespmem:$0x93E0] =	vst v0  }
0x110: {  	[tilespmem:$0x93D0] =	vst v0  }
0x111: {  	[tilespmem:$0x93C0] =	vst v0  }
0x112: {  	[tilespmem:$0x93B0] =	vst v0  }
0x113: {  	[tilespmem:$0x93A0] =	vst v0  }
0x114: {  	[tilespmem:$0x9390] =	vst v0  }
0x115: {  	[tilespmem:$0x9380] =	vst v0  }
0x116: {  	[tilespmem:$0x9370] =	vst v0  }
0x117: {  	[tilespmem:$0x9360] =	vst v0  }
0x118: {  	[tilespmem:$0x9350] =	vst v0  }
0x119: {  	[tilespmem:$0x9340] =	vst v0  }
0x11a: {  	[tilespmem:$0x9330] =	vst v0  }
0x11b: {  	[tilespmem:$0x9320] =	vst v0  }
0x11c: {  	[tilespmem:$0x9310] =	vst v0  }
0x11d: {  	[tilespmem:$0x9300] =	vst v0  }
0x11e: {  	[tilespmem:$0x92F0] =	vst v0  }
0x11f: {  	[tilespmem:$0x92E0] =	vst v0  }
0x120: {  	[tilespmem:$0x92D0] =	vst v0  }
0x121: {  	[tilespmem:$0x92C0] =	vst v0  }
0x122: {  	[tilespmem:$0x92B0] =	vst v0  }
0x123: {  	[tilespmem:$0x92A0] =	vst v0  }
0x124: {  	[tilespmem:$0x9290] =	vst v0  }
0x125: {  	[tilespmem:$0x9280] =	vst v0  }
0x126: {  	[tilespmem:$0x9270] =	vst v0  }
0x127: {  	[tilespmem:$0x9260] =	vst v0  }
0x128: {  	[tilespmem:$0x9250] =	vst v0  }
0x129: {  	[tilespmem:$0x9240] =	vst v0  }
0x12a: {  	[tilespmem:$0x9230] =	vst v0  }
0x12b: {  	[tilespmem:$0x9220] =	vst v0  }
0x12c: {  	[tilespmem:$0x9210] =	vst v0  }
0x12d: {  	[tilespmem:$0x9200] =	vst v0  }
0x12e: {  	[tilespmem:$0x91F0] =	vst v0  }
0x12f: {  	[tilespmem:$0x91E0] =	vst v0  }
0x130: {  	[tilespmem:$0x91D0] =	vst v0  }
0x131: {  	[tilespmem:$0x91C0] =	vst v0  }
0x132: {  	[tilespmem:$0x91B0] =	vst v0  }
0x133: {  	[tilespmem:$0x91A0] =	vst v0  }
0x134: {  	[tilespmem:$0x9190] =	vst v0  }
0x135: {  	[tilespmem:$0x9180] =	vst v0  }
0x136: {  	[tilespmem:$0x9170] =	vst v0  }
0x137: {  	[tilespmem:$0x9160] =	vst v0  }
0x138: {  	[tilespmem:$0x9150] =	vst v0  }
0x139: {  	[tilespmem:$0x9140] =	vst v0  }
0x13a: {  	[tilespmem:$0x9130] =	vst v0  }
0x13b: {  	[tilespmem:$0x9120] =	vst v0  }
0x13c: {  	[tilespmem:$0x9110] =	vst v0  }
0x13d: {  	[tilespmem:$0x9100] =	vst v0  }
0x13e: {  	[tilespmem:$0x90F0] =	vst v0  }
0x13f: {  	[tilespmem:$0x90E0] =	vst v0  }
0x140: {  	[tilespmem:$0x90D0] =	vst v0  }
0x141: {  	[tilespmem:$0x90C0] =	vst v0  }
0x142: {  	[tilespmem:$0x90B0] =	vst v0  }
0x143: {  	[tilespmem:$0x90A0] =	vst v0  }
0x144: {  	[tilespmem:$0x9090] =	vst v0  }
0x145: {  	[tilespmem:$0x9080] =	vst v0  }
0x146: {  	[tilespmem:$0x9070] =	vst v0  }
0x147: {  	[tilespmem:$0x9060] =	vst v0  }
0x148: {  	[tilespmem:$0x9050] =	vst v0  }
0x149: {  	[tilespmem:$0x9040] =	vst v0  }
0x14a: {  	[tilespmem:$0x9030] =	vst v0  }
0x14b: {  	[tilespmem:$0x9020] =	vst v0  }
0x14c: {  	[tilespmem:$0x9010] =	vst v0  }
0x14d: {  	[tilespmem:$0x9000] =	vst v0  }
0x14e: {  	[tilespmem:$0x8FF0] =	vst v0  }
0x14f: {  	[tilespmem:$0x8FE0] =	vst v0  }
0x150: {  	[tilespmem:$0x8FD0] =	vst v0  }
0x151: {  	[tilespmem:$0x8FC0] =	vst v0  }
0x152: {  	[tilespmem:$0x8FB0] =	vst v0  }
0x153: {  	[tilespmem:$0x8FA0] =	vst v0  }
0x154: {  	[tilespmem:$0x8F90] =	vst v0  }
0x155: {  	[tilespmem:$0x8F80] =	vst v0  }
0x156: {  	[tilespmem:$0x8F70] =	vst v0  }
0x157: {  	[tilespmem:$0x8F60] =	vst v0  }
0x158: {  	[tilespmem:$0x8F50] =	vst v0  }
0x159: {  	[tilespmem:$0x8F40] =	vst v0  }
0x15a: {  	[tilespmem:$0x8F30] =	vst v0  }
0x15b: {  	[tilespmem:$0x8F20] =	vst v0  }
0x15c: {  	[tilespmem:$0x8F10] =	vst v0  }
0x15d: {  	[tilespmem:$0x8F00] =	vst v0  }
0x15e: {  	[tilespmem:$0x8EF0] =	vst v0  }
0x15f: {  	[tilespmem:$0x8EE0] =	vst v0  }
0x160: {  	[tilespmem:$0x8ED0] =	vst v0  }
0x161: {  	[tilespmem:$0x8EC0] =	vst v0  }
0x162: {  	[tilespmem:$0x8EB0] =	vst v0  }
0x163: {  	[tilespmem:$0x8EA0] =	vst v0  }
0x164: {  	[tilespmem:$0x8E90] =	vst v0  }
0x165: {  	[tilespmem:$0x8E80] =	vst v0  }
0x166: {  	[tilespmem:$0x8E70] =	vst v0  }
0x167: {  	[tilespmem:$0x8E60] =	vst v0  }
0x168: {  	[tilespmem:$0x8E50] =	vst v0  }
0x169: {  	[tilespmem:$0x8E40] =	vst v0  }
0x16a: {  	[tilespmem:$0x8E30] =	vst v0  }
0x16b: {  	[tilespmem:$0x8E20] =	vst v0  }
0x16c: {  	[tilespmem:$0x8E10] =	vst v0  }
0x16d: {  	[tilespmem:$0x8E00] =	vst v0  }
0x16e: {  	[tilespmem:$0x8DF0] =	vst v0  }
0x16f: {  	[tilespmem:$0x8DE0] =	vst v0  }
0x170: {  	[tilespmem:$0x8DD0] =	vst v0  }
0x171: {  	[tilespmem:$0x8DC0] =	vst v0  }
0x172: {  	[tilespmem:$0x8DB0] =	vst v0  }
0x173: {  	[tilespmem:$0x8DA0] =	vst v0  }
0x174: {  	[tilespmem:$0x8D90] =	vst v0  }
0x175: {  	[tilespmem:$0x8D80] =	vst v0  }
0x176: {  	[tilespmem:$0x8D70] =	vst v0  }
0x177: {  	[tilespmem:$0x8D60] =	vst v0  }
0x178: {  	[tilespmem:$0x8D50] =	vst v0  }
0x179: {  	[tilespmem:$0x8D40] =	vst v0  }
0x17a: {  	[tilespmem:$0x8D30] =	vst v0  }
0x17b: {  	[tilespmem:$0x8D20] =	vst v0  }
0x17c: {  	[tilespmem:$0x8D10] =	vst v0  }
0x17d: {  	[tilespmem:$0x8D00] =	vst v0  }
0x17e: {  	[tilespmem:$0x8CF0] =	vst v0  }
0x17f: {  	[tilespmem:$0x8CE0] =	vst v0  }
0x180: {  	[tilespmem:$0x8CD0] =	vst v0  }
0x181: {  	[tilespmem:$0x8CC0] =	vst v0  }
0x182: {  	[tilespmem:$0x8CB0] =	vst v0  }
0x183: {  	[tilespmem:$0x8CA0] =	vst v0  }
0x184: {  	[tilespmem:$0x8C90] =	vst v0  }
0x185: {  	[tilespmem:$0x8C80] =	vst v0  }
0x186: {  	[tilespmem:$0x8C70] =	vst v0  }
0x187: {  	[tilespmem:$0x8C60] =	vst v0  }
0x188: {  	[tilespmem:$0x8C50] =	vst v0  }
0x189: {  	[tilespmem:$0x8C40] =	vst v0  }
0x18a: {  	[tilespmem:$0x8C30] =	vst v0  }
0x18b: {  	[tilespmem:$0x8C20] =	vst v0  }
0x18c: {  	s0 =	rddreg [dreg:$0x4];
	s4 =	simm.s32 $0x8C00;
	[tilespmem:$0x8C10] =	vst v0  }
0x18d: {  	[spmem:s0] =	stream.linear.scatter [tilespmem:s4], [sflag:$0x3], $0x800, $0x38;
	[tilespmem:$0x9C40] =	vst v63  }
0x18e: {  	_ =	swait.ge [sflag:s5], $0x800  }
0x18f: {  	[sflag:s5] =	ssyncset.done $0x0  }
0x190: {  	s0 =	rddreg [dreg:$0x5];
	[sflag:s5] =	ssyncadd.s32 $0xFFFFF800  }
0x191: {  	[spmem:s0] =	stream.linear.scatter @!p0 [tilespmem:s7], [sflag:$0x3], $0x400, $0x38;
	[tilespmem:$0x9C40] =	vst v63  }
0x192: {  	_ =	swait.ge @!p0 [sflag:s6], $0x400  }
0x193: {  	[sflag:s6] =	ssyncset.done @!p0 $0x0  }
0x194: {  	s4 =	rddreg [dreg:$0x6];
	[sflag:s6] =	ssyncadd.s32 @!p0 $0xFFFFFC00  }
0x195: {  	[tilespmem:s2], [sflag:$0x3] =	stream.linear.gather [hbm4b:s4+s2], $0xC00, $0x38;
	[tilespmem:$0x9C40] =	vst v63  }
0x196: {  	_ =	swait.ge [sflag:s5], $0xC00  }
0x197: {  	[sflag:s5] =	ssyncset.done $0x0  }
0x198: {  	[sflag:s5] =	ssyncadd.s32 $0xFFFFF400  }
0x199: {  	[bflag:$0x0] =	sbarrier.arrive $0xFFFF  }
0x19a: {  	s0 =	rddreg [dreg:$0x7]  }
0x19b: {  	[tilespmem:s8], [sflag:$0x1] =	stream.linear.gather [hbm4b:s0+s2], $0x4000, $0x38;
	[tilespmem:$0x9C40] =	vst v63  }
0x19c: {  	s4 =	rddreg [dreg:$0x8]  }
0x19d: {  	[tilespmem:s9], [sflag:$0x2] =	stream.linear.gather [hbm4b:s4+s2], $0x4000, $0x38;
	[tilespmem:$0x9C40] =	vst v63  }
0x19e: {  	_ =	swait.ge [sflag:s10], $0x4000  }
0x19f: {  	[sflag:s10] =	ssyncset.done $0x0  }
0x1a0: {  	[sflag:s10] =	ssyncadd.s32 $0xFFFFC000  }
0x1a1: {  	[spmem:s1] =	stream.indirect.scatter.add.f32 [tilespmem:s8], [sflag:$0x3], $0x80, s3, s11, $0xb8;
	[tilespmem:$0x9C40] =	vst v63  }
0x1a2: {  	_ =	swait.ge [sflag:s5], $0x4000  }
0x1a3: {  	[sflag:s5] =	ssyncset.done $0x0  }
0x1a4: {  	s4 =	rddreg [dreg:$0x9];
	[sflag:s5] =	ssyncadd.s32 $0xFFFFC000  }
0x1a5: {  	[tilespmem:s8], [sflag:$0x1] =	stream.linear.gather [hbm4b:s4+s2], $0x4000, $0x38;
	[tilespmem:$0x9C40] =	vst v63  }
0x1a6: {  	_ =	swait.ge [sflag:s12], $0x4000  }
0x1a7: {  	[sflag:s12] =	ssyncset.done $0x0  }
0x1a8: {  	s4 =	rddreg [dreg:$0xa];
	[sflag:s12] =	ssyncadd.s32 $0xFFFFC000  }
0x1a9: {  	[spmem:s1] =	stream.indirect.scatter.add.f32 [tilespmem:s9], [sflag:$0x3], $0x80, s4, s11, $0xb8;
	[tilespmem:$0x9C40] =	vst v63  }
0x1aa: {  	_ =	swait.ge [sflag:s5], $0x4000  }
0x1ab: {  	[sflag:s5] =	ssyncset.done $0x0  }
0x1ac: {  	s4 =	rddreg [dreg:$0xb];
	[sflag:s5] =	ssyncadd.s32 $0xFFFFC000  }
0x1ad: {  	[tilespmem:s9], [sflag:$0x2] =	stream.linear.gather [hbm4b:s4+s2], $0x4000, $0x38;
	[tilespmem:$0x9C40] =	vst v63  }
0x1ae: {  	_ =	swait.ge [sflag:s10], $0x4000  }
0x1af: {  	[sflag:s10] =	ssyncset.done $0x0  }
0x1b0: {  	s4 =	rddreg [dreg:$0xc];
	[sflag:s10] =	ssyncadd.s32 $0xFFFFC000  }
0x1b1: {  	[spmem:s1] =	stream.indirect.scatter.add.f32 [tilespmem:s8], [sflag:$0x3], $0x80, s4, s11, $0xb8;
	[tilespmem:$0x9C40] =	vst v63  }
0x1b2: {  	_ =	swait.ge [sflag:s5], $0x4000  }
0x1b3: {  	[sflag:s5] =	ssyncset.done $0x0  }
0x1b4: {  	s4 =	rddreg [dreg:$0xd];
	[sflag:s5] =	ssyncadd.s32 $0xFFFFC000  }
0x1b5: {  	[tilespmem:s8], [sflag:$0x1] =	stream.linear.gather [hbm4b:s4+s2], $0x4000, $0x38;
	[tilespmem:$0x9C40] =	vst v63  }
0x1b6: {  	_ =	swait.ge [sflag:s12], $0x4000  }
0x1b7: {  	[sflag:s12] =	ssyncset.done $0x0  }
0x1b8: {  	s4 =	rddreg [dreg:$0xe];
	[sflag:s12] =	ssyncadd.s32 $0xFFFFC000  }
0x1b9: {  	[spmem:s1] =	stream.indirect.scatter.add.f32 [tilespmem:s9], [sflag:$0x3], $0x80, s4, s11, $0xb8;
	[tilespmem:$0x9C40] =	vst v63  }
0x1ba: {  	_ =	swait.ge [sflag:s5], $0x4000  }
0x1bb: {  	[sflag:s5] =	ssyncset.done $0x0  }
0x1bc: {  	s4 =	rddreg [dreg:$0xf];
	[sflag:s5] =	ssyncadd.s32 $0xFFFFC000  }
0x1bd: {  	[tilespmem:s9], [sflag:$0x2] =	stream.linear.gather [hbm4b:s4+s2], $0x4000, $0x38;
	[tilespmem:$0x9C40] =	vst v63  }
0x1be: {  	_ =	swait.ge [sflag:s10], $0x4000  }
0x1bf: {  	[sflag:s10] =	ssyncset.done $0x0  }
0x1c0: {  	s4 =	rddreg [dreg:$0x10];
	[sflag:s10] =	ssyncadd.s32 $0xFFFFC000  }
0x1c1: {  	[spmem:s1] =	stream.indirect.scatter.add.f32 [tilespmem:s8], [sflag:$0x3], $0x80, s4, s11, $0xb8;
	[tilespmem:$0x9C40] =	vst v63  }
0x1c2: {  	_ =	swait.ge [sflag:s5], $0x4000  }
0x1c3: {  	[sflag:s5] =	ssyncset.done $0x0  }
0x1c4: {  	s4 =	rddreg [dreg:$0x11];
	[sflag:s5] =	ssyncadd.s32 $0xFFFFC000  }
0x1c5: {  	[tilespmem:s8], [sflag:$0x1] =	stream.linear.gather [hbm4b:s4+s2], $0x4000, $0x38;
	[tilespmem:$0x9C40] =	vst v63  }
0x1c6: {  	_ =	swait.ge [sflag:s12], $0x4000  }
0x1c7: {  	[sflag:s12] =	ssyncset.done $0x0  }
0x1c8: {  	s4 =	rddreg [dreg:$0x12];
	[sflag:s12] =	ssyncadd.s32 $0xFFFFC000  }
0x1c9: {  	[spmem:s1] =	stream.indirect.scatter.add.f32 [tilespmem:s9], [sflag:$0x3], $0x80, s4, s11, $0xb8;
	[tilespmem:$0x9C40] =	vst v63  }
0x1ca: {  	_ =	swait.ge [sflag:s5], $0x4000  }
0x1cb: {  	[sflag:s5] =	ssyncset.done $0x0  }
0x1cc: {  	s4 =	rddreg [dreg:$0x13];
	[sflag:s5] =	ssyncadd.s32 $0xFFFFC000  }
0x1cd: {  	[tilespmem:s9], [sflag:$0x2] =	stream.linear.gather [hbm4b:s4+s2], $0x4000, $0x38;
	[tilespmem:$0x9C40] =	vst v63  }
0x1ce: {  	_ =	swait.ge [sflag:s10], $0x4000  }
0x1cf: {  	[sflag:s10] =	ssyncset.done $0x0  }
0x1d0: {  	[sflag:s10] =	ssyncadd.s32 $0xFFFFC000  }
0x1d1: {  	[spmem:s1] =	stream.indirect.scatter.add.f32 [tilespmem:s8], [sflag:$0x3], $0x80, s13, s11, $0xb8;
	[tilespmem:$0x9C40] =	vst v63  }
0x1d2: {  	_ =	swait.ge [sflag:s5], $0x4000  }
0x1d3: {  	[sflag:s5] =	ssyncset.done $0x0  }
0x1d4: {  	[sflag:s5] =	ssyncadd.s32 $0xFFFFC000  }
0x1d5: {  	[tilespmem:s8], [sflag:$0x1] =	stream.linear.gather [hbm4b:s14+s2], $0x4000, $0x38;
	[tilespmem:$0x9C40] =	vst v63  }
0x1d6: {  	_ =	swait.ge [sflag:s12], $0x4000  }
0x1d7: {  	[sflag:s12] =	ssyncset.done $0x0  }
0x1d8: {  	[sflag:s12] =	ssyncadd.s32 $0xFFFFC000  }
0x1d9: {  	[spmem:s1] =	stream.indirect.scatter.add.f32 [tilespmem:s9], [sflag:$0x3], $0x80, s15, s11, $0xb8;
	[tilespmem:$0x9C40] =	vst v63  }
0x1da: {  	_ =	swait.ge [sflag:s5], $0x4000  }
0x1db: {  	[sflag:s5] =	ssyncset.done $0x0  }
0x1dc: {  	[sflag:s5] =	ssyncadd.s32 $0xFFFFC000  }
0x1dd: {  	[tilespmem:s9], [sflag:$0x2] =	stream.linear.gather [hbm4b:s16+s2], $0x4000, $0x38;
	[tilespmem:$0x9C40] =	vst v63  }
0x1de: {  	_ =	swait.ge [sflag:s10], $0x4000  }
0x1df: {  	[sflag:s10] =	ssyncset.done $0x0  }
0x1e0: {  	[sflag:s10] =	ssyncadd.s32 $0xFFFFC000  }
0x1e1: {  	[spmem:s1] =	stream.indirect.scatter.add.f32 [tilespmem:s8], [sflag:$0x3], $0x80, s17, s11, $0xb8;
	[tilespmem:$0x9C40] =	vst v63  }
0x1e2: {  	_ =	swait.ge [sflag:s5], $0x4000  }
0x1e3: {  	[sflag:s5] =	ssyncset.done $0x0  }
0x1e4: {  	[sflag:s5] =	ssyncadd.s32 $0xFFFFC000  }
0x1e5: {  	[tilespmem:s8], [sflag:$0x1] =	stream.linear.gather [hbm4b:s18+s2], $0x4000, $0x38;
	[tilespmem:$0x9C40] =	vst v63  }
0x1e6: {  	_ =	swait.ge [sflag:s12], $0x4000  }
0x1e7: {  	[sflag:s12] =	ssyncset.done $0x0  }
0x1e8: {  	[sflag:s12] =	ssyncadd.s32 $0xFFFFC000  }
0x1e9: {  	[spmem:s1] =	stream.indirect.scatter.add.f32 [tilespmem:s9], [sflag:$0x3], $0x80, s19, s11, $0xb8;
	[tilespmem:$0x9C40] =	vst v63  }
0x1ea: {  	_ =	swait.ge [sflag:s5], $0x4000  }
0x1eb: {  	[sflag:s5] =	ssyncset.done $0x0  }
0x1ec: {  	[sflag:s5] =	ssyncadd.s32 $0xFFFFC000  }
0x1ed: {  	[tilespmem:s9], [sflag:$0x2] =	stream.linear.gather [hbm4b:s20+s2], $0x4000, $0x38;
	[tilespmem:$0x9C40] =	vst v63  }
0x1ee: {  	_ =	swait.ge [sflag:s10], $0x4000  }
0x1ef: {  	[sflag:s10] =	ssyncset.done $0x0  }
0x1f0: {  	[sflag:s10] =	ssyncadd.s32 $0xFFFFC000  }
0x1f1: {  	[spmem:s1] =	stream.indirect.scatter.add.f32 [tilespmem:s8], [sflag:$0x3], $0x80, s21, s11, $0xb8;
	[tilespmem:$0x9C40] =	vst v63  }
0x1f2: {  	_ =	swait.ge [sflag:s5], $0x4000  }
0x1f3: {  	[sflag:s5] =	ssyncset.done $0x0  }
0x1f4: {  	[sflag:s5] =	ssyncadd.s32 $0xFFFFC000  }
0x1f5: {  	[tilespmem:s8], [sflag:$0x1] =	stream.linear.gather [hbm4b:s22+s2], $0x4000, $0x38;
	[tilespmem:$0x9C40] =	vst v63  }
0x1f6: {  	_ =	swait.ge [sflag:s12], $0x4000  }
0x1f7: {  	[sflag:s12] =	ssyncset.done $0x0  }
0x1f8: {  	[sflag:s12] =	ssyncadd.s32 $0xFFFFC000  }
0x1f9: {  	[spmem:s1] =	stream.indirect.scatter.add.f32 [tilespmem:s9], [sflag:$0x3], $0x80, s23, s11, $0xb8;
	[tilespmem:$0x9C40] =	vst v63  }
0x1fa: {  	_ =	swait.ge [sflag:s5], $0x4000  }
0x1fb: {  	[sflag:s5] =	ssyncset.done $0x0  }
0x1fc: {  	[sflag:s5] =	ssyncadd.s32 $0xFFFFC000  }
0x1fd: {  	[tilespmem:s9], [sflag:$0x2] =	stream.linear.gather [hbm4b:s24+s2], $0x4000, $0x38;
	[tilespmem:$0x9C40] =	vst v63  }
0x1fe: {  	_ =	swait.ge [sflag:s10], $0x4000  }
0x1ff: {  	[sflag:s10] =	ssyncset.done $0x0  }
0x200: {  	[sflag:s10] =	ssyncadd.s32 $0xFFFFC000  }
0x201: {  	[spmem:s1] =	stream.indirect.scatter.add.f32 [tilespmem:s8], [sflag:$0x3], $0x80, s25, s11, $0xb8;
	[tilespmem:$0x9C40] =	vst v63  }
0x202: {  	_ =	swait.ge [sflag:s5], $0x4000  }
0x203: {  	[sflag:s5] =	ssyncset.done $0x0  }
0x204: {  	[sflag:s5] =	ssyncadd.s32 $0xFFFFC000  }
0x205: {  	_ =	swait.ge [sflag:s12], $0x4000  }
0x206: {  	[sflag:s12] =	ssyncset.done $0x0  }
0x207: {  	[sflag:s12] =	ssyncadd.s32 $0xFFFFC000  }
0x208: {  	[spmem:s1] =	stream.indirect.scatter.add.f32 [tilespmem:s9], [sflag:$0x3], $0x80, s26, s11, $0xb8;
	[tilespmem:$0x9C40] =	vst v63  }
0x209: {  	s29 =	sadd.s32 $0xFFFFFFFF, s29;
	_ =	swait.ge [sflag:s5], $0x4000  }
0x20a: {  	p1 =	sne.s32 s29, $0x0;
	[sflag:s5] =	ssyncset.done $0x0  }
.Ltmp1:
0x20b: {  	[sflag:s5] =	ssyncadd.s32 $0xFFFFC000;
	(pc) =	sbr.rel @p1 .LBB2_1-.Ltmp1, $4  }
0x20c: {  	[bflag:$0x0] =	sbarrier.arrive $0xFFFF  }
0x20d: {  	[hbm:s28], [sflag:s31] =	dma.local @!p0 [spmem:s30], $0x1000  }
0x20e: {  	_ =	swait.ge @!p0 [sflag:s6], $0x1000  }
0x20f: {  	[sflag:s6] =	ssyncset.done @!p0 $0x0  }
.LBB2_2:
0x210: {  	[sflag:s6] =	ssyncadd.s32 @!p0 $0xFFFFF000  }
0x211: {  	_ =	sfence.sel $0x180000  }
0x212: {  	[bflag:$0x0] =	sbarrier.arrive $0xFFFF  }
0x213: {  	_ =	strace $0x90000047  }
0x214: {  	[bflag:$0x2] =	sbarrier.arrive $0xFFFF  }
0x215: {  	s0 =	rddreg [dreg:$0x3]  }
0x216: {  	s0 =	sadd.s32 @!p0 $0x100000, s0  }
0x217: {  	[sflag:s0] =	ssyncadd.tile.s32 @!p0 $0x1;
	_ =	shalt  }
.Lfunc_end2:
_tile_overlayer_lowered:
.L_overlay_start_2:
0x218: {  	(tag) =	ssettag $0x2  }
0x219: {  	s0 =	rddreg [dreg:$0x0];
	s2 =	stileid.u32  }
0x21a: {  	s1 =	rddreg [dreg:$0x1];
	p0 =	sne.s32 s2, $0x0  }
0x21b: {  	s3 =	rddreg [dreg:$0x2];
	[bflag:$0x3] =	sbarrier.arrive $0xFFFF;
	s2 =	simm.s32 @!p0 $0x1C03  }
0x21c: {  	[timem:s3], [sflag:s2] =	dma.local @!p0 [hbm:s0], s1  }
0x21d: {  	s0 =	simm.s32 @!p0 $0x3  }
0x21e: {  	_ =	swait.ge @!p0 [sflag:s0], s1  }
0x21f: {  	s1 =	ssub.s32 @!p0 $0x0, s1;
	[sflag:s0] =	ssyncset.done @!p0 $0x0  }
0x220: {  	[sflag:s0] =	ssyncadd.s32 @!p0 s1  }
0x221: {  	[bflag:$0x3] =	sbarrier.arrive $0xFFFF  }
0x222: {  	_ =	shalt  }

</sc_bundles>
